<compile_context>
chip_gen: v7x
topology: tpu7x:2x2x1
jax: 0.10.2.dev20260603
libtpu: 0.0.44.dev20260713+nightly
codegen_flags: <defaults>
</compile_context>

<pallas_src>
import functools

import jax
import jax.numpy as jnp
from jax import lax
from jax.experimental import pallas as pl
from jax.experimental.pallas import tpu as pltpu
from jax.experimental.pallas import tpu_sc as plsc

_LANES = 16
_NBUF = 3


def _sc_sum(word_indices, emb_table):
    B, S = word_indices.shape
    _, E = emb_table.shape
    NC, NS = 2, 16
    NW = NC * NS
    R = B // NW
    EV = E // _LANES
    C0 = 104
    C1 = S - C0
    assert C0 % 8 == 0 and C1 <= 128 and S % 8 == 0
    NB = _NBUF
    MAIN = (R // NB) * NB

    mesh = plsc.VectorSubcoreMesh(core_axis_name="c", subcore_axis_name="s")

    @functools.partial(
        pl.kernel,
        out_type=jax.ShapeDtypeStruct((B, E), jnp.float32),
        mesh=mesh,
        compiler_params=pltpu.CompilerParams(
            use_tc_tiling_on_sc=False, needs_layout_passes=False),
        scratch_types=[
            pltpu.VMEM((R, S), jnp.int32),
            pltpu.VMEM((NB, S, E), jnp.float32),
            pltpu.VMEM((R, E), jnp.float32),
        ] + [pltpu.SemaphoreType.DMA] * NB,
    )
    def k(idx_hbm, table_hbm, out_hbm, idx_v, rows_v, sums_v, *sems):
        wid = lax.axis_index("s") * NC + lax.axis_index("c")
        base = wid * R

        pltpu.sync_copy(idx_hbm.at[pl.ds(base, R)], idx_v)

        def gather_row(row, buf):
            sem = sems[buf]
            pltpu.async_copy(
                table_hbm.at[idx_v.at[row, pl.ds(0, C0)]],
                rows_v.at[buf, pl.ds(0, C0), :], sem)
            pltpu.async_copy(
                table_hbm.at[idx_v.at[row, pl.ds(C0, C1)]],
                rows_v.at[buf, pl.ds(C0, C1), :], sem)

        def wait_row(buf):
            sem = sems[buf]
            pltpu.make_async_copy(
                table_hbm.at[idx_v.at[0, pl.ds(0, C0)]],
                rows_v.at[buf, pl.ds(0, C0), :], sem).wait()
            pltpu.make_async_copy(
                table_hbm.at[idx_v.at[0, pl.ds(C0, C1)]],
                rows_v.at[buf, pl.ds(C0, C1), :], sem).wait()

        def accumulate(row, buf):
            def body(t, acc):
                acc = list(acc)
                for j in range(8):
                    s = t * 8 + j
                    for e in range(EV):
                        acc[e] = acc[e] + rows_v[
                            buf, s, pl.ds(e * _LANES, _LANES)]
                return tuple(acc)
            acc = lax.fori_loop(
                0, S // 8, body,
                tuple(jnp.zeros((_LANES,), jnp.float32) for _ in range(EV)))
            for e in range(EV):
                sums_v[row, pl.ds(e * _LANES, _LANES)] = acc[e]

        for b in range(NB):
            gather_row(b, b)

        def outer(g, carry):
            for b in range(NB):
                row = g + b
                wait_row(b)
                accumulate(row, b)
                gather_row(jnp.minimum(row + NB, R - 1), b)
            return carry

        lax.fori_loop(0, MAIN // NB, lambda t, c: outer(t * NB, c), 0)

        for b in range(NB):
            row = MAIN + b
            wait_row(b)
            if row < R:
                accumulate(row, b)

        pltpu.sync_copy(sums_v, out_hbm.at[pl.ds(base, R)])

    return k(word_indices, emb_table)


def _tc_finish(sums, word_indices, emb0, W1, b1, W2, b2):
    B, S = word_indices.shape
    E = sums.shape[1]
    H = W1.shape[1]
    C = W2.shape[1]
    BB = B
    grid = B // BB

    def body(sums_ref, idx_ref, emb0_ref, w1_ref, b1_ref, w2_ref, b2_ref,
             out_ref):
        idx = idx_ref[...]
        cnt = jnp.sum((idx != 0).astype(jnp.float32), axis=1, keepdims=True)
        npad = float(S) - cnt
        summed = sums_ref[...] - npad * emb0_ref[...]
        avg = jnp.where(cnt > 0, summed / jnp.maximum(cnt, 1.0), 0.0)
        hidden = jnp.maximum(
            jnp.dot(avg, w1_ref[...], preferred_element_type=jnp.float32)
            + b1_ref[...], 0.0)
        out_ref[...] = (
            jnp.dot(hidden, w2_ref[...], preferred_element_type=jnp.float32)
            + b2_ref[...])

    return pl.pallas_call(
        body,
        grid=(grid,),
        in_specs=[
            pl.BlockSpec((BB, E), lambda i: (i, 0)),
            pl.BlockSpec((BB, S), lambda i: (i, 0)),
            pl.BlockSpec((1, E), lambda i: (0, 0)),
            pl.BlockSpec((E, H), lambda i: (0, 0)),
            pl.BlockSpec((1, H), lambda i: (0, 0)),
            pl.BlockSpec((H, C), lambda i: (0, 0)),
            pl.BlockSpec((1, C), lambda i: (0, 0)),
        ],
        out_specs=pl.BlockSpec((BB, C), lambda i: (i, 0)),
        out_shape=jax.ShapeDtypeStruct((B, C), jnp.float32),
    )(sums, word_indices, emb0, W1, b1, W2, b2)


def kernel(word_indices, emb_table, W1, b1, W2, b2):
    idx = word_indices.astype(jnp.int32)
    sums = _sc_sum(idx, emb_table)
    return _tc_finish(sums, idx, emb_table[0:1], W1, b1.reshape(1, -1),
                      W2, b2.reshape(1, -1))

# --- scband reference (transcript-rebuilt; emitter-appended) ---
"""Pipeline reference for scband-deep-averaging-network-4982162063980 (READ-ONLY COPY).

The authoritative reference and input builder live on the scoring server;
editing this copy changes nothing except your own understanding.
"""

import jax, jax.numpy as jnp
import numpy as np

BATCH = 4096
SEQ = 200
VOCAB = 100000
EMB = 128
HID = 512
NCLS = 3


def setup_inputs(seed: int = 0) -> dict:
    key = jax.random.key(seed)
    k1, k2, k3, k4 = jax.random.split(key, 4)
    word_indices = jax.random.randint(k1, (BATCH, SEQ), 0, VOCAB, dtype=jnp.int64 if jax.config.jax_enable_x64 else jnp.int32)
    emb_table = jax.random.normal(k2, (VOCAB, EMB), dtype=jnp.float32) * 0.02
    W1 = jax.random.normal(k3, (EMB, HID), dtype=jnp.float32) * 0.05
    b1 = jnp.zeros((HID,), dtype=jnp.float32)
    W2 = jax.random.normal(k4, (HID, NCLS), dtype=jnp.float32) * 0.05
    b2 = jnp.zeros((NCLS,), dtype=jnp.float32)
    return {
        "word_indices": word_indices,
        "emb_table": emb_table,
        "W1": W1,
        "b1": b1,
        "W2": W2,
        "b2": b2,
    }


def reference(word_indices, emb_table, W1, b1, W2, b2):
    # embedding lookup (gather)
    embedded = jnp.take(emb_table, word_indices, axis=0)  # [B, S, E]
    # masked mean over non-pad (index != 0) positions; zeros if all pad
    mask = (word_indices != 0).astype(embedded.dtype)  # [B, S]
    summed = jnp.sum(embedded * mask[..., None], axis=1)  # [B, E]
    cnt = jnp.sum(mask, axis=1, keepdims=True)  # [B, 1]
    avg = jnp.where(cnt > 0, summed / jnp.maximum(cnt, 1.0), 0.0)  # [B, E]
    hidden = jax.nn.relu(avg @ W1 + b1)  # [B, H]
    logits = hidden @ W2 + b2  # [B, C]
    return logits

if __name__ == "__main__":
    import jax
    _d = setup_inputs()
    print(jax.jit(kernel)(*tuple(_d.values())))

</pallas_src>

<mosaic_0001>
#map = affine_map<(d0, d1) -> (0, 0)>
module attributes {stable_mosaic.version = 14 : i64} {
  func.func @k(%arg0: i32, %arg1: i32, %arg2: memref<4096x200xi32, #tpu.memory_space<hbm>>, %arg3: memref<100000x128xf32, #tpu.memory_space<hbm>>, %arg4: memref<4096x128xf32, #tpu.memory_space<hbm>>, %arg5: memref<128x200xi32, #tpu.memory_space<vmem>>, %arg6: memref<3x200x128xf32, #tpu.memory_space<vmem>>, %arg7: memref<128x128xf32, #tpu.memory_space<vmem>>, %arg8: memref<!tpu.dma_semaphore, #tpu.memory_space<semaphore_mem>>, %arg9: memref<!tpu.dma_semaphore, #tpu.memory_space<semaphore_mem>>, %arg10: memref<!tpu.dma_semaphore, #tpu.memory_space<semaphore_mem>>) attributes {dimension_semantics = [#tpu.dimension_semantics<core_parallel>, #tpu.dimension_semantics<subcore_parallel>], iteration_bounds = array<i64: 2, 16>, scalar_prefetch = 0 : i64, scratch_operands = 6 : i64, tpu.core_type = #tpu.core_type<sc_vector_subcore>, window_params = [{transform_indices = #map}, {transform_indices = #map}, {transform_indices = #map}]} {
    %mul3A = arith.constant 2 : i32
    %mul3A_0 = arith.muli %arg1, %mul3A : i32
    %add3A = arith.addi %mul3A_0, %arg0 : i32
    %mul3A_1 = arith.constant 128 : i32
    %mul3A_2 = arith.muli %add3A, %mul3A_1 : i32
    "tpu.region"() ({
      %run_scoped3A = tpu.sem_alloc : memref<!tpu.dma_semaphore, #tpu.memory_space<semaphore_mem>>
      %dma_start3A_256 = arith.constant 0 : i32
      %dma_start3A_257 = tpu.memref_slice %arg2[%mul3A_2, %dma_start3A_256] : memref<4096x200xi32, #tpu.memory_space<hbm>> -> memref<128x200xi32, #tpu.memory_space<hbm>>
      %dma_start3A_258 = arith.constant 0 : i32
      %dma_start3A_259 = tpu.memref_slice %arg2[%mul3A_2, %dma_start3A_258] : memref<4096x200xi32, #tpu.memory_space<hbm>> -> memref<128x200xi32, #tpu.memory_space<hbm>>
      tpu.enqueue_dma source(%dma_start3A_259 : memref<128x200xi32, #tpu.memory_space<hbm>>) target(%arg5 : memref<128x200xi32, #tpu.memory_space<vmem>>) target_semaphore(%run_scoped3A : memref<!tpu.dma_semaphore, #tpu.memory_space<semaphore_mem>>)
      %dma_wait3A_260 = arith.constant 0 : i32
      %dma_wait3A_261 = tpu.memref_slice %arg2[%mul3A_2, %dma_wait3A_260] : memref<4096x200xi32, #tpu.memory_space<hbm>> -> memref<128x200xi32, #tpu.memory_space<hbm>>
      %dma_wait3A_262 = arith.constant 0 : i32
      %dma_wait3A_263 = tpu.memref_slice %arg2[%mul3A_2, %dma_wait3A_262] : memref<4096x200xi32, #tpu.memory_space<hbm>> -> memref<128x200xi32, #tpu.memory_space<hbm>>
      tpu.wait_dma2 semaphore(%run_scoped3A : memref<!tpu.dma_semaphore, #tpu.memory_space<semaphore_mem>>) src(%dma_wait3A_263 : memref<128x200xi32, #tpu.memory_space<hbm>>) dst(%arg5 : memref<128x200xi32, #tpu.memory_space<vmem>>)
      tpu.yield
    }) : () -> ()
    %dma_start3A = arith.constant 0 : i32
    %dma_start3A_3 = arith.constant 0 : i32
    %dma_start3A_4 = arith.constant 0 : i32
    %dma_start3A_5 = arith.constant 0 : i32
    %dma_start3A_6 = tpu.memref_slice %arg6[%dma_start3A_3, %dma_start3A_4, %dma_start3A_5] : memref<3x200x128xf32, #tpu.memory_space<vmem>> -> memref<1x104x128xf32, #tpu.memory_space<vmem>>
    %dma_start3A_7 = tpu.memref_squeeze %dma_start3A_6 : memref<1x104x128xf32, #tpu.memory_space<vmem>> -> memref<104x128xf32, #tpu.memory_space<vmem>>
    %dma_start3A_8 = arith.constant 0 : i32
    %dma_start3A_9 = tpu.memref_slice %arg5[%dma_start3A, %dma_start3A_8] : memref<128x200xi32, #tpu.memory_space<vmem>> -> memref<1x104xi32, #tpu.memory_space<vmem>>
    %dma_start3A_10 = tpu.memref_squeeze %dma_start3A_9 : memref<1x104xi32, #tpu.memory_space<vmem>> -> memref<104xi32, #tpu.memory_space<vmem>>
    %dma_start3A_11 = arith.constant 0 : i32
    %dma_start3A_12 = arith.constant 0 : i32
    %dma_start3A_13 = tpu.memref_slice %arg3[%dma_start3A_11, %dma_start3A_12] : memref<100000x128xf32, #tpu.memory_space<hbm>> -> memref<100000x128xf32, #tpu.memory_space<hbm>>
    tpu.enqueue_indirect_dma source(%dma_start3A_13 : memref<100000x128xf32, #tpu.memory_space<hbm>>) target(%dma_start3A_7 : memref<104x128xf32, #tpu.memory_space<vmem>>) offsets(%dma_start3A_10 : memref<104xi32, #tpu.memory_space<vmem>>) semaphore(%arg8 : memref<!tpu.dma_semaphore, #tpu.memory_space<semaphore_mem>>)
    %dma_start3A_14 = arith.constant 0 : i32
    %dma_start3A_15 = arith.constant 0 : i32
    %dma_start3A_16 = arith.constant 104 : i32
    %dma_start3A_17 = arith.constant 0 : i32
    %dma_start3A_18 = tpu.memref_slice %arg6[%dma_start3A_15, %dma_start3A_16, %dma_start3A_17] : memref<3x200x128xf32, #tpu.memory_space<vmem>> -> memref<1x96x128xf32, #tpu.memory_space<vmem>>
    %dma_start3A_19 = tpu.memref_squeeze %dma_start3A_18 : memref<1x96x128xf32, #tpu.memory_space<vmem>> -> memref<96x128xf32, #tpu.memory_space<vmem>>
    %dma_start3A_20 = arith.constant 104 : i32
    %dma_start3A_21 = tpu.memref_slice %arg5[%dma_start3A_14, %dma_start3A_20] : memref<128x200xi32, #tpu.memory_space<vmem>> -> memref<1x96xi32, #tpu.memory_space<vmem>>
    %dma_start3A_22 = tpu.memref_squeeze %dma_start3A_21 : memref<1x96xi32, #tpu.memory_space<vmem>> -> memref<96xi32, #tpu.memory_space<vmem>>
    %dma_start3A_23 = arith.constant 0 : i32
    %dma_start3A_24 = arith.constant 0 : i32
    %dma_start3A_25 = tpu.memref_slice %arg3[%dma_start3A_23, %dma_start3A_24] : memref<100000x128xf32, #tpu.memory_space<hbm>> -> memref<100000x128xf32, #tpu.memory_space<hbm>>
    tpu.enqueue_indirect_dma source(%dma_start3A_25 : memref<100000x128xf32, #tpu.memory_space<hbm>>) target(%dma_start3A_19 : memref<96x128xf32, #tpu.memory_space<vmem>>) offsets(%dma_start3A_22 : memref<96xi32, #tpu.memory_space<vmem>>) semaphore(%arg8 : memref<!tpu.dma_semaphore, #tpu.memory_space<semaphore_mem>>)
    %dma_start3A_26 = arith.constant 1 : i32
    %dma_start3A_27 = arith.constant 1 : i32
    %dma_start3A_28 = arith.constant 0 : i32
    %dma_start3A_29 = arith.constant 0 : i32
    %dma_start3A_30 = tpu.memref_slice %arg6[%dma_start3A_27, %dma_start3A_28, %dma_start3A_29] : memref<3x200x128xf32, #tpu.memory_space<vmem>> -> memref<1x104x128xf32, #tpu.memory_space<vmem>>
    %dma_start3A_31 = tpu.memref_squeeze %dma_start3A_30 : memref<1x104x128xf32, #tpu.memory_space<vmem>> -> memref<104x128xf32, #tpu.memory_space<vmem>>
    %dma_start3A_32 = arith.constant 0 : i32
    %dma_start3A_33 = tpu.memref_slice %arg5[%dma_start3A_26, %dma_start3A_32] : memref<128x200xi32, #tpu.memory_space<vmem>> -> memref<1x104xi32, #tpu.memory_space<vmem>>
    %dma_start3A_34 = tpu.memref_squeeze %dma_start3A_33 : memref<1x104xi32, #tpu.memory_space<vmem>> -> memref<104xi32, #tpu.memory_space<vmem>>
    %dma_start3A_35 = arith.constant 0 : i32
    %dma_start3A_36 = arith.constant 0 : i32
    %dma_start3A_37 = tpu.memref_slice %arg3[%dma_start3A_35, %dma_start3A_36] : memref<100000x128xf32, #tpu.memory_space<hbm>> -> memref<100000x128xf32, #tpu.memory_space<hbm>>
    tpu.enqueue_indirect_dma source(%dma_start3A_37 : memref<100000x128xf32, #tpu.memory_space<hbm>>) target(%dma_start3A_31 : memref<104x128xf32, #tpu.memory_space<vmem>>) offsets(%dma_start3A_34 : memref<104xi32, #tpu.memory_space<vmem>>) semaphore(%arg9 : memref<!tpu.dma_semaphore, #tpu.memory_space<semaphore_mem>>)
    %dma_start3A_38 = arith.constant 1 : i32
    %dma_start3A_39 = arith.constant 1 : i32
    %dma_start3A_40 = arith.constant 104 : i32
    %dma_start3A_41 = arith.constant 0 : i32
    %dma_start3A_42 = tpu.memref_slice %arg6[%dma_start3A_39, %dma_start3A_40, %dma_start3A_41] : memref<3x200x128xf32, #tpu.memory_space<vmem>> -> memref<1x96x128xf32, #tpu.memory_space<vmem>>
    %dma_start3A_43 = tpu.memref_squeeze %dma_start3A_42 : memref<1x96x128xf32, #tpu.memory_space<vmem>> -> memref<96x128xf32, #tpu.memory_space<vmem>>
    %dma_start3A_44 = arith.constant 104 : i32
    %dma_start3A_45 = tpu.memref_slice %arg5[%dma_start3A_38, %dma_start3A_44] : memref<128x200xi32, #tpu.memory_space<vmem>> -> memref<1x96xi32, #tpu.memory_space<vmem>>
    %dma_start3A_46 = tpu.memref_squeeze %dma_start3A_45 : memref<1x96xi32, #tpu.memory_space<vmem>> -> memref<96xi32, #tpu.memory_space<vmem>>
    %dma_start3A_47 = arith.constant 0 : i32
    %dma_start3A_48 = arith.constant 0 : i32
    %dma_start3A_49 = tpu.memref_slice %arg3[%dma_start3A_47, %dma_start3A_48] : memref<100000x128xf32, #tpu.memory_space<hbm>> -> memref<100000x128xf32, #tpu.memory_space<hbm>>
    tpu.enqueue_indirect_dma source(%dma_start3A_49 : memref<100000x128xf32, #tpu.memory_space<hbm>>) target(%dma_start3A_43 : memref<96x128xf32, #tpu.memory_space<vmem>>) offsets(%dma_start3A_46 : memref<96xi32, #tpu.memory_space<vmem>>) semaphore(%arg9 : memref<!tpu.dma_semaphore, #tpu.memory_space<semaphore_mem>>)
    %dma_start3A_50 = arith.constant 2 : i32
    %dma_start3A_51 = arith.constant 2 : i32
    %dma_start3A_52 = arith.constant 0 : i32
    %dma_start3A_53 = arith.constant 0 : i32
    %dma_start3A_54 = tpu.memref_slice %arg6[%dma_start3A_51, %dma_start3A_52, %dma_start3A_53] : memref<3x200x128xf32, #tpu.memory_space<vmem>> -> memref<1x104x128xf32, #tpu.memory_space<vmem>>
    %dma_start3A_55 = tpu.memref_squeeze %dma_start3A_54 : memref<1x104x128xf32, #tpu.memory_space<vmem>> -> memref<104x128xf32, #tpu.memory_space<vmem>>
    %dma_start3A_56 = arith.constant 0 : i32
    %dma_start3A_57 = tpu.memref_slice %arg5[%dma_start3A_50, %dma_start3A_56] : memref<128x200xi32, #tpu.memory_space<vmem>> -> memref<1x104xi32, #tpu.memory_space<vmem>>
    %dma_start3A_58 = tpu.memref_squeeze %dma_start3A_57 : memref<1x104xi32, #tpu.memory_space<vmem>> -> memref<104xi32, #tpu.memory_space<vmem>>
    %dma_start3A_59 = arith.constant 0 : i32
    %dma_start3A_60 = arith.constant 0 : i32
    %dma_start3A_61 = tpu.memref_slice %arg3[%dma_start3A_59, %dma_start3A_60] : memref<100000x128xf32, #tpu.memory_space<hbm>> -> memref<100000x128xf32, #tpu.memory_space<hbm>>
    tpu.enqueue_indirect_dma source(%dma_start3A_61 : memref<100000x128xf32, #tpu.memory_space<hbm>>) target(%dma_start3A_55 : memref<104x128xf32, #tpu.memory_space<vmem>>) offsets(%dma_start3A_58 : memref<104xi32, #tpu.memory_space<vmem>>) semaphore(%arg10 : memref<!tpu.dma_semaphore, #tpu.memory_space<semaphore_mem>>)
    %dma_start3A_62 = arith.constant 2 : i32
    %dma_start3A_63 = arith.constant 2 : i32
    %dma_start3A_64 = arith.constant 104 : i32
    %dma_start3A_65 = arith.constant 0 : i32
    %dma_start3A_66 = tpu.memref_slice %arg6[%dma_start3A_63, %dma_start3A_64, %dma_start3A_65] : memref<3x200x128xf32, #tpu.memory_space<vmem>> -> memref<1x96x128xf32, #tpu.memory_space<vmem>>
    %dma_start3A_67 = tpu.memref_squeeze %dma_start3A_66 : memref<1x96x128xf32, #tpu.memory_space<vmem>> -> memref<96x128xf32, #tpu.memory_space<vmem>>
    %dma_start3A_68 = arith.constant 104 : i32
    %dma_start3A_69 = tpu.memref_slice %arg5[%dma_start3A_62, %dma_start3A_68] : memref<128x200xi32, #tpu.memory_space<vmem>> -> memref<1x96xi32, #tpu.memory_space<vmem>>
    %dma_start3A_70 = tpu.memref_squeeze %dma_start3A_69 : memref<1x96xi32, #tpu.memory_space<vmem>> -> memref<96xi32, #tpu.memory_space<vmem>>
    %dma_start3A_71 = arith.constant 0 : i32
    %dma_start3A_72 = arith.constant 0 : i32
    %dma_start3A_73 = tpu.memref_slice %arg3[%dma_start3A_71, %dma_start3A_72] : memref<100000x128xf32, #tpu.memory_space<hbm>> -> memref<100000x128xf32, #tpu.memory_space<hbm>>
    tpu.enqueue_indirect_dma source(%dma_start3A_73 : memref<100000x128xf32, #tpu.memory_space<hbm>>) target(%dma_start3A_67 : memref<96x128xf32, #tpu.memory_space<vmem>>) offsets(%dma_start3A_70 : memref<96xi32, #tpu.memory_space<vmem>>) semaphore(%arg10 : memref<!tpu.dma_semaphore, #tpu.memory_space<semaphore_mem>>)
    %scan3A = arith.constant 0 : i32
    %scan3A_74 = arith.constant 0 : i32
    %scan3A_75 = arith.constant 42 : i32
    %scan3A_76 = arith.addi %scan3A_74, %scan3A_75 : i32
    %scan3A_77 = arith.constant 1 : i32
    scf.for %scan3A_256 = %scan3A_74 to %scan3A_76 step %scan3A_77  : i32 {
      %mul3A_257 = arith.constant 3 : i32
      %mul3A_258 = arith.muli %scan3A_256, %mul3A_257 : i32
      %add3A_259 = arith.constant 0 : i32
      %add3A_260 = arith.addi %mul3A_258, %add3A_259 : i32
      %dma_wait3A_261 = arith.constant 0 : i32
      %dma_wait3A_262 = arith.constant 0 : i32
      %dma_wait3A_263 = arith.constant 0 : i32
      %dma_wait3A_264 = arith.constant 0 : i32
      %dma_wait3A_265 = tpu.memref_slice %arg6[%dma_wait3A_262, %dma_wait3A_263, %dma_wait3A_264] : memref<3x200x128xf32, #tpu.memory_space<vmem>> -> memref<1x104x128xf32, #tpu.memory_space<vmem>>
      %dma_wait3A_266 = tpu.memref_squeeze %dma_wait3A_265 : memref<1x104x128xf32, #tpu.memory_space<vmem>> -> memref<104x128xf32, #tpu.memory_space<vmem>>
      %dma_wait3A_267 = arith.constant 0 : i32
      %dma_wait3A_268 = tpu.memref_slice %arg5[%dma_wait3A_261, %dma_wait3A_267] : memref<128x200xi32, #tpu.memory_space<vmem>> -> memref<1x104xi32, #tpu.memory_space<vmem>>
      %dma_wait3A_269 = tpu.memref_squeeze %dma_wait3A_268 : memref<1x104xi32, #tpu.memory_space<vmem>> -> memref<104xi32, #tpu.memory_space<vmem>>
      %dma_wait3A_270 = arith.constant 0 : i32
      %dma_wait3A_271 = arith.constant 0 : i32
      %dma_wait3A_272 = tpu.memref_slice %arg3[%dma_wait3A_270, %dma_wait3A_271] : memref<100000x128xf32, #tpu.memory_space<hbm>> -> memref<100000x128xf32, #tpu.memory_space<hbm>>
      tpu.wait_indirect_dma semaphore(%arg8 : memref<!tpu.dma_semaphore, #tpu.memory_space<semaphore_mem>>) src(%dma_wait3A_272 : memref<100000x128xf32, #tpu.memory_space<hbm>>) dst(%dma_wait3A_266 : memref<104x128xf32, #tpu.memory_space<vmem>>)
      %dma_wait3A_273 = arith.constant 0 : i32
      %dma_wait3A_274 = arith.constant 0 : i32
      %dma_wait3A_275 = arith.constant 104 : i32
      %dma_wait3A_276 = arith.constant 0 : i32
      %dma_wait3A_277 = tpu.memref_slice %arg6[%dma_wait3A_274, %dma_wait3A_275, %dma_wait3A_276] : memref<3x200x128xf32, #tpu.memory_space<vmem>> -> memref<1x96x128xf32, #tpu.memory_space<vmem>>
      %dma_wait3A_278 = tpu.memref_squeeze %dma_wait3A_277 : memref<1x96x128xf32, #tpu.memory_space<vmem>> -> memref<96x128xf32, #tpu.memory_space<vmem>>
      %dma_wait3A_279 = arith.constant 104 : i32
      %dma_wait3A_280 = tpu.memref_slice %arg5[%dma_wait3A_273, %dma_wait3A_279] : memref<128x200xi32, #tpu.memory_space<vmem>> -> memref<1x96xi32, #tpu.memory_space<vmem>>
      %dma_wait3A_281 = tpu.memref_squeeze %dma_wait3A_280 : memref<1x96xi32, #tpu.memory_space<vmem>> -> memref<96xi32, #tpu.memory_space<vmem>>
      %dma_wait3A_282 = arith.constant 0 : i32
      %dma_wait3A_283 = arith.constant 0 : i32
      %dma_wait3A_284 = tpu.memref_slice %arg3[%dma_wait3A_282, %dma_wait3A_283] : memref<100000x128xf32, #tpu.memory_space<hbm>> -> memref<100000x128xf32, #tpu.memory_space<hbm>>
      tpu.wait_indirect_dma semaphore(%arg8 : memref<!tpu.dma_semaphore, #tpu.memory_space<semaphore_mem>>) src(%dma_wait3A_284 : memref<100000x128xf32, #tpu.memory_space<hbm>>) dst(%dma_wait3A_278 : memref<96x128xf32, #tpu.memory_space<vmem>>)
      %broadcast_in_dim3A_285 = arith.constant 0.000000e+00 : f32
      %broadcast_in_dim3A_286 = vector.broadcast %broadcast_in_dim3A_285 : f32 to vector<16xf32>
      %broadcast_in_dim3A_287 = arith.constant 0.000000e+00 : f32
      %broadcast_in_dim3A_288 = vector.broadcast %broadcast_in_dim3A_287 : f32 to vector<16xf32>
      %broadcast_in_dim3A_289 = arith.constant 0.000000e+00 : f32
      %broadcast_in_dim3A_290 = vector.broadcast %broadcast_in_dim3A_289 : f32 to vector<16xf32>
      %broadcast_in_dim3A_291 = arith.constant 0.000000e+00 : f32
      %broadcast_in_dim3A_292 = vector.broadcast %broadcast_in_dim3A_291 : f32 to vector<16xf32>
      %broadcast_in_dim3A_293 = arith.constant 0.000000e+00 : f32
      %broadcast_in_dim3A_294 = vector.broadcast %broadcast_in_dim3A_293 : f32 to vector<16xf32>
      %broadcast_in_dim3A_295 = arith.constant 0.000000e+00 : f32
      %broadcast_in_dim3A_296 = vector.broadcast %broadcast_in_dim3A_295 : f32 to vector<16xf32>
      %broadcast_in_dim3A_297 = arith.constant 0.000000e+00 : f32
      %broadcast_in_dim3A_298 = vector.broadcast %broadcast_in_dim3A_297 : f32 to vector<16xf32>
      %broadcast_in_dim3A_299 = arith.constant 0.000000e+00 : f32
      %broadcast_in_dim3A_300 = vector.broadcast %broadcast_in_dim3A_299 : f32 to vector<16xf32>
      %scan3A_301 = arith.constant 0 : i32
      %scan3A_302 = arith.constant 25 : i32
      %scan3A_303 = arith.addi %scan3A_301, %scan3A_302 : i32
      %scan3A_304 = arith.constant 1 : i32
      %scan3A_305:8 = scf.for %scan3A_552 = %scan3A_301 to %scan3A_303 step %scan3A_304 iter_args(%scan3A_553 = %broadcast_in_dim3A_286, %scan3A_554 = %broadcast_in_dim3A_288, %scan3A_555 = %broadcast_in_dim3A_290, %scan3A_556 = %broadcast_in_dim3A_292, %scan3A_557 = %broadcast_in_dim3A_294, %scan3A_558 = %broadcast_in_dim3A_296, %scan3A_559 = %broadcast_in_dim3A_298, %scan3A_560 = %broadcast_in_dim3A_300) -> (vector<16xf32>, vector<16xf32>, vector<16xf32>, vector<16xf32>, vector<16xf32>, vector<16xf32>, vector<16xf32>, vector<16xf32>)  : i32 {
        %mul3A_561 = arith.constant 8 : i32
        %mul3A_562 = arith.muli %scan3A_552, %mul3A_561 : i32
        %add3A_563 = arith.constant 0 : i32
        %add3A_564 = arith.addi %mul3A_562, %add3A_563 : i32
        %get3A = arith.constant 0 : i32
        %get3A_565 = arith.index_cast %get3A : i32 to index
        %get3A_566 = arith.index_cast %add3A_564 : i32 to index
        %get3A_567 = arith.constant 0 : index
        %get3A_568 = tpu.vector_load %arg6[%get3A_565, %get3A_566, %get3A_567] {strides = array<i32>} : memref<3x200x128xf32, #tpu.memory_space<vmem>>, vector<16xf32>,
        %add3A_569 = arith.addf %scan3A_553, %get3A_568 : vector<16xf32>
        %get3A_570 = arith.constant 0 : i32
        %get3A_571 = arith.index_cast %get3A_570 : i32 to index
        %get3A_572 = arith.index_cast %add3A_564 : i32 to index
        %get3A_573 = arith.constant 16 : index
        %get3A_574 = tpu.vector_load %arg6[%get3A_571, %get3A_572, %get3A_573] {strides = array<i32>} : memref<3x200x128xf32, #tpu.memory_space<vmem>>, vector<16xf32>,
        %add3A_575 = arith.addf %scan3A_554, %get3A_574 : vector<16xf32>
        %get3A_576 = arith.constant 0 : i32
        %get3A_577 = arith.index_cast %get3A_576 : i32 to index
        %get3A_578 = arith.index_cast %add3A_564 : i32 to index
        %get3A_579 = arith.constant 32 : index
        %get3A_580 = tpu.vector_load %arg6[%get3A_577, %get3A_578, %get3A_579] {strides = array<i32>} : memref<3x200x128xf32, #tpu.memory_space<vmem>>, vector<16xf32>,
        %add3A_581 = arith.addf %scan3A_555, %get3A_580 : vector<16xf32>
        %get3A_582 = arith.constant 0 : i32
        %get3A_583 = arith.index_cast %get3A_582 : i32 to index
        %get3A_584 = arith.index_cast %add3A_564 : i32 to index
        %get3A_585 = arith.constant 48 : index
        %get3A_586 = tpu.vector_load %arg6[%get3A_583, %get3A_584, %get3A_585] {strides = array<i32>} : memref<3x200x128xf32, #tpu.memory_space<vmem>>, vector<16xf32>,
        %add3A_587 = arith.addf %scan3A_556, %get3A_586 : vector<16xf32>
        %get3A_588 = arith.constant 0 : i32
        %get3A_589 = arith.index_cast %get3A_588 : i32 to index
        %get3A_590 = arith.index_cast %add3A_564 : i32 to index
        %get3A_591 = arith.constant 64 : index
        %get3A_592 = tpu.vector_load %arg6[%get3A_589, %get3A_590, %get3A_591] {strides = array<i32>} : memref<3x200x128xf32, #tpu.memory_space<vmem>>, vector<16xf32>,
        %add3A_593 = arith.addf %scan3A_557, %get3A_592 : vector<16xf32>
        %get3A_594 = arith.constant 0 : i32
        %get3A_595 = arith.index_cast %get3A_594 : i32 to index
        %get3A_596 = arith.index_cast %add3A_564 : i32 to index
        %get3A_597 = arith.constant 80 : index
        %get3A_598 = tpu.vector_load %arg6[%get3A_595, %get3A_596, %get3A_597] {strides = array<i32>} : memref<3x200x128xf32, #tpu.memory_space<vmem>>, vector<16xf32>,
        %add3A_599 = arith.addf %scan3A_558, %get3A_598 : vector<16xf32>
        %get3A_600 = arith.constant 0 : i32
        %get3A_601 = arith.index_cast %get3A_600 : i32 to index
        %get3A_602 = arith.index_cast %add3A_564 : i32 to index
        %get3A_603 = arith.constant 96 : index
        %get3A_604 = tpu.vector_load %arg6[%get3A_601, %get3A_602, %get3A_603] {strides = array<i32>} : memref<3x200x128xf32, #tpu.memory_space<vmem>>, vector<16xf32>,
        %add3A_605 = arith.addf %scan3A_559, %get3A_604 : vector<16xf32>
        %get3A_606 = arith.constant 0 : i32
        %get3A_607 = arith.index_cast %get3A_606 : i32 to index
        %get3A_608 = arith.index_cast %add3A_564 : i32 to index
        %get3A_609 = arith.constant 112 : index
        %get3A_610 = tpu.vector_load %arg6[%get3A_607, %get3A_608, %get3A_609] {strides = array<i32>} : memref<3x200x128xf32, #tpu.memory_space<vmem>>, vector<16xf32>,
        %add3A_611 = arith.addf %scan3A_560, %get3A_610 : vector<16xf32>
        %mul3A_612 = arith.constant 8 : i32
        %mul3A_613 = arith.muli %scan3A_552, %mul3A_612 : i32
        %add3A_614 = arith.constant 1 : i32
        %add3A_615 = arith.addi %mul3A_613, %add3A_614 : i32
        %get3A_616 = arith.constant 0 : i32
        %get3A_617 = arith.index_cast %get3A_616 : i32 to index
        %get3A_618 = arith.index_cast %add3A_615 : i32 to index
        %get3A_619 = arith.constant 0 : index
        %get3A_620 = tpu.vector_load %arg6[%get3A_617, %get3A_618, %get3A_619] {strides = array<i32>} : memref<3x200x128xf32, #tpu.memory_space<vmem>>, vector<16xf32>,
        %add3A_621 = arith.addf %add3A_569, %get3A_620 : vector<16xf32>
        %get3A_622 = arith.constant 0 : i32
        %get3A_623 = arith.index_cast %get3A_622 : i32 to index
        %get3A_624 = arith.index_cast %add3A_615 : i32 to index
        %get3A_625 = arith.constant 16 : index
        %get3A_626 = tpu.vector_load %arg6[%get3A_623, %get3A_624, %get3A_625] {strides = array<i32>} : memref<3x200x128xf32, #tpu.memory_space<vmem>>, vector<16xf32>,
        %add3A_627 = arith.addf %add3A_575, %get3A_626 : vector<16xf32>
        %get3A_628 = arith.constant 0 : i32
        %get3A_629 = arith.index_cast %get3A_628 : i32 to index
        %get3A_630 = arith.index_cast %add3A_615 : i32 to index
        %get3A_631 = arith.constant 32 : index
        %get3A_632 = tpu.vector_load %arg6[%get3A_629, %get3A_630, %get3A_631] {strides = array<i32>} : memref<3x200x128xf32, #tpu.memory_space<vmem>>, vector<16xf32>,
        %add3A_633 = arith.addf %add3A_581, %get3A_632 : vector<16xf32>
        %get3A_634 = arith.constant 0 : i32
        %get3A_635 = arith.index_cast %get3A_634 : i32 to index
        %get3A_636 = arith.index_cast %add3A_615 : i32 to index
        %get3A_637 = arith.constant 48 : index
        %get3A_638 = tpu.vector_load %arg6[%get3A_635, %get3A_636, %get3A_637] {strides = array<i32>} : memref<3x200x128xf32, #tpu.memory_space<vmem>>, vector<16xf32>,
        %add3A_639 = arith.addf %add3A_587, %get3A_638 : vector<16xf32>
        %get3A_640 = arith.constant 0 : i32
        %get3A_641 = arith.index_cast %get3A_640 : i32 to index
        %get3A_642 = arith.index_cast %add3A_615 : i32 to index
        %get3A_643 = arith.constant 64 : index
        %get3A_644 = tpu.vector_load %arg6[%get3A_641, %get3A_642, %get3A_643] {strides = array<i32>} : memref<3x200x128xf32, #tpu.memory_space<vmem>>, vector<16xf32>,
        %add3A_645 = arith.addf %add3A_593, %get3A_644 : vector<16xf32>
        %get3A_646 = arith.constant 0 : i32
        %get3A_647 = arith.index_cast %get3A_646 : i32 to index
        %get3A_648 = arith.index_cast %add3A_615 : i32 to index
        %get3A_649 = arith.constant 80 : index
        %get3A_650 = tpu.vector_load %arg6[%get3A_647, %get3A_648, %get3A_649] {strides = array<i32>} : memref<3x200x128xf32, #tpu.memory_space<vmem>>, vector<16xf32>,
        %add3A_651 = arith.addf %add3A_599, %get3A_650 : vector<16xf32>
        %get3A_652 = arith.constant 0 : i32
        %get3A_653 = arith.index_cast %get3A_652 : i32 to index
        %get3A_654 = arith.index_cast %add3A_615 : i32 to index
        %get3A_655 = arith.constant 96 : index
        %get3A_656 = tpu.vector_load %arg6[%get3A_653, %get3A_654, %get3A_655] {strides = array<i32>} : memref<3x200x128xf32, #tpu.memory_space<vmem>>, vector<16xf32>,
        %add3A_657 = arith.addf %add3A_605, %get3A_656 : vector<16xf32>
        %get3A_658 = arith.constant 0 : i32
        %get3A_659 = arith.index_cast %get3A_658 : i32 to index
        %get3A_660 = arith.index_cast %add3A_615 : i32 to index
        %get3A_661 = arith.constant 112 : index
        %get3A_662 = tpu.vector_load %arg6[%get3A_659, %get3A_660, %get3A_661] {strides = array<i32>} : memref<3x200x128xf32, #tpu.memory_space<vmem>>, vector<16xf32>,
        %add3A_663 = arith.addf %add3A_611, %get3A_662 : vector<16xf32>
        %mul3A_664 = arith.constant 8 : i32
        %mul3A_665 = arith.muli %scan3A_552, %mul3A_664 : i32
        %add3A_666 = arith.constant 2 : i32
        %add3A_667 = arith.addi %mul3A_665, %add3A_666 : i32
        %get3A_668 = arith.constant 0 : i32
        %get3A_669 = arith.index_cast %get3A_668 : i32 to index
        %get3A_670 = arith.index_cast %add3A_667 : i32 to index
        %get3A_671 = arith.constant 0 : index
        %get3A_672 = tpu.vector_load %arg6[%get3A_669, %get3A_670, %get3A_671] {strides = array<i32>} : memref<3x200x128xf32, #tpu.memory_space<vmem>>, vector<16xf32>,
        %add3A_673 = arith.addf %add3A_621, %get3A_672 : vector<16xf32>
        %get3A_674 = arith.constant 0 : i32
        %get3A_675 = arith.index_cast %get3A_674 : i32 to index
        %get3A_676 = arith.index_cast %add3A_667 : i32 to index
        %get3A_677 = arith.constant 16 : index
        %get3A_678 = tpu.vector_load %arg6[%get3A_675, %get3A_676, %get3A_677] {strides = array<i32>} : memref<3x200x128xf32, #tpu.memory_space<vmem>>, vector<16xf32>,
        %add3A_679 = arith.addf %add3A_627, %get3A_678 : vector<16xf32>
        %get3A_680 = arith.constant 0 : i32
        %get3A_681 = arith.index_cast %get3A_680 : i32 to index
        %get3A_682 = arith.index_cast %add3A_667 : i32 to index
        %get3A_683 = arith.constant 32 : index
        %get3A_684 = tpu.vector_load %arg6[%get3A_681, %get3A_682, %get3A_683] {strides = array<i32>} : memref<3x200x128xf32, #tpu.memory_space<vmem>>, vector<16xf32>,
        %add3A_685 = arith.addf %add3A_633, %get3A_684 : vector<16xf32>
        %get3A_686 = arith.constant 0 : i32
        %get3A_687 = arith.index_cast %get3A_686 : i32 to index
        %get3A_688 = arith.index_cast %add3A_667 : i32 to index
        %get3A_689 = arith.constant 48 : index
        %get3A_690 = tpu.vector_load %arg6[%get3A_687, %get3A_688, %get3A_689] {strides = array<i32>} : memref<3x200x128xf32, #tpu.memory_space<vmem>>, vector<16xf32>,
        %add3A_691 = arith.addf %add3A_639, %get3A_690 : vector<16xf32>
        %get3A_692 = arith.constant 0 : i32
        %get3A_693 = arith.index_cast %get3A_692 : i32 to index
        %get3A_694 = arith.index_cast %add3A_667 : i32 to index
        %get3A_695 = arith.constant 64 : index
        %get3A_696 = tpu.vector_load %arg6[%get3A_693, %get3A_694, %get3A_695] {strides = array<i32>} : memref<3x200x128xf32, #tpu.memory_space<vmem>>, vector<16xf32>,
        %add3A_697 = arith.addf %add3A_645, %get3A_696 : vector<16xf32>
        %get3A_698 = arith.constant 0 : i32
        %get3A_699 = arith.index_cast %get3A_698 : i32 to index
        %get3A_700 = arith.index_cast %add3A_667 : i32 to index
        %get3A_701 = arith.constant 80 : index
        %get3A_702 = tpu.vector_load %arg6[%get3A_699, %get3A_700, %get3A_701] {strides = array<i32>} : memref<3x200x128xf32, #tpu.memory_space<vmem>>, vector<16xf32>,
        %add3A_703 = arith.addf %add3A_651, %get3A_702 : vector<16xf32>
        %get3A_704 = arith.constant 0 : i32
        %get3A_705 = arith.index_cast %get3A_704 : i32 to index
        %get3A_706 = arith.index_cast %add3A_667 : i32 to index
        %get3A_707 = arith.constant 96 : index
        %get3A_708 = tpu.vector_load %arg6[%get3A_705, %get3A_706, %get3A_707] {strides = array<i32>} : memref<3x200x128xf32, #tpu.memory_space<vmem>>, vector<16xf32>,
        %add3A_709 = arith.addf %add3A_657, %get3A_708 : vector<16xf32>
        %get3A_710 = arith.constant 0 : i32
        %get3A_711 = arith.index_cast %get3A_710 : i32 to index
        %get3A_712 = arith.index_cast %add3A_667 : i32 to index
        %get3A_713 = arith.constant 112 : index
        %get3A_714 = tpu.vector_load %arg6[%get3A_711, %get3A_712, %get3A_713] {strides = array<i32>} : memref<3x200x128xf32, #tpu.memory_space<vmem>>, vector<16xf32>,
        %add3A_715 = arith.addf %add3A_663, %get3A_714 : vector<16xf32>
        %mul3A_716 = arith.constant 8 : i32
        %mul3A_717 = arith.muli %scan3A_552, %mul3A_716 : i32
        %add3A_718 = arith.constant 3 : i32
        %add3A_719 = arith.addi %mul3A_717, %add3A_718 : i32
        %get3A_720 = arith.constant 0 : i32
        %get3A_721 = arith.index_cast %get3A_720 : i32 to index
        %get3A_722 = arith.index_cast %add3A_719 : i32 to index
        %get3A_723 = arith.constant 0 : index
        %get3A_724 = tpu.vector_load %arg6[%get3A_721, %get3A_722, %get3A_723] {strides = array<i32>} : memref<3x200x128xf32, #tpu.memory_space<vmem>>, vector<16xf32>,
        %add3A_725 = arith.addf %add3A_673, %get3A_724 : vector<16xf32>
        %get3A_726 = arith.constant 0 : i32
        %get3A_727 = arith.index_cast %get3A_726 : i32 to index
        %get3A_728 = arith.index_cast %add3A_719 : i32 to index
        %get3A_729 = arith.constant 16 : index
        %get3A_730 = tpu.vector_load %arg6[%get3A_727, %get3A_728, %get3A_729] {strides = array<i32>} : memref<3x200x128xf32, #tpu.memory_space<vmem>>, vector<16xf32>,
        %add3A_731 = arith.addf %add3A_679, %get3A_730 : vector<16xf32>
        %get3A_732 = arith.constant 0 : i32
        %get3A_733 = arith.index_cast %get3A_732 : i32 to index
        %get3A_734 = arith.index_cast %add3A_719 : i32 to index
        %get3A_735 = arith.constant 32 : index
        %get3A_736 = tpu.vector_load %arg6[%get3A_733, %get3A_734, %get3A_735] {strides = array<i32>} : memref<3x200x128xf32, #tpu.memory_space<vmem>>, vector<16xf32>,
        %add3A_737 = arith.addf %add3A_685, %get3A_736 : vector<16xf32>
        %get3A_738 = arith.constant 0 : i32
        %get3A_739 = arith.index_cast %get3A_738 : i32 to index
        %get3A_740 = arith.index_cast %add3A_719 : i32 to index
        %get3A_741 = arith.constant 48 : index
        %get3A_742 = tpu.vector_load %arg6[%get3A_739, %get3A_740, %get3A_741] {strides = array<i32>} : memref<3x200x128xf32, #tpu.memory_space<vmem>>, vector<16xf32>,
        %add3A_743 = arith.addf %add3A_691, %get3A_742 : vector<16xf32>
        %get3A_744 = arith.constant 0 : i32
        %get3A_745 = arith.index_cast %get3A_744 : i32 to index
        %get3A_746 = arith.index_cast %add3A_719 : i32 to index
        %get3A_747 = arith.constant 64 : index
        %get3A_748 = tpu.vector_load %arg6[%get3A_745, %get3A_746, %get3A_747] {strides = array<i32>} : memref<3x200x128xf32, #tpu.memory_space<vmem>>, vector<16xf32>,
        %add3A_749 = arith.addf %add3A_697, %get3A_748 : vector<16xf32>
        %get3A_750 = arith.constant 0 : i32
        %get3A_751 = arith.index_cast %get3A_750 : i32 to index
        %get3A_752 = arith.index_cast %add3A_719 : i32 to index
        %get3A_753 = arith.constant 80 : index
        %get3A_754 = tpu.vector_load %arg6[%get3A_751, %get3A_752, %get3A_753] {strides = array<i32>} : memref<3x200x128xf32, #tpu.memory_space<vmem>>, vector<16xf32>,
        %add3A_755 = arith.addf %add3A_703, %get3A_754 : vector<16xf32>
        %get3A_756 = arith.constant 0 : i32
        %get3A_757 = arith.index_cast %get3A_756 : i32 to index
        %get3A_758 = arith.index_cast %add3A_719 : i32 to index
        %get3A_759 = arith.constant 96 : index
        %get3A_760 = tpu.vector_load %arg6[%get3A_757, %get3A_758, %get3A_759] {strides = array<i32>} : memref<3x200x128xf32, #tpu.memory_space<vmem>>, vector<16xf32>,
        %add3A_761 = arith.addf %add3A_709, %get3A_760 : vector<16xf32>
        %get3A_762 = arith.constant 0 : i32
        %get3A_763 = arith.index_cast %get3A_762 : i32 to index
        %get3A_764 = arith.index_cast %add3A_719 : i32 to index
        %get3A_765 = arith.constant 112 : index
        %get3A_766 = tpu.vector_load %arg6[%get3A_763, %get3A_764, %get3A_765] {strides = array<i32>} : memref<3x200x128xf32, #tpu.memory_space<vmem>>, vector<16xf32>,
        %add3A_767 = arith.addf %add3A_715, %get3A_766 : vector<16xf32>
        %mul3A_768 = arith.constant 8 : i32
        %mul3A_769 = arith.muli %scan3A_552, %mul3A_768 : i32
        %add3A_770 = arith.constant 4 : i32
        %add3A_771 = arith.addi %mul3A_769, %add3A_770 : i32
        %get3A_772 = arith.constant 0 : i32
        %get3A_773 = arith.index_cast %get3A_772 : i32 to index
        %get3A_774 = arith.index_cast %add3A_771 : i32 to index
        %get3A_775 = arith.constant 0 : index
        %get3A_776 = tpu.vector_load %arg6[%get3A_773, %get3A_774, %get3A_775] {strides = array<i32>} : memref<3x200x128xf32, #tpu.memory_space<vmem>>, vector<16xf32>,
        %add3A_777 = arith.addf %add3A_725, %get3A_776 : vector<16xf32>
        %get3A_778 = arith.constant 0 : i32
        %get3A_779 = arith.index_cast %get3A_778 : i32 to index
        %get3A_780 = arith.index_cast %add3A_771 : i32 to index
        %get3A_781 = arith.constant 16 : index
        %get3A_782 = tpu.vector_load %arg6[%get3A_779, %get3A_780, %get3A_781] {strides = array<i32>} : memref<3x200x128xf32, #tpu.memory_space<vmem>>, vector<16xf32>,
        %add3A_783 = arith.addf %add3A_731, %get3A_782 : vector<16xf32>
        %get3A_784 = arith.constant 0 : i32
        %get3A_785 = arith.index_cast %get3A_784 : i32 to index
        %get3A_786 = arith.index_cast %add3A_771 : i32 to index
        %get3A_787 = arith.constant 32 : index
        %get3A_788 = tpu.vector_load %arg6[%get3A_785, %get3A_786, %get3A_787] {strides = array<i32>} : memref<3x200x128xf32, #tpu.memory_space<vmem>>, vector<16xf32>,
        %add3A_789 = arith.addf %add3A_737, %get3A_788 : vector<16xf32>
        %get3A_790 = arith.constant 0 : i32
        %get3A_791 = arith.index_cast %get3A_790 : i32 to index
        %get3A_792 = arith.index_cast %add3A_771 : i32 to index
        %get3A_793 = arith.constant 48 : index
        %get3A_794 = tpu.vector_load %arg6[%get3A_791, %get3A_792, %get3A_793] {strides = array<i32>} : memref<3x200x128xf32, #tpu.memory_space<vmem>>, vector<16xf32>,
        %add3A_795 = arith.addf %add3A_743, %get3A_794 : vector<16xf32>
        %get3A_796 = arith.constant 0 : i32
        %get3A_797 = arith.index_cast %get3A_796 : i32 to index
        %get3A_798 = arith.index_cast %add3A_771 : i32 to index
        %get3A_799 = arith.constant 64 : index
        %get3A_800 = tpu.vector_load %arg6[%get3A_797, %get3A_798, %get3A_799] {strides = array<i32>} : memref<3x200x128xf32, #tpu.memory_space<vmem>>, vector<16xf32>,
        %add3A_801 = arith.addf %add3A_749, %get3A_800 : vector<16xf32>
        %get3A_802 = arith.constant 0 : i32
        %get3A_803 = arith.index_cast %get3A_802 : i32 to index
        %get3A_804 = arith.index_cast %add3A_771 : i32 to index
        %get3A_805 = arith.constant 80 : index
        %get3A_806 = tpu.vector_load %arg6[%get3A_803, %get3A_804, %get3A_805] {strides = array<i32>} : memref<3x200x128xf32, #tpu.memory_space<vmem>>, vector<16xf32>,
        %add3A_807 = arith.addf %add3A_755, %get3A_806 : vector<16xf32>
        %get3A_808 = arith.constant 0 : i32
        %get3A_809 = arith.index_cast %get3A_808 : i32 to index
        %get3A_810 = arith.index_cast %add3A_771 : i32 to index
        %get3A_811 = arith.constant 96 : index
        %get3A_812 = tpu.vector_load %arg6[%get3A_809, %get3A_810, %get3A_811] {strides = array<i32>} : memref<3x200x128xf32, #tpu.memory_space<vmem>>, vector<16xf32>,
        %add3A_813 = arith.addf %add3A_761, %get3A_812 : vector<16xf32>
        %get3A_814 = arith.constant 0 : i32
        %get3A_815 = arith.index_cast %get3A_814 : i32 to index
        %get3A_816 = arith.index_cast %add3A_771 : i32 to index
        %get3A_817 = arith.constant 112 : index
        %get3A_818 = tpu.vector_load %arg6[%get3A_815, %get3A_816, %get3A_817] {strides = array<i32>} : memref<3x200x128xf32, #tpu.memory_space<vmem>>, vector<16xf32>,
        %add3A_819 = arith.addf %add3A_767, %get3A_818 : vector<16xf32>
        %mul3A_820 = arith.constant 8 : i32
        %mul3A_821 = arith.muli %scan3A_552, %mul3A_820 : i32
        %add3A_822 = arith.constant 5 : i32
        %add3A_823 = arith.addi %mul3A_821, %add3A_822 : i32
        %get3A_824 = arith.constant 0 : i32
        %get3A_825 = arith.index_cast %get3A_824 : i32 to index
        %get3A_826 = arith.index_cast %add3A_823 : i32 to index
        %get3A_827 = arith.constant 0 : index
        %get3A_828 = tpu.vector_load %arg6[%get3A_825, %get3A_826, %get3A_827] {strides = array<i32>} : memref<3x200x128xf32, #tpu.memory_space<vmem>>, vector<16xf32>,
        %add3A_829 = arith.addf %add3A_777, %get3A_828 : vector<16xf32>
        %get3A_830 = arith.constant 0 : i32
        %get3A_831 = arith.index_cast %get3A_830 : i32 to index
        %get3A_832 = arith.index_cast %add3A_823 : i32 to index
        %get3A_833 = arith.constant 16 : index
        %get3A_834 = tpu.vector_load %arg6[%get3A_831, %get3A_832, %get3A_833] {strides = array<i32>} : memref<3x200x128xf32, #tpu.memory_space<vmem>>, vector<16xf32>,
        %add3A_835 = arith.addf %add3A_783, %get3A_834 : vector<16xf32>
        %get3A_836 = arith.constant 0 : i32
        %get3A_837 = arith.index_cast %get3A_836 : i32 to index
        %get3A_838 = arith.index_cast %add3A_823 : i32 to index
        %get3A_839 = arith.constant 32 : index
        %get3A_840 = tpu.vector_load %arg6[%get3A_837, %get3A_838, %get3A_839] {strides = array<i32>} : memref<3x200x128xf32, #tpu.memory_space<vmem>>, vector<16xf32>,
        %add3A_841 = arith.addf %add3A_789, %get3A_840 : vector<16xf32>
        %get3A_842 = arith.constant 0 : i32
        %get3A_843 = arith.index_cast %get3A_842 : i32 to index
        %get3A_844 = arith.index_cast %add3A_823 : i32 to index
        %get3A_845 = arith.constant 48 : index
        %get3A_846 = tpu.vector_load %arg6[%get3A_843, %get3A_844, %get3A_845] {strides = array<i32>} : memref<3x200x128xf32, #tpu.memory_space<vmem>>, vector<16xf32>,
        %add3A_847 = arith.addf %add3A_795, %get3A_846 : vector<16xf32>
        %get3A_848 = arith.constant 0 : i32
        %get3A_849 = arith.index_cast %get3A_848 : i32 to index
        %get3A_850 = arith.index_cast %add3A_823 : i32 to index
        %get3A_851 = arith.constant 64 : index
        %get3A_852 = tpu.vector_load %arg6[%get3A_849, %get3A_850, %get3A_851] {strides = array<i32>} : memref<3x200x128xf32, #tpu.memory_space<vmem>>, vector<16xf32>,
        %add3A_853 = arith.addf %add3A_801, %get3A_852 : vector<16xf32>
        %get3A_854 = arith.constant 0 : i32
        %get3A_855 = arith.index_cast %get3A_854 : i32 to index
        %get3A_856 = arith.index_cast %add3A_823 : i32 to index
        %get3A_857 = arith.constant 80 : index
        %get3A_858 = tpu.vector_load %arg6[%get3A_855, %get3A_856, %get3A_857] {strides = array<i32>} : memref<3x200x128xf32, #tpu.memory_space<vmem>>, vector<16xf32>,
        %add3A_859 = arith.addf %add3A_807, %get3A_858 : vector<16xf32>
        %get3A_860 = arith.constant 0 : i32
        %get3A_861 = arith.index_cast %get3A_860 : i32 to index
        %get3A_862 = arith.index_cast %add3A_823 : i32 to index
        %get3A_863 = arith.constant 96 : index
        %get3A_864 = tpu.vector_load %arg6[%get3A_861, %get3A_862, %get3A_863] {strides = array<i32>} : memref<3x200x128xf32, #tpu.memory_space<vmem>>, vector<16xf32>,
        %add3A_865 = arith.addf %add3A_813, %get3A_864 : vector<16xf32>
        %get3A_866 = arith.constant 0 : i32
        %get3A_867 = arith.index_cast %get3A_866 : i32 to index
        %get3A_868 = arith.index_cast %add3A_823 : i32 to index
        %get3A_869 = arith.constant 112 : index
        %get3A_870 = tpu.vector_load %arg6[%get3A_867, %get3A_868, %get3A_869] {strides = array<i32>} : memref<3x200x128xf32, #tpu.memory_space<vmem>>, vector<16xf32>,
        %add3A_871 = arith.addf %add3A_819, %get3A_870 : vector<16xf32>
        %mul3A_872 = arith.constant 8 : i32
        %mul3A_873 = arith.muli %scan3A_552, %mul3A_872 : i32
        %add3A_874 = arith.constant 6 : i32
        %add3A_875 = arith.addi %mul3A_873, %add3A_874 : i32
        %get3A_876 = arith.constant 0 : i32
        %get3A_877 = arith.index_cast %get3A_876 : i32 to index
        %get3A_878 = arith.index_cast %add3A_875 : i32 to index
        %get3A_879 = arith.constant 0 : index
        %get3A_880 = tpu.vector_load %arg6[%get3A_877, %get3A_878, %get3A_879] {strides = array<i32>} : memref<3x200x128xf32, #tpu.memory_space<vmem>>, vector<16xf32>,
        %add3A_881 = arith.addf %add3A_829, %get3A_880 : vector<16xf32>
        %get3A_882 = arith.constant 0 : i32
        %get3A_883 = arith.index_cast %get3A_882 : i32 to index
        %get3A_884 = arith.index_cast %add3A_875 : i32 to index
        %get3A_885 = arith.constant 16 : index
        %get3A_886 = tpu.vector_load %arg6[%get3A_883, %get3A_884, %get3A_885] {strides = array<i32>} : memref<3x200x128xf32, #tpu.memory_space<vmem>>, vector<16xf32>,
        %add3A_887 = arith.addf %add3A_835, %get3A_886 : vector<16xf32>
        %get3A_888 = arith.constant 0 : i32
        %get3A_889 = arith.index_cast %get3A_888 : i32 to index
        %get3A_890 = arith.index_cast %add3A_875 : i32 to index
        %get3A_891 = arith.constant 32 : index
        %get3A_892 = tpu.vector_load %arg6[%get3A_889, %get3A_890, %get3A_891] {strides = array<i32>} : memref<3x200x128xf32, #tpu.memory_space<vmem>>, vector<16xf32>,
        %add3A_893 = arith.addf %add3A_841, %get3A_892 : vector<16xf32>
        %get3A_894 = arith.constant 0 : i32
        %get3A_895 = arith.index_cast %get3A_894 : i32 to index
        %get3A_896 = arith.index_cast %add3A_875 : i32 to index
        %get3A_897 = arith.constant 48 : index
        %get3A_898 = tpu.vector_load %arg6[%get3A_895, %get3A_896, %get3A_897] {strides = array<i32>} : memref<3x200x128xf32, #tpu.memory_space<vmem>>, vector<16xf32>,
        %add3A_899 = arith.addf %add3A_847, %get3A_898 : vector<16xf32>
        %get3A_900 = arith.constant 0 : i32
        %get3A_901 = arith.index_cast %get3A_900 : i32 to index
        %get3A_902 = arith.index_cast %add3A_875 : i32 to index
        %get3A_903 = arith.constant 64 : index
        %get3A_904 = tpu.vector_load %arg6[%get3A_901, %get3A_902, %get3A_903] {strides = array<i32>} : memref<3x200x128xf32, #tpu.memory_space<vmem>>, vector<16xf32>,
        %add3A_905 = arith.addf %add3A_853, %get3A_904 : vector<16xf32>
        %get3A_906 = arith.constant 0 : i32
        %get3A_907 = arith.index_cast %get3A_906 : i32 to index
        %get3A_908 = arith.index_cast %add3A_875 : i32 to index
        %get3A_909 = arith.constant 80 : index
        %get3A_910 = tpu.vector_load %arg6[%get3A_907, %get3A_908, %get3A_909] {strides = array<i32>} : memref<3x200x128xf32, #tpu.memory_space<vmem>>, vector<16xf32>,
        %add3A_911 = arith.addf %add3A_859, %get3A_910 : vector<16xf32>
        %get3A_912 = arith.constant 0 : i32
        %get3A_913 = arith.index_cast %get3A_912 : i32 to index
        %get3A_914 = arith.index_cast %add3A_875 : i32 to index
        %get3A_915 = arith.constant 96 : index
        %get3A_916 = tpu.vector_load %arg6[%get3A_913, %get3A_914, %get3A_915] {strides = array<i32>} : memref<3x200x128xf32, #tpu.memory_space<vmem>>, vector<16xf32>,
        %add3A_917 = arith.addf %add3A_865, %get3A_916 : vector<16xf32>
        %get3A_918 = arith.constant 0 : i32
        %get3A_919 = arith.index_cast %get3A_918 : i32 to index
        %get3A_920 = arith.index_cast %add3A_875 : i32 to index
        %get3A_921 = arith.constant 112 : index
        %get3A_922 = tpu.vector_load %arg6[%get3A_919, %get3A_920, %get3A_921] {strides = array<i32>} : memref<3x200x128xf32, #tpu.memory_space<vmem>>, vector<16xf32>,
        %add3A_923 = arith.addf %add3A_871, %get3A_922 : vector<16xf32>
        %mul3A_924 = arith.constant 8 : i32
        %mul3A_925 = arith.muli %scan3A_552, %mul3A_924 : i32
        %add3A_926 = arith.constant 7 : i32
        %add3A_927 = arith.addi %mul3A_925, %add3A_926 : i32
        %get3A_928 = arith.constant 0 : i32
        %get3A_929 = arith.index_cast %get3A_928 : i32 to index
        %get3A_930 = arith.index_cast %add3A_927 : i32 to index
        %get3A_931 = arith.constant 0 : index
        %get3A_932 = tpu.vector_load %arg6[%get3A_929, %get3A_930, %get3A_931] {strides = array<i32>} : memref<3x200x128xf32, #tpu.memory_space<vmem>>, vector<16xf32>,
        %add3A_933 = arith.addf %add3A_881, %get3A_932 : vector<16xf32>
        %get3A_934 = arith.constant 0 : i32
        %get3A_935 = arith.index_cast %get3A_934 : i32 to index
        %get3A_936 = arith.index_cast %add3A_927 : i32 to index
        %get3A_937 = arith.constant 16 : index
        %get3A_938 = tpu.vector_load %arg6[%get3A_935, %get3A_936, %get3A_937] {strides = array<i32>} : memref<3x200x128xf32, #tpu.memory_space<vmem>>, vector<16xf32>,
        %add3A_939 = arith.addf %add3A_887, %get3A_938 : vector<16xf32>
        %get3A_940 = arith.constant 0 : i32
        %get3A_941 = arith.index_cast %get3A_940 : i32 to index
        %get3A_942 = arith.index_cast %add3A_927 : i32 to index
        %get3A_943 = arith.constant 32 : index
        %get3A_944 = tpu.vector_load %arg6[%get3A_941, %get3A_942, %get3A_943] {strides = array<i32>} : memref<3x200x128xf32, #tpu.memory_space<vmem>>, vector<16xf32>,
        %add3A_945 = arith.addf %add3A_893, %get3A_944 : vector<16xf32>
        %get3A_946 = arith.constant 0 : i32
        %get3A_947 = arith.index_cast %get3A_946 : i32 to index
        %get3A_948 = arith.index_cast %add3A_927 : i32 to index
        %get3A_949 = arith.constant 48 : index
        %get3A_950 = tpu.vector_load %arg6[%get3A_947, %get3A_948, %get3A_949] {strides = array<i32>} : memref<3x200x128xf32, #tpu.memory_space<vmem>>, vector<16xf32>,
        %add3A_951 = arith.addf %add3A_899, %get3A_950 : vector<16xf32>
        %get3A_952 = arith.constant 0 : i32
        %get3A_953 = arith.index_cast %get3A_952 : i32 to index
        %get3A_954 = arith.index_cast %add3A_927 : i32 to index
        %get3A_955 = arith.constant 64 : index
        %get3A_956 = tpu.vector_load %arg6[%get3A_953, %get3A_954, %get3A_955] {strides = array<i32>} : memref<3x200x128xf32, #tpu.memory_space<vmem>>, vector<16xf32>,
        %add3A_957 = arith.addf %add3A_905, %get3A_956 : vector<16xf32>
        %get3A_958 = arith.constant 0 : i32
        %get3A_959 = arith.index_cast %get3A_958 : i32 to index
        %get3A_960 = arith.index_cast %add3A_927 : i32 to index
        %get3A_961 = arith.constant 80 : index
        %get3A_962 = tpu.vector_load %arg6[%get3A_959, %get3A_960, %get3A_961] {strides = array<i32>} : memref<3x200x128xf32, #tpu.memory_space<vmem>>, vector<16xf32>,
        %add3A_963 = arith.addf %add3A_911, %get3A_962 : vector<16xf32>
        %get3A_964 = arith.constant 0 : i32
        %get3A_965 = arith.index_cast %get3A_964 : i32 to index
        %get3A_966 = arith.index_cast %add3A_927 : i32 to index
        %get3A_967 = arith.constant 96 : index
        %get3A_968 = tpu.vector_load %arg6[%get3A_965, %get3A_966, %get3A_967] {strides = array<i32>} : memref<3x200x128xf32, #tpu.memory_space<vmem>>, vector<16xf32>,
        %add3A_969 = arith.addf %add3A_917, %get3A_968 : vector<16xf32>
        %get3A_970 = arith.constant 0 : i32
        %get3A_971 = arith.index_cast %get3A_970 : i32 to index
        %get3A_972 = arith.index_cast %add3A_927 : i32 to index
        %get3A_973 = arith.constant 112 : index
        %get3A_974 = tpu.vector_load %arg6[%get3A_971, %get3A_972, %get3A_973] {strides = array<i32>} : memref<3x200x128xf32, #tpu.memory_space<vmem>>, vector<16xf32>,
        %add3A_975 = arith.addf %add3A_923, %get3A_974 : vector<16xf32>
        scf.yield %add3A_933, %add3A_939, %add3A_945, %add3A_951, %add3A_957, %add3A_963, %add3A_969, %add3A_975 : vector<16xf32>, vector<16xf32>, vector<16xf32>, vector<16xf32>, vector<16xf32>, vector<16xf32>, vector<16xf32>, vector<16xf32>
      }
      %scan3A_306 = arith.constant 25 : i32
      %swap3A_307 = arith.index_cast %add3A_260 : i32 to index
      %swap3A_308 = arith.constant 0 : index
      %swap3A_309 = tpu.vector_load %arg7[%swap3A_307, %swap3A_308] {strides = array<i32>} : memref<128x128xf32, #tpu.memory_space<vmem>>, vector<16xf32>,
      tpu.vector_store %arg7[%swap3A_307, %swap3A_308], %scan3A_305#0 {strides = array<i32>} : memref<128x128xf32, #tpu.memory_space<vmem>>, vector<16xf32>,
      %swap3A_310 = arith.index_cast %add3A_260 : i32 to index
      %swap3A_311 = arith.constant 16 : index
      %swap3A_312 = tpu.vector_load %arg7[%swap3A_310, %swap3A_311] {strides = array<i32>} : memref<128x128xf32, #tpu.memory_space<vmem>>, vector<16xf32>,
      tpu.vector_store %arg7[%swap3A_310, %swap3A_311], %scan3A_305#1 {strides = array<i32>} : memref<128x128xf32, #tpu.memory_space<vmem>>, vector<16xf32>,
      %swap3A_313 = arith.index_cast %add3A_260 : i32 to index
      %swap3A_314 = arith.constant 32 : index
      %swap3A_315 = tpu.vector_load %arg7[%swap3A_313, %swap3A_314] {strides = array<i32>} : memref<128x128xf32, #tpu.memory_space<vmem>>, vector<16xf32>,
      tpu.vector_store %arg7[%swap3A_313, %swap3A_314], %scan3A_305#2 {strides = array<i32>} : memref<128x128xf32, #tpu.memory_space<vmem>>, vector<16xf32>,
      %swap3A_316 = arith.index_cast %add3A_260 : i32 to index
      %swap3A_317 = arith.constant 48 : index
      %swap3A_318 = tpu.vector_load %arg7[%swap3A_316, %swap3A_317] {strides = array<i32>} : memref<128x128xf32, #tpu.memory_space<vmem>>, vector<16xf32>,
      tpu.vector_store %arg7[%swap3A_316, %swap3A_317], %scan3A_305#3 {strides = array<i32>} : memref<128x128xf32, #tpu.memory_space<vmem>>, vector<16xf32>,
      %swap3A_319 = arith.index_cast %add3A_260 : i32 to index
      %swap3A_320 = arith.constant 64 : index
      %swap3A_321 = tpu.vector_load %arg7[%swap3A_319, %swap3A_320] {strides = array<i32>} : memref<128x128xf32, #tpu.memory_space<vmem>>, vector<16xf32>,
      tpu.vector_store %arg7[%swap3A_319, %swap3A_320], %scan3A_305#4 {strides = array<i32>} : memref<128x128xf32, #tpu.memory_space<vmem>>, vector<16xf32>,
      %swap3A_322 = arith.index_cast %add3A_260 : i32 to index
      %swap3A_323 = arith.constant 80 : index
      %swap3A_324 = tpu.vector_load %arg7[%swap3A_322, %swap3A_323] {strides = array<i32>} : memref<128x128xf32, #tpu.memory_space<vmem>>, vector<16xf32>,
      tpu.vector_store %arg7[%swap3A_322, %swap3A_323], %scan3A_305#5 {strides = array<i32>} : memref<128x128xf32, #tpu.memory_space<vmem>>, vector<16xf32>,
      %swap3A_325 = arith.index_cast %add3A_260 : i32 to index
      %swap3A_326 = arith.constant 96 : index
      %swap3A_327 = tpu.vector_load %arg7[%swap3A_325, %swap3A_326] {strides = array<i32>} : memref<128x128xf32, #tpu.memory_space<vmem>>, vector<16xf32>,
      tpu.vector_store %arg7[%swap3A_325, %swap3A_326], %scan3A_305#6 {strides = array<i32>} : memref<128x128xf32, #tpu.memory_space<vmem>>, vector<16xf32>,
      %swap3A_328 = arith.index_cast %add3A_260 : i32 to index
      %swap3A_329 = arith.constant 112 : index
      %swap3A_330 = tpu.vector_load %arg7[%swap3A_328, %swap3A_329] {strides = array<i32>} : memref<128x128xf32, #tpu.memory_space<vmem>>, vector<16xf32>,
      tpu.vector_store %arg7[%swap3A_328, %swap3A_329], %scan3A_305#7 {strides = array<i32>} : memref<128x128xf32, #tpu.memory_space<vmem>>, vector<16xf32>,
      %add3A_331 = arith.constant 3 : i32
      %add3A_332 = arith.addi %add3A_260, %add3A_331 : i32
      %min3A = arith.constant 127 : i32
      %min3A_333 = arith.minsi %add3A_332, %min3A : i32
      %dma_start3A_334 = arith.constant 0 : i32
      %dma_start3A_335 = arith.constant 0 : i32
      %dma_start3A_336 = arith.constant 0 : i32
      %dma_start3A_337 = tpu.memref_slice %arg6[%dma_start3A_334, %dma_start3A_335, %dma_start3A_336] : memref<3x200x128xf32, #tpu.memory_space<vmem>> -> memref<1x104x128xf32, #tpu.memory_space<vmem>>
      %dma_start3A_338 = tpu.memref_squeeze %dma_start3A_337 : memref<1x104x128xf32, #tpu.memory_space<vmem>> -> memref<104x128xf32, #tpu.memory_space<vmem>>
      %dma_start3A_339 = arith.constant 0 : i32
      %dma_start3A_340 = tpu.memref_slice %arg5[%min3A_333, %dma_start3A_339] : memref<128x200xi32, #tpu.memory_space<vmem>> -> memref<1x104xi32, #tpu.memory_space<vmem>>
      %dma_start3A_341 = tpu.memref_squeeze %dma_start3A_340 : memref<1x104xi32, #tpu.memory_space<vmem>> -> memref<104xi32, #tpu.memory_space<vmem>>
      %dma_start3A_342 = arith.constant 0 : i32
      %dma_start3A_343 = arith.constant 0 : i32
      %dma_start3A_344 = tpu.memref_slice %arg3[%dma_start3A_342, %dma_start3A_343] : memref<100000x128xf32, #tpu.memory_space<hbm>> -> memref<100000x128xf32, #tpu.memory_space<hbm>>
      tpu.enqueue_indirect_dma source(%dma_start3A_344 : memref<100000x128xf32, #tpu.memory_space<hbm>>) target(%dma_start3A_338 : memref<104x128xf32, #tpu.memory_space<vmem>>) offsets(%dma_start3A_341 : memref<104xi32, #tpu.memory_space<vmem>>) semaphore(%arg8 : memref<!tpu.dma_semaphore, #tpu.memory_space<semaphore_mem>>)
      %dma_start3A_345 = arith.constant 0 : i32
      %dma_start3A_346 = arith.constant 104 : i32
      %dma_start3A_347 = arith.constant 0 : i32
      %dma_start3A_348 = tpu.memref_slice %arg6[%dma_start3A_345, %dma_start3A_346, %dma_start3A_347] : memref<3x200x128xf32, #tpu.memory_space<vmem>> -> memref<1x96x128xf32, #tpu.memory_space<vmem>>
      %dma_start3A_349 = tpu.memref_squeeze %dma_start3A_348 : memref<1x96x128xf32, #tpu.memory_space<vmem>> -> memref<96x128xf32, #tpu.memory_space<vmem>>
      %dma_start3A_350 = arith.constant 104 : i32
      %dma_start3A_351 = tpu.memref_slice %arg5[%min3A_333, %dma_start3A_350] : memref<128x200xi32, #tpu.memory_space<vmem>> -> memref<1x96xi32, #tpu.memory_space<vmem>>
      %dma_start3A_352 = tpu.memref_squeeze %dma_start3A_351 : memref<1x96xi32, #tpu.memory_space<vmem>> -> memref<96xi32, #tpu.memory_space<vmem>>
      %dma_start3A_353 = arith.constant 0 : i32
      %dma_start3A_354 = arith.constant 0 : i32
      %dma_start3A_355 = tpu.memref_slice %arg3[%dma_start3A_353, %dma_start3A_354] : memref<100000x128xf32, #tpu.memory_space<hbm>> -> memref<100000x128xf32, #tpu.memory_space<hbm>>
      tpu.enqueue_indirect_dma source(%dma_start3A_355 : memref<100000x128xf32, #tpu.memory_space<hbm>>) target(%dma_start3A_349 : memref<96x128xf32, #tpu.memory_space<vmem>>) offsets(%dma_start3A_352 : memref<96xi32, #tpu.memory_space<vmem>>) semaphore(%arg8 : memref<!tpu.dma_semaphore, #tpu.memory_space<semaphore_mem>>)
      %add3A_356 = arith.constant 1 : i32
      %add3A_357 = arith.addi %mul3A_258, %add3A_356 : i32
      %dma_wait3A_358 = arith.constant 0 : i32
      %dma_wait3A_359 = arith.constant 1 : i32
      %dma_wait3A_360 = arith.constant 0 : i32
      %dma_wait3A_361 = arith.constant 0 : i32
      %dma_wait3A_362 = tpu.memref_slice %arg6[%dma_wait3A_359, %dma_wait3A_360, %dma_wait3A_361] : memref<3x200x128xf32, #tpu.memory_space<vmem>> -> memref<1x104x128xf32, #tpu.memory_space<vmem>>
      %dma_wait3A_363 = tpu.memref_squeeze %dma_wait3A_362 : memref<1x104x128xf32, #tpu.memory_space<vmem>> -> memref<104x128xf32, #tpu.memory_space<vmem>>
      %dma_wait3A_364 = arith.constant 0 : i32
      %dma_wait3A_365 = tpu.memref_slice %arg5[%dma_wait3A_358, %dma_wait3A_364] : memref<128x200xi32, #tpu.memory_space<vmem>> -> memref<1x104xi32, #tpu.memory_space<vmem>>
      %dma_wait3A_366 = tpu.memref_squeeze %dma_wait3A_365 : memref<1x104xi32, #tpu.memory_space<vmem>> -> memref<104xi32, #tpu.memory_space<vmem>>
      %dma_wait3A_367 = arith.constant 0 : i32
      %dma_wait3A_368 = arith.constant 0 : i32
      %dma_wait3A_369 = tpu.memref_slice %arg3[%dma_wait3A_367, %dma_wait3A_368] : memref<100000x128xf32, #tpu.memory_space<hbm>> -> memref<100000x128xf32, #tpu.memory_space<hbm>>
      tpu.wait_indirect_dma semaphore(%arg9 : memref<!tpu.dma_semaphore, #tpu.memory_space<semaphore_mem>>) src(%dma_wait3A_369 : memref<100000x128xf32, #tpu.memory_space<hbm>>) dst(%dma_wait3A_363 : memref<104x128xf32, #tpu.memory_space<vmem>>)
      %dma_wait3A_370 = arith.constant 0 : i32
      %dma_wait3A_371 = arith.constant 1 : i32
      %dma_wait3A_372 = arith.constant 104 : i32
      %dma_wait3A_373 = arith.constant 0 : i32
      %dma_wait3A_374 = tpu.memref_slice %arg6[%dma_wait3A_371, %dma_wait3A_372, %dma_wait3A_373] : memref<3x200x128xf32, #tpu.memory_space<vmem>> -> memref<1x96x128xf32, #tpu.memory_space<vmem>>
      %dma_wait3A_375 = tpu.memref_squeeze %dma_wait3A_374 : memref<1x96x128xf32, #tpu.memory_space<vmem>> -> memref<96x128xf32, #tpu.memory_space<vmem>>
      %dma_wait3A_376 = arith.constant 104 : i32
      %dma_wait3A_377 = tpu.memref_slice %arg5[%dma_wait3A_370, %dma_wait3A_376] : memref<128x200xi32, #tpu.memory_space<vmem>> -> memref<1x96xi32, #tpu.memory_space<vmem>>
      %dma_wait3A_378 = tpu.memref_squeeze %dma_wait3A_377 : memref<1x96xi32, #tpu.memory_space<vmem>> -> memref<96xi32, #tpu.memory_space<vmem>>
      %dma_wait3A_379 = arith.constant 0 : i32
      %dma_wait3A_380 = arith.constant 0 : i32
      %dma_wait3A_381 = tpu.memref_slice %arg3[%dma_wait3A_379, %dma_wait3A_380] : memref<100000x128xf32, #tpu.memory_space<hbm>> -> memref<100000x128xf32, #tpu.memory_space<hbm>>
      tpu.wait_indirect_dma semaphore(%arg9 : memref<!tpu.dma_semaphore, #tpu.memory_space<semaphore_mem>>) src(%dma_wait3A_381 : memref<100000x128xf32, #tpu.memory_space<hbm>>) dst(%dma_wait3A_375 : memref<96x128xf32, #tpu.memory_space<vmem>>)
      %broadcast_in_dim3A_382 = arith.constant 0.000000e+00 : f32
      %broadcast_in_dim3A_383 = vector.broadcast %broadcast_in_dim3A_382 : f32 to vector<16xf32>
      %broadcast_in_dim3A_384 = arith.constant 0.000000e+00 : f32
      %broadcast_in_dim3A_385 = vector.broadcast %broadcast_in_dim3A_384 : f32 to vector<16xf32>
      %broadcast_in_dim3A_386 = arith.constant 0.000000e+00 : f32
      %broadcast_in_dim3A_387 = vector.broadcast %broadcast_in_dim3A_386 : f32 to vector<16xf32>
      %broadcast_in_dim3A_388 = arith.constant 0.000000e+00 : f32
      %broadcast_in_dim3A_389 = vector.broadcast %broadcast_in_dim3A_388 : f32 to vector<16xf32>
      %broadcast_in_dim3A_390 = arith.constant 0.000000e+00 : f32
      %broadcast_in_dim3A_391 = vector.broadcast %broadcast_in_dim3A_390 : f32 to vector<16xf32>
      %broadcast_in_dim3A_392 = arith.constant 0.000000e+00 : f32
      %broadcast_in_dim3A_393 = vector.broadcast %broadcast_in_dim3A_392 : f32 to vector<16xf32>
      %broadcast_in_dim3A_394 = arith.constant 0.000000e+00 : f32
      %broadcast_in_dim3A_395 = vector.broadcast %broadcast_in_dim3A_394 : f32 to vector<16xf32>
      %broadcast_in_dim3A_396 = arith.constant 0.000000e+00 : f32
      %broadcast_in_dim3A_397 = vector.broadcast %broadcast_in_dim3A_396 : f32 to vector<16xf32>
      %scan3A_398 = arith.constant 0 : i32
      %scan3A_399 = arith.constant 25 : i32
      %scan3A_400 = arith.addi %scan3A_398, %scan3A_399 : i32
      %scan3A_401 = arith.constant 1 : i32
      %scan3A_402:8 = scf.for %scan3A_552 = %scan3A_398 to %scan3A_400 step %scan3A_401 iter_args(%scan3A_553 = %broadcast_in_dim3A_383, %scan3A_554 = %broadcast_in_dim3A_385, %scan3A_555 = %broadcast_in_dim3A_387, %scan3A_556 = %broadcast_in_dim3A_389, %scan3A_557 = %broadcast_in_dim3A_391, %scan3A_558 = %broadcast_in_dim3A_393, %scan3A_559 = %broadcast_in_dim3A_395, %scan3A_560 = %broadcast_in_dim3A_397) -> (vector<16xf32>, vector<16xf32>, vector<16xf32>, vector<16xf32>, vector<16xf32>, vector<16xf32>, vector<16xf32>, vector<16xf32>)  : i32 {
        %mul3A_561 = arith.constant 8 : i32
        %mul3A_562 = arith.muli %scan3A_552, %mul3A_561 : i32
        %add3A_563 = arith.constant 0 : i32
        %add3A_564 = arith.addi %mul3A_562, %add3A_563 : i32
        %get3A = arith.constant 1 : i32
        %get3A_565 = arith.index_cast %get3A : i32 to index
        %get3A_566 = arith.index_cast %add3A_564 : i32 to index
        %get3A_567 = arith.constant 0 : index
        %get3A_568 = tpu.vector_load %arg6[%get3A_565, %get3A_566, %get3A_567] {strides = array<i32>} : memref<3x200x128xf32, #tpu.memory_space<vmem>>, vector<16xf32>,
        %add3A_569 = arith.addf %scan3A_553, %get3A_568 : vector<16xf32>
        %get3A_570 = arith.constant 1 : i32
        %get3A_571 = arith.index_cast %get3A_570 : i32 to index
        %get3A_572 = arith.index_cast %add3A_564 : i32 to index
        %get3A_573 = arith.constant 16 : index
        %get3A_574 = tpu.vector_load %arg6[%get3A_571, %get3A_572, %get3A_573] {strides = array<i32>} : memref<3x200x128xf32, #tpu.memory_space<vmem>>, vector<16xf32>,
        %add3A_575 = arith.addf %scan3A_554, %get3A_574 : vector<16xf32>
        %get3A_576 = arith.constant 1 : i32
        %get3A_577 = arith.index_cast %get3A_576 : i32 to index
        %get3A_578 = arith.index_cast %add3A_564 : i32 to index
        %get3A_579 = arith.constant 32 : index
        %get3A_580 = tpu.vector_load %arg6[%get3A_577, %get3A_578, %get3A_579] {strides = array<i32>} : memref<3x200x128xf32, #tpu.memory_space<vmem>>, vector<16xf32>,
        %add3A_581 = arith.addf %scan3A_555, %get3A_580 : vector<16xf32>
        %get3A_582 = arith.constant 1 : i32
        %get3A_583 = arith.index_cast %get3A_582 : i32 to index
        %get3A_584 = arith.index_cast %add3A_564 : i32 to index
        %get3A_585 = arith.constant 48 : index
        %get3A_586 = tpu.vector_load %arg6[%get3A_583, %get3A_584, %get3A_585] {strides = array<i32>} : memref<3x200x128xf32, #tpu.memory_space<vmem>>, vector<16xf32>,
        %add3A_587 = arith.addf %scan3A_556, %get3A_586 : vector<16xf32>
        %get3A_588 = arith.constant 1 : i32
        %get3A_589 = arith.index_cast %get3A_588 : i32 to index
        %get3A_590 = arith.index_cast %add3A_564 : i32 to index
        %get3A_591 = arith.constant 64 : index
        %get3A_592 = tpu.vector_load %arg6[%get3A_589, %get3A_590, %get3A_591] {strides = array<i32>} : memref<3x200x128xf32, #tpu.memory_space<vmem>>, vector<16xf32>,
        %add3A_593 = arith.addf %scan3A_557, %get3A_592 : vector<16xf32>
        %get3A_594 = arith.constant 1 : i32
        %get3A_595 = arith.index_cast %get3A_594 : i32 to index
        %get3A_596 = arith.index_cast %add3A_564 : i32 to index
        %get3A_597 = arith.constant 80 : index
        %get3A_598 = tpu.vector_load %arg6[%get3A_595, %get3A_596, %get3A_597] {strides = array<i32>} : memref<3x200x128xf32, #tpu.memory_space<vmem>>, vector<16xf32>,
        %add3A_599 = arith.addf %scan3A_558, %get3A_598 : vector<16xf32>
        %get3A_600 = arith.constant 1 : i32
        %get3A_601 = arith.index_cast %get3A_600 : i32 to index
        %get3A_602 = arith.index_cast %add3A_564 : i32 to index
        %get3A_603 = arith.constant 96 : index
        %get3A_604 = tpu.vector_load %arg6[%get3A_601, %get3A_602, %get3A_603] {strides = array<i32>} : memref<3x200x128xf32, #tpu.memory_space<vmem>>, vector<16xf32>,
        %add3A_605 = arith.addf %scan3A_559, %get3A_604 : vector<16xf32>
        %get3A_606 = arith.constant 1 : i32
        %get3A_607 = arith.index_cast %get3A_606 : i32 to index
        %get3A_608 = arith.index_cast %add3A_564 : i32 to index
        %get3A_609 = arith.constant 112 : index
        %get3A_610 = tpu.vector_load %arg6[%get3A_607, %get3A_608, %get3A_609] {strides = array<i32>} : memref<3x200x128xf32, #tpu.memory_space<vmem>>, vector<16xf32>,
        %add3A_611 = arith.addf %scan3A_560, %get3A_610 : vector<16xf32>
        %mul3A_612 = arith.constant 8 : i32
        %mul3A_613 = arith.muli %scan3A_552, %mul3A_612 : i32
        %add3A_614 = arith.constant 1 : i32
        %add3A_615 = arith.addi %mul3A_613, %add3A_614 : i32
        %get3A_616 = arith.constant 1 : i32
        %get3A_617 = arith.index_cast %get3A_616 : i32 to index
        %get3A_618 = arith.index_cast %add3A_615 : i32 to index
        %get3A_619 = arith.constant 0 : index
        %get3A_620 = tpu.vector_load %arg6[%get3A_617, %get3A_618, %get3A_619] {strides = array<i32>} : memref<3x200x128xf32, #tpu.memory_space<vmem>>, vector<16xf32>,
        %add3A_621 = arith.addf %add3A_569, %get3A_620 : vector<16xf32>
        %get3A_622 = arith.constant 1 : i32
        %get3A_623 = arith.index_cast %get3A_622 : i32 to index
        %get3A_624 = arith.index_cast %add3A_615 : i32 to index
        %get3A_625 = arith.constant 16 : index
        %get3A_626 = tpu.vector_load %arg6[%get3A_623, %get3A_624, %get3A_625] {strides = array<i32>} : memref<3x200x128xf32, #tpu.memory_space<vmem>>, vector<16xf32>,
        %add3A_627 = arith.addf %add3A_575, %get3A_626 : vector<16xf32>
        %get3A_628 = arith.constant 1 : i32
        %get3A_629 = arith.index_cast %get3A_628 : i32 to index
        %get3A_630 = arith.index_cast %add3A_615 : i32 to index
        %get3A_631 = arith.constant 32 : index
        %get3A_632 = tpu.vector_load %arg6[%get3A_629, %get3A_630, %get3A_631] {strides = array<i32>} : memref<3x200x128xf32, #tpu.memory_space<vmem>>, vector<16xf32>,
        %add3A_633 = arith.addf %add3A_581, %get3A_632 : vector<16xf32>
        %get3A_634 = arith.constant 1 : i32
        %get3A_635 = arith.index_cast %get3A_634 : i32 to index
        %get3A_636 = arith.index_cast %add3A_615 : i32 to index
        %get3A_637 = arith.constant 48 : index
        %get3A_638 = tpu.vector_load %arg6[%get3A_635, %get3A_636, %get3A_637] {strides = array<i32>} : memref<3x200x128xf32, #tpu.memory_space<vmem>>, vector<16xf32>,
        %add3A_639 = arith.addf %add3A_587, %get3A_638 : vector<16xf32>
        %get3A_640 = arith.constant 1 : i32
        %get3A_641 = arith.index_cast %get3A_640 : i32 to index
        %get3A_642 = arith.index_cast %add3A_615 : i32 to index
        %get3A_643 = arith.constant 64 : index
        %get3A_644 = tpu.vector_load %arg6[%get3A_641, %get3A_642, %get3A_643] {strides = array<i32>} : memref<3x200x128xf32, #tpu.memory_space<vmem>>, vector<16xf32>,
        %add3A_645 = arith.addf %add3A_593, %get3A_644 : vector<16xf32>
        %get3A_646 = arith.constant 1 : i32
        %get3A_647 = arith.index_cast %get3A_646 : i32 to index
        %get3A_648 = arith.index_cast %add3A_615 : i32 to index
        %get3A_649 = arith.constant 80 : index
        %get3A_650 = tpu.vector_load %arg6[%get3A_647, %get3A_648, %get3A_649] {strides = array<i32>} : memref<3x200x128xf32, #tpu.memory_space<vmem>>, vector<16xf32>,
        %add3A_651 = arith.addf %add3A_599, %get3A_650 : vector<16xf32>
        %get3A_652 = arith.constant 1 : i32
        %get3A_653 = arith.index_cast %get3A_652 : i32 to index
        %get3A_654 = arith.index_cast %add3A_615 : i32 to index
        %get3A_655 = arith.constant 96 : index
        %get3A_656 = tpu.vector_load %arg6[%get3A_653, %get3A_654, %get3A_655] {strides = array<i32>} : memref<3x200x128xf32, #tpu.memory_space<vmem>>, vector<16xf32>,
        %add3A_657 = arith.addf %add3A_605, %get3A_656 : vector<16xf32>
        %get3A_658 = arith.constant 1 : i32
        %get3A_659 = arith.index_cast %get3A_658 : i32 to index
        %get3A_660 = arith.index_cast %add3A_615 : i32 to index
        %get3A_661 = arith.constant 112 : index
        %get3A_662 = tpu.vector_load %arg6[%get3A_659, %get3A_660, %get3A_661] {strides = array<i32>} : memref<3x200x128xf32, #tpu.memory_space<vmem>>, vector<16xf32>,
        %add3A_663 = arith.addf %add3A_611, %get3A_662 : vector<16xf32>
        %mul3A_664 = arith.constant 8 : i32
        %mul3A_665 = arith.muli %scan3A_552, %mul3A_664 : i32
        %add3A_666 = arith.constant 2 : i32
        %add3A_667 = arith.addi %mul3A_665, %add3A_666 : i32
        %get3A_668 = arith.constant 1 : i32
        %get3A_669 = arith.index_cast %get3A_668 : i32 to index
        %get3A_670 = arith.index_cast %add3A_667 : i32 to index
        %get3A_671 = arith.constant 0 : index
        %get3A_672 = tpu.vector_load %arg6[%get3A_669, %get3A_670, %get3A_671] {strides = array<i32>} : memref<3x200x128xf32, #tpu.memory_space<vmem>>, vector<16xf32>,
        %add3A_673 = arith.addf %add3A_621, %get3A_672 : vector<16xf32>
        %get3A_674 = arith.constant 1 : i32
        %get3A_675 = arith.index_cast %get3A_674 : i32 to index
        %get3A_676 = arith.index_cast %add3A_667 : i32 to index
        %get3A_677 = arith.constant 16 : index
        %get3A_678 = tpu.vector_load %arg6[%get3A_675, %get3A_676, %get3A_677] {strides = array<i32>} : memref<3x200x128xf32, #tpu.memory_space<vmem>>, vector<16xf32>,
        %add3A_679 = arith.addf %add3A_627, %get3A_678 : vector<16xf32>
        %get3A_680 = arith.constant 1 : i32
        %get3A_681 = arith.index_cast %get3A_680 : i32 to index
        %get3A_682 = arith.index_cast %add3A_667 : i32 to index
        %get3A_683 = arith.constant 32 : index
        %get3A_684 = tpu.vector_load %arg6[%get3A_681, %get3A_682, %get3A_683] {strides = array<i32>} : memref<3x200x128xf32, #tpu.memory_space<vmem>>, vector<16xf32>,
        %add3A_685 = arith.addf %add3A_633, %get3A_684 : vector<16xf32>
        %get3A_686 = arith.constant 1 : i32
        %get3A_687 = arith.index_cast %get3A_686 : i32 to index
        %get3A_688 = arith.index_cast %add3A_667 : i32 to index
        %get3A_689 = arith.constant 48 : index
        %get3A_690 = tpu.vector_load %arg6[%get3A_687, %get3A_688, %get3A_689] {strides = array<i32>} : memref<3x200x128xf32, #tpu.memory_space<vmem>>, vector<16xf32>,
        %add3A_691 = arith.addf %add3A_639, %get3A_690 : vector<16xf32>
        %get3A_692 = arith.constant 1 : i32
        %get3A_693 = arith.index_cast %get3A_692 : i32 to index
        %get3A_694 = arith.index_cast %add3A_667 : i32 to index
        %get3A_695 = arith.constant 64 : index
        %get3A_696 = tpu.vector_load %arg6[%get3A_693, %get3A_694, %get3A_695] {strides = array<i32>} : memref<3x200x128xf32, #tpu.memory_space<vmem>>, vector<16xf32>,
        %add3A_697 = arith.addf %add3A_645, %get3A_696 : vector<16xf32>
        %get3A_698 = arith.constant 1 : i32
        %get3A_699 = arith.index_cast %get3A_698 : i32 to index
        %get3A_700 = arith.index_cast %add3A_667 : i32 to index
        %get3A_701 = arith.constant 80 : index
        %get3A_702 = tpu.vector_load %arg6[%get3A_699, %get3A_700, %get3A_701] {strides = array<i32>} : memref<3x200x128xf32, #tpu.memory_space<vmem>>, vector<16xf32>,
        %add3A_703 = arith.addf %add3A_651, %get3A_702 : vector<16xf32>
        %get3A_704 = arith.constant 1 : i32
        %get3A_705 = arith.index_cast %get3A_704 : i32 to index
        %get3A_706 = arith.index_cast %add3A_667 : i32 to index
        %get3A_707 = arith.constant 96 : index
        %get3A_708 = tpu.vector_load %arg6[%get3A_705, %get3A_706, %get3A_707] {strides = array<i32>} : memref<3x200x128xf32, #tpu.memory_space<vmem>>, vector<16xf32>,
        %add3A_709 = arith.addf %add3A_657, %get3A_708 : vector<16xf32>
        %get3A_710 = arith.constant 1 : i32
        %get3A_711 = arith.index_cast %get3A_710 : i32 to index
        %get3A_712 = arith.index_cast %add3A_667 : i32 to index
        %get3A_713 = arith.constant 112 : index
        %get3A_714 = tpu.vector_load %arg6[%get3A_711, %get3A_712, %get3A_713] {strides = array<i32>} : memref<3x200x128xf32, #tpu.memory_space<vmem>>, vector<16xf32>,
        %add3A_715 = arith.addf %add3A_663, %get3A_714 : vector<16xf32>
        %mul3A_716 = arith.constant 8 : i32
        %mul3A_717 = arith.muli %scan3A_552, %mul3A_716 : i32
        %add3A_718 = arith.constant 3 : i32
        %add3A_719 = arith.addi %mul3A_717, %add3A_718 : i32
        %get3A_720 = arith.constant 1 : i32
        %get3A_721 = arith.index_cast %get3A_720 : i32 to index
        %get3A_722 = arith.index_cast %add3A_719 : i32 to index
        %get3A_723 = arith.constant 0 : index
        %get3A_724 = tpu.vector_load %arg6[%get3A_721, %get3A_722, %get3A_723] {strides = array<i32>} : memref<3x200x128xf32, #tpu.memory_space<vmem>>, vector<16xf32>,
        %add3A_725 = arith.addf %add3A_673, %get3A_724 : vector<16xf32>
        %get3A_726 = arith.constant 1 : i32
        %get3A_727 = arith.index_cast %get3A_726 : i32 to index
        %get3A_728 = arith.index_cast %add3A_719 : i32 to index
        %get3A_729 = arith.constant 16 : index
        %get3A_730 = tpu.vector_load %arg6[%get3A_727, %get3A_728, %get3A_729] {strides = array<i32>} : memref<3x200x128xf32, #tpu.memory_space<vmem>>, vector<16xf32>,
        %add3A_731 = arith.addf %add3A_679, %get3A_730 : vector<16xf32>
        %get3A_732 = arith.constant 1 : i32
        %get3A_733 = arith.index_cast %get3A_732 : i32 to index
        %get3A_734 = arith.index_cast %add3A_719 : i32 to index
        %get3A_735 = arith.constant 32 : index
        %get3A_736 = tpu.vector_load %arg6[%get3A_733, %get3A_734, %get3A_735] {strides = array<i32>} : memref<3x200x128xf32, #tpu.memory_space<vmem>>, vector<16xf32>,
        %add3A_737 = arith.addf %add3A_685, %get3A_736 : vector<16xf32>
        %get3A_738 = arith.constant 1 : i32
        %get3A_739 = arith.index_cast %get3A_738 : i32 to index
        %get3A_740 = arith.index_cast %add3A_719 : i32 to index
        %get3A_741 = arith.constant 48 : index
        %get3A_742 = tpu.vector_load %arg6[%get3A_739, %get3A_740, %get3A_741] {strides = array<i32>} : memref<3x200x128xf32, #tpu.memory_space<vmem>>, vector<16xf32>,
        %add3A_743 = arith.addf %add3A_691, %get3A_742 : vector<16xf32>
        %get3A_744 = arith.constant 1 : i32
        %get3A_745 = arith.index_cast %get3A_744 : i32 to index
        %get3A_746 = arith.index_cast %add3A_719 : i32 to index
        %get3A_747 = arith.constant 64 : index
        %get3A_748 = tpu.vector_load %arg6[%get3A_745, %get3A_746, %get3A_747] {strides = array<i32>} : memref<3x200x128xf32, #tpu.memory_space<vmem>>, vector<16xf32>,
        %add3A_749 = arith.addf %add3A_697, %get3A_748 : vector<16xf32>
        %get3A_750 = arith.constant 1 : i32
        %get3A_751 = arith.index_cast %get3A_750 : i32 to index
        %get3A_752 = arith.index_cast %add3A_719 : i32 to index
        %get3A_753 = arith.constant 80 : index
        %get3A_754 = tpu.vector_load %arg6[%get3A_751, %get3A_752, %get3A_753] {strides = array<i32>} : memref<3x200x128xf32, #tpu.memory_space<vmem>>, vector<16xf32>,
        %add3A_755 = arith.addf %add3A_703, %get3A_754 : vector<16xf32>
        %get3A_756 = arith.constant 1 : i32
        %get3A_757 = arith.index_cast %get3A_756 : i32 to index
        %get3A_758 = arith.index_cast %add3A_719 : i32 to index
        %get3A_759 = arith.constant 96 : index
        %get3A_760 = tpu.vector_load %arg6[%get3A_757, %get3A_758, %get3A_759] {strides = array<i32>} : memref<3x200x128xf32, #tpu.memory_space<vmem>>, vector<16xf32>,
        %add3A_761 = arith.addf %add3A_709, %get3A_760 : vector<16xf32>
        %get3A_762 = arith.constant 1 : i32
        %get3A_763 = arith.index_cast %get3A_762 : i32 to index
        %get3A_764 = arith.index_cast %add3A_719 : i32 to index
        %get3A_765 = arith.constant 112 : index
        %get3A_766 = tpu.vector_load %arg6[%get3A_763, %get3A_764, %get3A_765] {strides = array<i32>} : memref<3x200x128xf32, #tpu.memory_space<vmem>>, vector<16xf32>,
        %add3A_767 = arith.addf %add3A_715, %get3A_766 : vector<16xf32>
        %mul3A_768 = arith.constant 8 : i32
        %mul3A_769 = arith.muli %scan3A_552, %mul3A_768 : i32
        %add3A_770 = arith.constant 4 : i32
        %add3A_771 = arith.addi %mul3A_769, %add3A_770 : i32
        %get3A_772 = arith.constant 1 : i32
        %get3A_773 = arith.index_cast %get3A_772 : i32 to index
        %get3A_774 = arith.index_cast %add3A_771 : i32 to index
        %get3A_775 = arith.constant 0 : index
        %get3A_776 = tpu.vector_load %arg6[%get3A_773, %get3A_774, %get3A_775] {strides = array<i32>} : memref<3x200x128xf32, #tpu.memory_space<vmem>>, vector<16xf32>,
        %add3A_777 = arith.addf %add3A_725, %get3A_776 : vector<16xf32>
        %get3A_778 = arith.constant 1 : i32
        %get3A_779 = arith.index_cast %get3A_778 : i32 to index
        %get3A_780 = arith.index_cast %add3A_771 : i32 to index
        %get3A_781 = arith.constant 16 : index
        %get3A_782 = tpu.vector_load %arg6[%get3A_779, %get3A_780, %get3A_781] {strides = array<i32>} : memref<3x200x128xf32, #tpu.memory_space<vmem>>, vector<16xf32>,
        %add3A_783 = arith.addf %add3A_731, %get3A_782 : vector<16xf32>
        %get3A_784 = arith.constant 1 : i32
        %get3A_785 = arith.index_cast %get3A_784 : i32 to index
        %get3A_786 = arith.index_cast %add3A_771 : i32 to index
        %get3A_787 = arith.constant 32 : index
        %get3A_788 = tpu.vector_load %arg6[%get3A_785, %get3A_786, %get3A_787] {strides = array<i32>} : memref<3x200x128xf32, #tpu.memory_space<vmem>>, vector<16xf32>,
        %add3A_789 = arith.addf %add3A_737, %get3A_788 : vector<16xf32>
        %get3A_790 = arith.constant 1 : i32
        %get3A_791 = arith.index_cast %get3A_790 : i32 to index
        %get3A_792 = arith.index_cast %add3A_771 : i32 to index
        %get3A_793 = arith.constant 48 : index
        %get3A_794 = tpu.vector_load %arg6[%get3A_791, %get3A_792, %get3A_793] {strides = array<i32>} : memref<3x200x128xf32, #tpu.memory_space<vmem>>, vector<16xf32>,
        %add3A_795 = arith.addf %add3A_743, %get3A_794 : vector<16xf32>
        %get3A_796 = arith.constant 1 : i32
        %get3A_797 = arith.index_cast %get3A_796 : i32 to index
        %get3A_798 = arith.index_cast %add3A_771 : i32 to index
        %get3A_799 = arith.constant 64 : index
        %get3A_800 = tpu.vector_load %arg6[%get3A_797, %get3A_798, %get3A_799] {strides = array<i32>} : memref<3x200x128xf32, #tpu.memory_space<vmem>>, vector<16xf32>,
        %add3A_801 = arith.addf %add3A_749, %get3A_800 : vector<16xf32>
        %get3A_802 = arith.constant 1 : i32
        %get3A_803 = arith.index_cast %get3A_802 : i32 to index
        %get3A_804 = arith.index_cast %add3A_771 : i32 to index
        %get3A_805 = arith.constant 80 : index
        %get3A_806 = tpu.vector_load %arg6[%get3A_803, %get3A_804, %get3A_805] {strides = array<i32>} : memref<3x200x128xf32, #tpu.memory_space<vmem>>, vector<16xf32>,
        %add3A_807 = arith.addf %add3A_755, %get3A_806 : vector<16xf32>
        %get3A_808 = arith.constant 1 : i32
        %get3A_809 = arith.index_cast %get3A_808 : i32 to index
        %get3A_810 = arith.index_cast %add3A_771 : i32 to index
        %get3A_811 = arith.constant 96 : index
        %get3A_812 = tpu.vector_load %arg6[%get3A_809, %get3A_810, %get3A_811] {strides = array<i32>} : memref<3x200x128xf32, #tpu.memory_space<vmem>>, vector<16xf32>,
        %add3A_813 = arith.addf %add3A_761, %get3A_812 : vector<16xf32>
        %get3A_814 = arith.constant 1 : i32
        %get3A_815 = arith.index_cast %get3A_814 : i32 to index
        %get3A_816 = arith.index_cast %add3A_771 : i32 to index
        %get3A_817 = arith.constant 112 : index
        %get3A_818 = tpu.vector_load %arg6[%get3A_815, %get3A_816, %get3A_817] {strides = array<i32>} : memref<3x200x128xf32, #tpu.memory_space<vmem>>, vector<16xf32>,
        %add3A_819 = arith.addf %add3A_767, %get3A_818 : vector<16xf32>
        %mul3A_820 = arith.constant 8 : i32
        %mul3A_821 = arith.muli %scan3A_552, %mul3A_820 : i32
        %add3A_822 = arith.constant 5 : i32
        %add3A_823 = arith.addi %mul3A_821, %add3A_822 : i32
        %get3A_824 = arith.constant 1 : i32
        %get3A_825 = arith.index_cast %get3A_824 : i32 to index
        %get3A_826 = arith.index_cast %add3A_823 : i32 to index
        %get3A_827 = arith.constant 0 : index
        %get3A_828 = tpu.vector_load %arg6[%get3A_825, %get3A_826, %get3A_827] {strides = array<i32>} : memref<3x200x128xf32, #tpu.memory_space<vmem>>, vector<16xf32>,
        %add3A_829 = arith.addf %add3A_777, %get3A_828 : vector<16xf32>
        %get3A_830 = arith.constant 1 : i32
        %get3A_831 = arith.index_cast %get3A_830 : i32 to index
        %get3A_832 = arith.index_cast %add3A_823 : i32 to index
        %get3A_833 = arith.constant 16 : index
        %get3A_834 = tpu.vector_load %arg6[%get3A_831, %get3A_832, %get3A_833] {strides = array<i32>} : memref<3x200x128xf32, #tpu.memory_space<vmem>>, vector<16xf32>,
        %add3A_835 = arith.addf %add3A_783, %get3A_834 : vector<16xf32>
        %get3A_836 = arith.constant 1 : i32
        %get3A_837 = arith.index_cast %get3A_836 : i32 to index
        %get3A_838 = arith.index_cast %add3A_823 : i32 to index
        %get3A_839 = arith.constant 32 : index
        %get3A_840 = tpu.vector_load %arg6[%get3A_837, %get3A_838, %get3A_839] {strides = array<i32>} : memref<3x200x128xf32, #tpu.memory_space<vmem>>, vector<16xf32>,
        %add3A_841 = arith.addf %add3A_789, %get3A_840 : vector<16xf32>
        %get3A_842 = arith.constant 1 : i32
        %get3A_843 = arith.index_cast %get3A_842 : i32 to index
        %get3A_844 = arith.index_cast %add3A_823 : i32 to index
        %get3A_845 = arith.constant 48 : index
        %get3A_846 = tpu.vector_load %arg6[%get3A_843, %get3A_844, %get3A_845] {strides = array<i32>} : memref<3x200x128xf32, #tpu.memory_space<vmem>>, vector<16xf32>,
        %add3A_847 = arith.addf %add3A_795, %get3A_846 : vector<16xf32>
        %get3A_848 = arith.constant 1 : i32
        %get3A_849 = arith.index_cast %get3A_848 : i32 to index
        %get3A_850 = arith.index_cast %add3A_823 : i32 to index
        %get3A_851 = arith.constant 64 : index
        %get3A_852 = tpu.vector_load %arg6[%get3A_849, %get3A_850, %get3A_851] {strides = array<i32>} : memref<3x200x128xf32, #tpu.memory_space<vmem>>, vector<16xf32>,
        %add3A_853 = arith.addf %add3A_801, %get3A_852 : vector<16xf32>
        %get3A_854 = arith.constant 1 : i32
        %get3A_855 = arith.index_cast %get3A_854 : i32 to index
        %get3A_856 = arith.index_cast %add3A_823 : i32 to index
        %get3A_857 = arith.constant 80 : index
        %get3A_858 = tpu.vector_load %arg6[%get3A_855, %get3A_856, %get3A_857] {strides = array<i32>} : memref<3x200x128xf32, #tpu.memory_space<vmem>>, vector<16xf32>,
        %add3A_859 = arith.addf %add3A_807, %get3A_858 : vector<16xf32>
        %get3A_860 = arith.constant 1 : i32
        %get3A_861 = arith.index_cast %get3A_860 : i32 to index
        %get3A_862 = arith.index_cast %add3A_823 : i32 to index
        %get3A_863 = arith.constant 96 : index
        %get3A_864 = tpu.vector_load %arg6[%get3A_861, %get3A_862, %get3A_863] {strides = array<i32>} : memref<3x200x128xf32, #tpu.memory_space<vmem>>, vector<16xf32>,
        %add3A_865 = arith.addf %add3A_813, %get3A_864 : vector<16xf32>
        %get3A_866 = arith.constant 1 : i32
        %get3A_867 = arith.index_cast %get3A_866 : i32 to index
        %get3A_868 = arith.index_cast %add3A_823 : i32 to index
        %get3A_869 = arith.constant 112 : index
        %get3A_870 = tpu.vector_load %arg6[%get3A_867, %get3A_868, %get3A_869] {strides = array<i32>} : memref<3x200x128xf32, #tpu.memory_space<vmem>>, vector<16xf32>,
        %add3A_871 = arith.addf %add3A_819, %get3A_870 : vector<16xf32>
        %mul3A_872 = arith.constant 8 : i32
        %mul3A_873 = arith.muli %scan3A_552, %mul3A_872 : i32
        %add3A_874 = arith.constant 6 : i32
        %add3A_875 = arith.addi %mul3A_873, %add3A_874 : i32
        %get3A_876 = arith.constant 1 : i32
        %get3A_877 = arith.index_cast %get3A_876 : i32 to index
        %get3A_878 = arith.index_cast %add3A_875 : i32 to index
        %get3A_879 = arith.constant 0 : index
        %get3A_880 = tpu.vector_load %arg6[%get3A_877, %get3A_878, %get3A_879] {strides = array<i32>} : memref<3x200x128xf32, #tpu.memory_space<vmem>>, vector<16xf32>,
        %add3A_881 = arith.addf %add3A_829, %get3A_880 : vector<16xf32>
        %get3A_882 = arith.constant 1 : i32
        %get3A_883 = arith.index_cast %get3A_882 : i32 to index
        %get3A_884 = arith.index_cast %add3A_875 : i32 to index
        %get3A_885 = arith.constant 16 : index
        %get3A_886 = tpu.vector_load %arg6[%get3A_883, %get3A_884, %get3A_885] {strides = array<i32>} : memref<3x200x128xf32, #tpu.memory_space<vmem>>, vector<16xf32>,
        %add3A_887 = arith.addf %add3A_835, %get3A_886 : vector<16xf32>
        %get3A_888 = arith.constant 1 : i32
        %get3A_889 = arith.index_cast %get3A_888 : i32 to index
        %get3A_890 = arith.index_cast %add3A_875 : i32 to index
        %get3A_891 = arith.constant 32 : index
        %get3A_892 = tpu.vector_load %arg6[%get3A_889, %get3A_890, %get3A_891] {strides = array<i32>} : memref<3x200x128xf32, #tpu.memory_space<vmem>>, vector<16xf32>,
        %add3A_893 = arith.addf %add3A_841, %get3A_892 : vector<16xf32>
        %get3A_894 = arith.constant 1 : i32
        %get3A_895 = arith.index_cast %get3A_894 : i32 to index
        %get3A_896 = arith.index_cast %add3A_875 : i32 to index
        %get3A_897 = arith.constant 48 : index
        %get3A_898 = tpu.vector_load %arg6[%get3A_895, %get3A_896, %get3A_897] {strides = array<i32>} : memref<3x200x128xf32, #tpu.memory_space<vmem>>, vector<16xf32>,
        %add3A_899 = arith.addf %add3A_847, %get3A_898 : vector<16xf32>
        %get3A_900 = arith.constant 1 : i32
        %get3A_901 = arith.index_cast %get3A_900 : i32 to index
        %get3A_902 = arith.index_cast %add3A_875 : i32 to index
        %get3A_903 = arith.constant 64 : index
        %get3A_904 = tpu.vector_load %arg6[%get3A_901, %get3A_902, %get3A_903] {strides = array<i32>} : memref<3x200x128xf32, #tpu.memory_space<vmem>>, vector<16xf32>,
        %add3A_905 = arith.addf %add3A_853, %get3A_904 : vector<16xf32>
        %get3A_906 = arith.constant 1 : i32
        %get3A_907 = arith.index_cast %get3A_906 : i32 to index
        %get3A_908 = arith.index_cast %add3A_875 : i32 to index
        %get3A_909 = arith.constant 80 : index
        %get3A_910 = tpu.vector_load %arg6[%get3A_907, %get3A_908, %get3A_909] {strides = array<i32>} : memref<3x200x128xf32, #tpu.memory_space<vmem>>, vector<16xf32>,
        %add3A_911 = arith.addf %add3A_859, %get3A_910 : vector<16xf32>
        %get3A_912 = arith.constant 1 : i32
        %get3A_913 = arith.index_cast %get3A_912 : i32 to index
        %get3A_914 = arith.index_cast %add3A_875 : i32 to index
        %get3A_915 = arith.constant 96 : index
        %get3A_916 = tpu.vector_load %arg6[%get3A_913, %get3A_914, %get3A_915] {strides = array<i32>} : memref<3x200x128xf32, #tpu.memory_space<vmem>>, vector<16xf32>,
        %add3A_917 = arith.addf %add3A_865, %get3A_916 : vector<16xf32>
        %get3A_918 = arith.constant 1 : i32
        %get3A_919 = arith.index_cast %get3A_918 : i32 to index
        %get3A_920 = arith.index_cast %add3A_875 : i32 to index
        %get3A_921 = arith.constant 112 : index
        %get3A_922 = tpu.vector_load %arg6[%get3A_919, %get3A_920, %get3A_921] {strides = array<i32>} : memref<3x200x128xf32, #tpu.memory_space<vmem>>, vector<16xf32>,
        %add3A_923 = arith.addf %add3A_871, %get3A_922 : vector<16xf32>
        %mul3A_924 = arith.constant 8 : i32
        %mul3A_925 = arith.muli %scan3A_552, %mul3A_924 : i32
        %add3A_926 = arith.constant 7 : i32
        %add3A_927 = arith.addi %mul3A_925, %add3A_926 : i32
        %get3A_928 = arith.constant 1 : i32
        %get3A_929 = arith.index_cast %get3A_928 : i32 to index
        %get3A_930 = arith.index_cast %add3A_927 : i32 to index
        %get3A_931 = arith.constant 0 : index
        %get3A_932 = tpu.vector_load %arg6[%get3A_929, %get3A_930, %get3A_931] {strides = array<i32>} : memref<3x200x128xf32, #tpu.memory_space<vmem>>, vector<16xf32>,
        %add3A_933 = arith.addf %add3A_881, %get3A_932 : vector<16xf32>
        %get3A_934 = arith.constant 1 : i32
        %get3A_935 = arith.index_cast %get3A_934 : i32 to index
        %get3A_936 = arith.index_cast %add3A_927 : i32 to index
        %get3A_937 = arith.constant 16 : index
        %get3A_938 = tpu.vector_load %arg6[%get3A_935, %get3A_936, %get3A_937] {strides = array<i32>} : memref<3x200x128xf32, #tpu.memory_space<vmem>>, vector<16xf32>,
        %add3A_939 = arith.addf %add3A_887, %get3A_938 : vector<16xf32>
        %get3A_940 = arith.constant 1 : i32
        %get3A_941 = arith.index_cast %get3A_940 : i32 to index
        %get3A_942 = arith.index_cast %add3A_927 : i32 to index
        %get3A_943 = arith.constant 32 : index
        %get3A_944 = tpu.vector_load %arg6[%get3A_941, %get3A_942, %get3A_943] {strides = array<i32>} : memref<3x200x128xf32, #tpu.memory_space<vmem>>, vector<16xf32>,
        %add3A_945 = arith.addf %add3A_893, %get3A_944 : vector<16xf32>
        %get3A_946 = arith.constant 1 : i32
        %get3A_947 = arith.index_cast %get3A_946 : i32 to index
        %get3A_948 = arith.index_cast %add3A_927 : i32 to index
        %get3A_949 = arith.constant 48 : index
        %get3A_950 = tpu.vector_load %arg6[%get3A_947, %get3A_948, %get3A_949] {strides = array<i32>} : memref<3x200x128xf32, #tpu.memory_space<vmem>>, vector<16xf32>,
        %add3A_951 = arith.addf %add3A_899, %get3A_950 : vector<16xf32>
        %get3A_952 = arith.constant 1 : i32
        %get3A_953 = arith.index_cast %get3A_952 : i32 to index
        %get3A_954 = arith.index_cast %add3A_927 : i32 to index
        %get3A_955 = arith.constant 64 : index
        %get3A_956 = tpu.vector_load %arg6[%get3A_953, %get3A_954, %get3A_955] {strides = array<i32>} : memref<3x200x128xf32, #tpu.memory_space<vmem>>, vector<16xf32>,
        %add3A_957 = arith.addf %add3A_905, %get3A_956 : vector<16xf32>
        %get3A_958 = arith.constant 1 : i32
        %get3A_959 = arith.index_cast %get3A_958 : i32 to index
        %get3A_960 = arith.index_cast %add3A_927 : i32 to index
        %get3A_961 = arith.constant 80 : index
        %get3A_962 = tpu.vector_load %arg6[%get3A_959, %get3A_960, %get3A_961] {strides = array<i32>} : memref<3x200x128xf32, #tpu.memory_space<vmem>>, vector<16xf32>,
        %add3A_963 = arith.addf %add3A_911, %get3A_962 : vector<16xf32>
        %get3A_964 = arith.constant 1 : i32
        %get3A_965 = arith.index_cast %get3A_964 : i32 to index
        %get3A_966 = arith.index_cast %add3A_927 : i32 to index
        %get3A_967 = arith.constant 96 : index
        %get3A_968 = tpu.vector_load %arg6[%get3A_965, %get3A_966, %get3A_967] {strides = array<i32>} : memref<3x200x128xf32, #tpu.memory_space<vmem>>, vector<16xf32>,
        %add3A_969 = arith.addf %add3A_917, %get3A_968 : vector<16xf32>
        %get3A_970 = arith.constant 1 : i32
        %get3A_971 = arith.index_cast %get3A_970 : i32 to index
        %get3A_972 = arith.index_cast %add3A_927 : i32 to index
        %get3A_973 = arith.constant 112 : index
        %get3A_974 = tpu.vector_load %arg6[%get3A_971, %get3A_972, %get3A_973] {strides = array<i32>} : memref<3x200x128xf32, #tpu.memory_space<vmem>>, vector<16xf32>,
        %add3A_975 = arith.addf %add3A_923, %get3A_974 : vector<16xf32>
        scf.yield %add3A_933, %add3A_939, %add3A_945, %add3A_951, %add3A_957, %add3A_963, %add3A_969, %add3A_975 : vector<16xf32>, vector<16xf32>, vector<16xf32>, vector<16xf32>, vector<16xf32>, vector<16xf32>, vector<16xf32>, vector<16xf32>
      }
      %scan3A_403 = arith.constant 25 : i32
      %swap3A_404 = arith.index_cast %add3A_357 : i32 to index
      %swap3A_405 = arith.constant 0 : index
      %swap3A_406 = tpu.vector_load %arg7[%swap3A_404, %swap3A_405] {strides = array<i32>} : memref<128x128xf32, #tpu.memory_space<vmem>>, vector<16xf32>,
      tpu.vector_store %arg7[%swap3A_404, %swap3A_405], %scan3A_402#0 {strides = array<i32>} : memref<128x128xf32, #tpu.memory_space<vmem>>, vector<16xf32>,
      %swap3A_407 = arith.index_cast %add3A_357 : i32 to index
      %swap3A_408 = arith.constant 16 : index
      %swap3A_409 = tpu.vector_load %arg7[%swap3A_407, %swap3A_408] {strides = array<i32>} : memref<128x128xf32, #tpu.memory_space<vmem>>, vector<16xf32>,
      tpu.vector_store %arg7[%swap3A_407, %swap3A_408], %scan3A_402#1 {strides = array<i32>} : memref<128x128xf32, #tpu.memory_space<vmem>>, vector<16xf32>,
      %swap3A_410 = arith.index_cast %add3A_357 : i32 to index
      %swap3A_411 = arith.constant 32 : index
      %swap3A_412 = tpu.vector_load %arg7[%swap3A_410, %swap3A_411] {strides = array<i32>} : memref<128x128xf32, #tpu.memory_space<vmem>>, vector<16xf32>,
      tpu.vector_store %arg7[%swap3A_410, %swap3A_411], %scan3A_402#2 {strides = array<i32>} : memref<128x128xf32, #tpu.memory_space<vmem>>, vector<16xf32>,
      %swap3A_413 = arith.index_cast %add3A_357 : i32 to index
      %swap3A_414 = arith.constant 48 : index
      %swap3A_415 = tpu.vector_load %arg7[%swap3A_413, %swap3A_414] {strides = array<i32>} : memref<128x128xf32, #tpu.memory_space<vmem>>, vector<16xf32>,
      tpu.vector_store %arg7[%swap3A_413, %swap3A_414], %scan3A_402#3 {strides = array<i32>} : memref<128x128xf32, #tpu.memory_space<vmem>>, vector<16xf32>,
      %swap3A_416 = arith.index_cast %add3A_357 : i32 to index
      %swap3A_417 = arith.constant 64 : index
      %swap3A_418 = tpu.vector_load %arg7[%swap3A_416, %swap3A_417] {strides = array<i32>} : memref<128x128xf32, #tpu.memory_space<vmem>>, vector<16xf32>,
      tpu.vector_store %arg7[%swap3A_416, %swap3A_417], %scan3A_402#4 {strides = array<i32>} : memref<128x128xf32, #tpu.memory_space<vmem>>, vector<16xf32>,
      %swap3A_419 = arith.index_cast %add3A_357 : i32 to index
      %swap3A_420 = arith.constant 80 : index
      %swap3A_421 = tpu.vector_load %arg7[%swap3A_419, %swap3A_420] {strides = array<i32>} : memref<128x128xf32, #tpu.memory_space<vmem>>, vector<16xf32>,
      tpu.vector_store %arg7[%swap3A_419, %swap3A_420], %scan3A_402#5 {strides = array<i32>} : memref<128x128xf32, #tpu.memory_space<vmem>>, vector<16xf32>,
      %swap3A_422 = arith.index_cast %add3A_357 : i32 to index
      %swap3A_423 = arith.constant 96 : index
      %swap3A_424 = tpu.vector_load %arg7[%swap3A_422, %swap3A_423] {strides = array<i32>} : memref<128x128xf32, #tpu.memory_space<vmem>>, vector<16xf32>,
      tpu.vector_store %arg7[%swap3A_422, %swap3A_423], %scan3A_402#6 {strides = array<i32>} : memref<128x128xf32, #tpu.memory_space<vmem>>, vector<16xf32>,
      %swap3A_425 = arith.index_cast %add3A_357 : i32 to index
      %swap3A_426 = arith.constant 112 : index
      %swap3A_427 = tpu.vector_load %arg7[%swap3A_425, %swap3A_426] {strides = array<i32>} : memref<128x128xf32, #tpu.memory_space<vmem>>, vector<16xf32>,
      tpu.vector_store %arg7[%swap3A_425, %swap3A_426], %scan3A_402#7 {strides = array<i32>} : memref<128x128xf32, #tpu.memory_space<vmem>>, vector<16xf32>,
      %add3A_428 = arith.constant 3 : i32
      %add3A_429 = arith.addi %add3A_357, %add3A_428 : i32
      %min3A_430 = arith.constant 127 : i32
      %min3A_431 = arith.minsi %add3A_429, %min3A_430 : i32
      %dma_start3A_432 = arith.constant 1 : i32
      %dma_start3A_433 = arith.constant 0 : i32
      %dma_start3A_434 = arith.constant 0 : i32
      %dma_start3A_435 = tpu.memref_slice %arg6[%dma_start3A_432, %dma_start3A_433, %dma_start3A_434] : memref<3x200x128xf32, #tpu.memory_space<vmem>> -> memref<1x104x128xf32, #tpu.memory_space<vmem>>
      %dma_start3A_436 = tpu.memref_squeeze %dma_start3A_435 : memref<1x104x128xf32, #tpu.memory_space<vmem>> -> memref<104x128xf32, #tpu.memory_space<vmem>>
      %dma_start3A_437 = arith.constant 0 : i32
      %dma_start3A_438 = tpu.memref_slice %arg5[%min3A_431, %dma_start3A_437] : memref<128x200xi32, #tpu.memory_space<vmem>> -> memref<1x104xi32, #tpu.memory_space<vmem>>
      %dma_start3A_439 = tpu.memref_squeeze %dma_start3A_438 : memref<1x104xi32, #tpu.memory_space<vmem>> -> memref<104xi32, #tpu.memory_space<vmem>>
      %dma_start3A_440 = arith.constant 0 : i32
      %dma_start3A_441 = arith.constant 0 : i32
      %dma_start3A_442 = tpu.memref_slice %arg3[%dma_start3A_440, %dma_start3A_441] : memref<100000x128xf32, #tpu.memory_space<hbm>> -> memref<100000x128xf32, #tpu.memory_space<hbm>>
      tpu.enqueue_indirect_dma source(%dma_start3A_442 : memref<100000x128xf32, #tpu.memory_space<hbm>>) target(%dma_start3A_436 : memref<104x128xf32, #tpu.memory_space<vmem>>) offsets(%dma_start3A_439 : memref<104xi32, #tpu.memory_space<vmem>>) semaphore(%arg9 : memref<!tpu.dma_semaphore, #tpu.memory_space<semaphore_mem>>)
      %dma_start3A_443 = arith.constant 1 : i32
      %dma_start3A_444 = arith.constant 104 : i32
      %dma_start3A_445 = arith.constant 0 : i32
      %dma_start3A_446 = tpu.memref_slice %arg6[%dma_start3A_443, %dma_start3A_444, %dma_start3A_445] : memref<3x200x128xf32, #tpu.memory_space<vmem>> -> memref<1x96x128xf32, #tpu.memory_space<vmem>>
      %dma_start3A_447 = tpu.memref_squeeze %dma_start3A_446 : memref<1x96x128xf32, #tpu.memory_space<vmem>> -> memref<96x128xf32, #tpu.memory_space<vmem>>
      %dma_start3A_448 = arith.constant 104 : i32
      %dma_start3A_449 = tpu.memref_slice %arg5[%min3A_431, %dma_start3A_448] : memref<128x200xi32, #tpu.memory_space<vmem>> -> memref<1x96xi32, #tpu.memory_space<vmem>>
      %dma_start3A_450 = tpu.memref_squeeze %dma_start3A_449 : memref<1x96xi32, #tpu.memory_space<vmem>> -> memref<96xi32, #tpu.memory_space<vmem>>
      %dma_start3A_451 = arith.constant 0 : i32
      %dma_start3A_452 = arith.constant 0 : i32
      %dma_start3A_453 = tpu.memref_slice %arg3[%dma_start3A_451, %dma_start3A_452] : memref<100000x128xf32, #tpu.memory_space<hbm>> -> memref<100000x128xf32, #tpu.memory_space<hbm>>
      tpu.enqueue_indirect_dma source(%dma_start3A_453 : memref<100000x128xf32, #tpu.memory_space<hbm>>) target(%dma_start3A_447 : memref<96x128xf32, #tpu.memory_space<vmem>>) offsets(%dma_start3A_450 : memref<96xi32, #tpu.memory_space<vmem>>) semaphore(%arg9 : memref<!tpu.dma_semaphore, #tpu.memory_space<semaphore_mem>>)
      %add3A_454 = arith.constant 2 : i32
      %add3A_455 = arith.addi %mul3A_258, %add3A_454 : i32
      %dma_wait3A_456 = arith.constant 0 : i32
      %dma_wait3A_457 = arith.constant 2 : i32
      %dma_wait3A_458 = arith.constant 0 : i32
      %dma_wait3A_459 = arith.constant 0 : i32
      %dma_wait3A_460 = tpu.memref_slice %arg6[%dma_wait3A_457, %dma_wait3A_458, %dma_wait3A_459] : memref<3x200x128xf32, #tpu.memory_space<vmem>> -> memref<1x104x128xf32, #tpu.memory_space<vmem>>
      %dma_wait3A_461 = tpu.memref_squeeze %dma_wait3A_460 : memref<1x104x128xf32, #tpu.memory_space<vmem>> -> memref<104x128xf32, #tpu.memory_space<vmem>>
      %dma_wait3A_462 = arith.constant 0 : i32
      %dma_wait3A_463 = tpu.memref_slice %arg5[%dma_wait3A_456, %dma_wait3A_462] : memref<128x200xi32, #tpu.memory_space<vmem>> -> memref<1x104xi32, #tpu.memory_space<vmem>>
      %dma_wait3A_464 = tpu.memref_squeeze %dma_wait3A_463 : memref<1x104xi32, #tpu.memory_space<vmem>> -> memref<104xi32, #tpu.memory_space<vmem>>
      %dma_wait3A_465 = arith.constant 0 : i32
      %dma_wait3A_466 = arith.constant 0 : i32
      %dma_wait3A_467 = tpu.memref_slice %arg3[%dma_wait3A_465, %dma_wait3A_466] : memref<100000x128xf32, #tpu.memory_space<hbm>> -> memref<100000x128xf32, #tpu.memory_space<hbm>>
      tpu.wait_indirect_dma semaphore(%arg10 : memref<!tpu.dma_semaphore, #tpu.memory_space<semaphore_mem>>) src(%dma_wait3A_467 : memref<100000x128xf32, #tpu.memory_space<hbm>>) dst(%dma_wait3A_461 : memref<104x128xf32, #tpu.memory_space<vmem>>)
      %dma_wait3A_468 = arith.constant 0 : i32
      %dma_wait3A_469 = arith.constant 2 : i32
      %dma_wait3A_470 = arith.constant 104 : i32
      %dma_wait3A_471 = arith.constant 0 : i32
      %dma_wait3A_472 = tpu.memref_slice %arg6[%dma_wait3A_469, %dma_wait3A_470, %dma_wait3A_471] : memref<3x200x128xf32, #tpu.memory_space<vmem>> -> memref<1x96x128xf32, #tpu.memory_space<vmem>>
      %dma_wait3A_473 = tpu.memref_squeeze %dma_wait3A_472 : memref<1x96x128xf32, #tpu.memory_space<vmem>> -> memref<96x128xf32, #tpu.memory_space<vmem>>
      %dma_wait3A_474 = arith.constant 104 : i32
      %dma_wait3A_475 = tpu.memref_slice %arg5[%dma_wait3A_468, %dma_wait3A_474] : memref<128x200xi32, #tpu.memory_space<vmem>> -> memref<1x96xi32, #tpu.memory_space<vmem>>
      %dma_wait3A_476 = tpu.memref_squeeze %dma_wait3A_475 : memref<1x96xi32, #tpu.memory_space<vmem>> -> memref<96xi32, #tpu.memory_space<vmem>>
      %dma_wait3A_477 = arith.constant 0 : i32
      %dma_wait3A_478 = arith.constant 0 : i32
      %dma_wait3A_479 = tpu.memref_slice %arg3[%dma_wait3A_477, %dma_wait3A_478] : memref<100000x128xf32, #tpu.memory_space<hbm>> -> memref<100000x128xf32, #tpu.memory_space<hbm>>
      tpu.wait_indirect_dma semaphore(%arg10 : memref<!tpu.dma_semaphore, #tpu.memory_space<semaphore_mem>>) src(%dma_wait3A_479 : memref<100000x128xf32, #tpu.memory_space<hbm>>) dst(%dma_wait3A_473 : memref<96x128xf32, #tpu.memory_space<vmem>>)
      %broadcast_in_dim3A_480 = arith.constant 0.000000e+00 : f32
      %broadcast_in_dim3A_481 = vector.broadcast %broadcast_in_dim3A_480 : f32 to vector<16xf32>
      %broadcast_in_dim3A_482 = arith.constant 0.000000e+00 : f32
      %broadcast_in_dim3A_483 = vector.broadcast %broadcast_in_dim3A_482 : f32 to vector<16xf32>
      %broadcast_in_dim3A_484 = arith.constant 0.000000e+00 : f32
      %broadcast_in_dim3A_485 = vector.broadcast %broadcast_in_dim3A_484 : f32 to vector<16xf32>
      %broadcast_in_dim3A_486 = arith.constant 0.000000e+00 : f32
      %broadcast_in_dim3A_487 = vector.broadcast %broadcast_in_dim3A_486 : f32 to vector<16xf32>
      %broadcast_in_dim3A_488 = arith.constant 0.000000e+00 : f32
      %broadcast_in_dim3A_489 = vector.broadcast %broadcast_in_dim3A_488 : f32 to vector<16xf32>
      %broadcast_in_dim3A_490 = arith.constant 0.000000e+00 : f32
      %broadcast_in_dim3A_491 = vector.broadcast %broadcast_in_dim3A_490 : f32 to vector<16xf32>
      %broadcast_in_dim3A_492 = arith.constant 0.000000e+00 : f32
      %broadcast_in_dim3A_493 = vector.broadcast %broadcast_in_dim3A_492 : f32 to vector<16xf32>
      %broadcast_in_dim3A_494 = arith.constant 0.000000e+00 : f32
      %broadcast_in_dim3A_495 = vector.broadcast %broadcast_in_dim3A_494 : f32 to vector<16xf32>
      %scan3A_496 = arith.constant 0 : i32
      %scan3A_497 = arith.constant 25 : i32
      %scan3A_498 = arith.addi %scan3A_496, %scan3A_497 : i32
      %scan3A_499 = arith.constant 1 : i32
      %scan3A_500:8 = scf.for %scan3A_552 = %scan3A_496 to %scan3A_498 step %scan3A_499 iter_args(%scan3A_553 = %broadcast_in_dim3A_481, %scan3A_554 = %broadcast_in_dim3A_483, %scan3A_555 = %broadcast_in_dim3A_485, %scan3A_556 = %broadcast_in_dim3A_487, %scan3A_557 = %broadcast_in_dim3A_489, %scan3A_558 = %broadcast_in_dim3A_491, %scan3A_559 = %broadcast_in_dim3A_493, %scan3A_560 = %broadcast_in_dim3A_495) -> (vector<16xf32>, vector<16xf32>, vector<16xf32>, vector<16xf32>, vector<16xf32>, vector<16xf32>, vector<16xf32>, vector<16xf32>)  : i32 {
        %mul3A_561 = arith.constant 8 : i32
        %mul3A_562 = arith.muli %scan3A_552, %mul3A_561 : i32
        %add3A_563 = arith.constant 0 : i32
        %add3A_564 = arith.addi %mul3A_562, %add3A_563 : i32
        %get3A = arith.constant 2 : i32
        %get3A_565 = arith.index_cast %get3A : i32 to index
        %get3A_566 = arith.index_cast %add3A_564 : i32 to index
        %get3A_567 = arith.constant 0 : index
        %get3A_568 = tpu.vector_load %arg6[%get3A_565, %get3A_566, %get3A_567] {strides = array<i32>} : memref<3x200x128xf32, #tpu.memory_space<vmem>>, vector<16xf32>,
        %add3A_569 = arith.addf %scan3A_553, %get3A_568 : vector<16xf32>
        %get3A_570 = arith.constant 2 : i32
        %get3A_571 = arith.index_cast %get3A_570 : i32 to index
        %get3A_572 = arith.index_cast %add3A_564 : i32 to index
        %get3A_573 = arith.constant 16 : index
        %get3A_574 = tpu.vector_load %arg6[%get3A_571, %get3A_572, %get3A_573] {strides = array<i32>} : memref<3x200x128xf32, #tpu.memory_space<vmem>>, vector<16xf32>,
        %add3A_575 = arith.addf %scan3A_554, %get3A_574 : vector<16xf32>
        %get3A_576 = arith.constant 2 : i32
        %get3A_577 = arith.index_cast %get3A_576 : i32 to index
        %get3A_578 = arith.index_cast %add3A_564 : i32 to index
        %get3A_579 = arith.constant 32 : index
        %get3A_580 = tpu.vector_load %arg6[%get3A_577, %get3A_578, %get3A_579] {strides = array<i32>} : memref<3x200x128xf32, #tpu.memory_space<vmem>>, vector<16xf32>,
        %add3A_581 = arith.addf %scan3A_555, %get3A_580 : vector<16xf32>
        %get3A_582 = arith.constant 2 : i32
        %get3A_583 = arith.index_cast %get3A_582 : i32 to index
        %get3A_584 = arith.index_cast %add3A_564 : i32 to index
        %get3A_585 = arith.constant 48 : index
        %get3A_586 = tpu.vector_load %arg6[%get3A_583, %get3A_584, %get3A_585] {strides = array<i32>} : memref<3x200x128xf32, #tpu.memory_space<vmem>>, vector<16xf32>,
        %add3A_587 = arith.addf %scan3A_556, %get3A_586 : vector<16xf32>
        %get3A_588 = arith.constant 2 : i32
        %get3A_589 = arith.index_cast %get3A_588 : i32 to index
        %get3A_590 = arith.index_cast %add3A_564 : i32 to index
        %get3A_591 = arith.constant 64 : index
        %get3A_592 = tpu.vector_load %arg6[%get3A_589, %get3A_590, %get3A_591] {strides = array<i32>} : memref<3x200x128xf32, #tpu.memory_space<vmem>>, vector<16xf32>,
        %add3A_593 = arith.addf %scan3A_557, %get3A_592 : vector<16xf32>
        %get3A_594 = arith.constant 2 : i32
        %get3A_595 = arith.index_cast %get3A_594 : i32 to index
        %get3A_596 = arith.index_cast %add3A_564 : i32 to index
        %get3A_597 = arith.constant 80 : index
        %get3A_598 = tpu.vector_load %arg6[%get3A_595, %get3A_596, %get3A_597] {strides = array<i32>} : memref<3x200x128xf32, #tpu.memory_space<vmem>>, vector<16xf32>,
        %add3A_599 = arith.addf %scan3A_558, %get3A_598 : vector<16xf32>
        %get3A_600 = arith.constant 2 : i32
        %get3A_601 = arith.index_cast %get3A_600 : i32 to index
        %get3A_602 = arith.index_cast %add3A_564 : i32 to index
        %get3A_603 = arith.constant 96 : index
        %get3A_604 = tpu.vector_load %arg6[%get3A_601, %get3A_602, %get3A_603] {strides = array<i32>} : memref<3x200x128xf32, #tpu.memory_space<vmem>>, vector<16xf32>,
        %add3A_605 = arith.addf %scan3A_559, %get3A_604 : vector<16xf32>
        %get3A_606 = arith.constant 2 : i32
        %get3A_607 = arith.index_cast %get3A_606 : i32 to index
        %get3A_608 = arith.index_cast %add3A_564 : i32 to index
        %get3A_609 = arith.constant 112 : index
        %get3A_610 = tpu.vector_load %arg6[%get3A_607, %get3A_608, %get3A_609] {strides = array<i32>} : memref<3x200x128xf32, #tpu.memory_space<vmem>>, vector<16xf32>,
        %add3A_611 = arith.addf %scan3A_560, %get3A_610 : vector<16xf32>
        %mul3A_612 = arith.constant 8 : i32
        %mul3A_613 = arith.muli %scan3A_552, %mul3A_612 : i32
        %add3A_614 = arith.constant 1 : i32
        %add3A_615 = arith.addi %mul3A_613, %add3A_614 : i32
        %get3A_616 = arith.constant 2 : i32
        %get3A_617 = arith.index_cast %get3A_616 : i32 to index
        %get3A_618 = arith.index_cast %add3A_615 : i32 to index
        %get3A_619 = arith.constant 0 : index
        %get3A_620 = tpu.vector_load %arg6[%get3A_617, %get3A_618, %get3A_619] {strides = array<i32>} : memref<3x200x128xf32, #tpu.memory_space<vmem>>, vector<16xf32>,
        %add3A_621 = arith.addf %add3A_569, %get3A_620 : vector<16xf32>
        %get3A_622 = arith.constant 2 : i32
        %get3A_623 = arith.index_cast %get3A_622 : i32 to index
        %get3A_624 = arith.index_cast %add3A_615 : i32 to index
        %get3A_625 = arith.constant 16 : index
        %get3A_626 = tpu.vector_load %arg6[%get3A_623, %get3A_624, %get3A_625] {strides = array<i32>} : memref<3x200x128xf32, #tpu.memory_space<vmem>>, vector<16xf32>,
        %add3A_627 = arith.addf %add3A_575, %get3A_626 : vector<16xf32>
        %get3A_628 = arith.constant 2 : i32
        %get3A_629 = arith.index_cast %get3A_628 : i32 to index
        %get3A_630 = arith.index_cast %add3A_615 : i32 to index
        %get3A_631 = arith.constant 32 : index
        %get3A_632 = tpu.vector_load %arg6[%get3A_629, %get3A_630, %get3A_631] {strides = array<i32>} : memref<3x200x128xf32, #tpu.memory_space<vmem>>, vector<16xf32>,
        %add3A_633 = arith.addf %add3A_581, %get3A_632 : vector<16xf32>
        %get3A_634 = arith.constant 2 : i32
        %get3A_635 = arith.index_cast %get3A_634 : i32 to index
        %get3A_636 = arith.index_cast %add3A_615 : i32 to index
        %get3A_637 = arith.constant 48 : index
        %get3A_638 = tpu.vector_load %arg6[%get3A_635, %get3A_636, %get3A_637] {strides = array<i32>} : memref<3x200x128xf32, #tpu.memory_space<vmem>>, vector<16xf32>,
        %add3A_639 = arith.addf %add3A_587, %get3A_638 : vector<16xf32>
        %get3A_640 = arith.constant 2 : i32
        %get3A_641 = arith.index_cast %get3A_640 : i32 to index
        %get3A_642 = arith.index_cast %add3A_615 : i32 to index
        %get3A_643 = arith.constant 64 : index
        %get3A_644 = tpu.vector_load %arg6[%get3A_641, %get3A_642, %get3A_643] {strides = array<i32>} : memref<3x200x128xf32, #tpu.memory_space<vmem>>, vector<16xf32>,
        %add3A_645 = arith.addf %add3A_593, %get3A_644 : vector<16xf32>
        %get3A_646 = arith.constant 2 : i32
        %get3A_647 = arith.index_cast %get3A_646 : i32 to index
        %get3A_648 = arith.index_cast %add3A_615 : i32 to index
        %get3A_649 = arith.constant 80 : index
        %get3A_650 = tpu.vector_load %arg6[%get3A_647, %get3A_648, %get3A_649] {strides = array<i32>} : memref<3x200x128xf32, #tpu.memory_space<vmem>>, vector<16xf32>,
        %add3A_651 = arith.addf %add3A_599, %get3A_650 : vector<16xf32>
        %get3A_652 = arith.constant 2 : i32
        %get3A_653 = arith.index_cast %get3A_652 : i32 to index
        %get3A_654 = arith.index_cast %add3A_615 : i32 to index
        %get3A_655 = arith.constant 96 : index
        %get3A_656 = tpu.vector_load %arg6[%get3A_653, %get3A_654, %get3A_655] {strides = array<i32>} : memref<3x200x128xf32, #tpu.memory_space<vmem>>, vector<16xf32>,
        %add3A_657 = arith.addf %add3A_605, %get3A_656 : vector<16xf32>
        %get3A_658 = arith.constant 2 : i32
        %get3A_659 = arith.index_cast %get3A_658 : i32 to index
        %get3A_660 = arith.index_cast %add3A_615 : i32 to index
        %get3A_661 = arith.constant 112 : index
        %get3A_662 = tpu.vector_load %arg6[%get3A_659, %get3A_660, %get3A_661] {strides = array<i32>} : memref<3x200x128xf32, #tpu.memory_space<vmem>>, vector<16xf32>,
        %add3A_663 = arith.addf %add3A_611, %get3A_662 : vector<16xf32>
        %mul3A_664 = arith.constant 8 : i32
        %mul3A_665 = arith.muli %scan3A_552, %mul3A_664 : i32
        %add3A_666 = arith.constant 2 : i32
        %add3A_667 = arith.addi %mul3A_665, %add3A_666 : i32
        %get3A_668 = arith.constant 2 : i32
        %get3A_669 = arith.index_cast %get3A_668 : i32 to index
        %get3A_670 = arith.index_cast %add3A_667 : i32 to index
        %get3A_671 = arith.constant 0 : index
        %get3A_672 = tpu.vector_load %arg6[%get3A_669, %get3A_670, %get3A_671] {strides = array<i32>} : memref<3x200x128xf32, #tpu.memory_space<vmem>>, vector<16xf32>,
        %add3A_673 = arith.addf %add3A_621, %get3A_672 : vector<16xf32>
        %get3A_674 = arith.constant 2 : i32
        %get3A_675 = arith.index_cast %get3A_674 : i32 to index
        %get3A_676 = arith.index_cast %add3A_667 : i32 to index
        %get3A_677 = arith.constant 16 : index
        %get3A_678 = tpu.vector_load %arg6[%get3A_675, %get3A_676, %get3A_677] {strides = array<i32>} : memref<3x200x128xf32, #tpu.memory_space<vmem>>, vector<16xf32>,
        %add3A_679 = arith.addf %add3A_627, %get3A_678 : vector<16xf32>
        %get3A_680 = arith.constant 2 : i32
        %get3A_681 = arith.index_cast %get3A_680 : i32 to index
        %get3A_682 = arith.index_cast %add3A_667 : i32 to index
        %get3A_683 = arith.constant 32 : index
        %get3A_684 = tpu.vector_load %arg6[%get3A_681, %get3A_682, %get3A_683] {strides = array<i32>} : memref<3x200x128xf32, #tpu.memory_space<vmem>>, vector<16xf32>,
        %add3A_685 = arith.addf %add3A_633, %get3A_684 : vector<16xf32>
        %get3A_686 = arith.constant 2 : i32
        %get3A_687 = arith.index_cast %get3A_686 : i32 to index
        %get3A_688 = arith.index_cast %add3A_667 : i32 to index
        %get3A_689 = arith.constant 48 : index
        %get3A_690 = tpu.vector_load %arg6[%get3A_687, %get3A_688, %get3A_689] {strides = array<i32>} : memref<3x200x128xf32, #tpu.memory_space<vmem>>, vector<16xf32>,
        %add3A_691 = arith.addf %add3A_639, %get3A_690 : vector<16xf32>
        %get3A_692 = arith.constant 2 : i32
        %get3A_693 = arith.index_cast %get3A_692 : i32 to index
        %get3A_694 = arith.index_cast %add3A_667 : i32 to index
        %get3A_695 = arith.constant 64 : index
        %get3A_696 = tpu.vector_load %arg6[%get3A_693, %get3A_694, %get3A_695] {strides = array<i32>} : memref<3x200x128xf32, #tpu.memory_space<vmem>>, vector<16xf32>,
        %add3A_697 = arith.addf %add3A_645, %get3A_696 : vector<16xf32>
        %get3A_698 = arith.constant 2 : i32
        %get3A_699 = arith.index_cast %get3A_698 : i32 to index
        %get3A_700 = arith.index_cast %add3A_667 : i32 to index
        %get3A_701 = arith.constant 80 : index
        %get3A_702 = tpu.vector_load %arg6[%get3A_699, %get3A_700, %get3A_701] {strides = array<i32>} : memref<3x200x128xf32, #tpu.memory_space<vmem>>, vector<16xf32>,
        %add3A_703 = arith.addf %add3A_651, %get3A_702 : vector<16xf32>
        %get3A_704 = arith.constant 2 : i32
        %get3A_705 = arith.index_cast %get3A_704 : i32 to index
        %get3A_706 = arith.index_cast %add3A_667 : i32 to index
        %get3A_707 = arith.constant 96 : index
        %get3A_708 = tpu.vector_load %arg6[%get3A_705, %get3A_706, %get3A_707] {strides = array<i32>} : memref<3x200x128xf32, #tpu.memory_space<vmem>>, vector<16xf32>,
        %add3A_709 = arith.addf %add3A_657, %get3A_708 : vector<16xf32>
        %get3A_710 = arith.constant 2 : i32
        %get3A_711 = arith.index_cast %get3A_710 : i32 to index
        %get3A_712 = arith.index_cast %add3A_667 : i32 to index
        %get3A_713 = arith.constant 112 : index
        %get3A_714 = tpu.vector_load %arg6[%get3A_711, %get3A_712, %get3A_713] {strides = array<i32>} : memref<3x200x128xf32, #tpu.memory_space<vmem>>, vector<16xf32>,
        %add3A_715 = arith.addf %add3A_663, %get3A_714 : vector<16xf32>
        %mul3A_716 = arith.constant 8 : i32
        %mul3A_717 = arith.muli %scan3A_552, %mul3A_716 : i32
        %add3A_718 = arith.constant 3 : i32
        %add3A_719 = arith.addi %mul3A_717, %add3A_718 : i32
        %get3A_720 = arith.constant 2 : i32
        %get3A_721 = arith.index_cast %get3A_720 : i32 to index
        %get3A_722 = arith.index_cast %add3A_719 : i32 to index
        %get3A_723 = arith.constant 0 : index
        %get3A_724 = tpu.vector_load %arg6[%get3A_721, %get3A_722, %get3A_723] {strides = array<i32>} : memref<3x200x128xf32, #tpu.memory_space<vmem>>, vector<16xf32>,
        %add3A_725 = arith.addf %add3A_673, %get3A_724 : vector<16xf32>
        %get3A_726 = arith.constant 2 : i32
        %get3A_727 = arith.index_cast %get3A_726 : i32 to index
        %get3A_728 = arith.index_cast %add3A_719 : i32 to index
        %get3A_729 = arith.constant 16 : index
        %get3A_730 = tpu.vector_load %arg6[%get3A_727, %get3A_728, %get3A_729] {strides = array<i32>} : memref<3x200x128xf32, #tpu.memory_space<vmem>>, vector<16xf32>,
        %add3A_731 = arith.addf %add3A_679, %get3A_730 : vector<16xf32>
        %get3A_732 = arith.constant 2 : i32
        %get3A_733 = arith.index_cast %get3A_732 : i32 to index
        %get3A_734 = arith.index_cast %add3A_719 : i32 to index
        %get3A_735 = arith.constant 32 : index
        %get3A_736 = tpu.vector_load %arg6[%get3A_733, %get3A_734, %get3A_735] {strides = array<i32>} : memref<3x200x128xf32, #tpu.memory_space<vmem>>, vector<16xf32>,
        %add3A_737 = arith.addf %add3A_685, %get3A_736 : vector<16xf32>
        %get3A_738 = arith.constant 2 : i32
        %get3A_739 = arith.index_cast %get3A_738 : i32 to index
        %get3A_740 = arith.index_cast %add3A_719 : i32 to index
        %get3A_741 = arith.constant 48 : index
        %get3A_742 = tpu.vector_load %arg6[%get3A_739, %get3A_740, %get3A_741] {strides = array<i32>} : memref<3x200x128xf32, #tpu.memory_space<vmem>>, vector<16xf32>,
        %add3A_743 = arith.addf %add3A_691, %get3A_742 : vector<16xf32>
        %get3A_744 = arith.constant 2 : i32
        %get3A_745 = arith.index_cast %get3A_744 : i32 to index
        %get3A_746 = arith.index_cast %add3A_719 : i32 to index
        %get3A_747 = arith.constant 64 : index
        %get3A_748 = tpu.vector_load %arg6[%get3A_745, %get3A_746, %get3A_747] {strides = array<i32>} : memref<3x200x128xf32, #tpu.memory_space<vmem>>, vector<16xf32>,
        %add3A_749 = arith.addf %add3A_697, %get3A_748 : vector<16xf32>
        %get3A_750 = arith.constant 2 : i32
        %get3A_751 = arith.index_cast %get3A_750 : i32 to index
        %get3A_752 = arith.index_cast %add3A_719 : i32 to index
        %get3A_753 = arith.constant 80 : index
        %get3A_754 = tpu.vector_load %arg6[%get3A_751, %get3A_752, %get3A_753] {strides = array<i32>} : memref<3x200x128xf32, #tpu.memory_space<vmem>>, vector<16xf32>,
        %add3A_755 = arith.addf %add3A_703, %get3A_754 : vector<16xf32>
        %get3A_756 = arith.constant 2 : i32
        %get3A_757 = arith.index_cast %get3A_756 : i32 to index
        %get3A_758 = arith.index_cast %add3A_719 : i32 to index
        %get3A_759 = arith.constant 96 : index
        %get3A_760 = tpu.vector_load %arg6[%get3A_757, %get3A_758, %get3A_759] {strides = array<i32>} : memref<3x200x128xf32, #tpu.memory_space<vmem>>, vector<16xf32>,
        %add3A_761 = arith.addf %add3A_709, %get3A_760 : vector<16xf32>
        %get3A_762 = arith.constant 2 : i32
        %get3A_763 = arith.index_cast %get3A_762 : i32 to index
        %get3A_764 = arith.index_cast %add3A_719 : i32 to index
        %get3A_765 = arith.constant 112 : index
        %get3A_766 = tpu.vector_load %arg6[%get3A_763, %get3A_764, %get3A_765] {strides = array<i32>} : memref<3x200x128xf32, #tpu.memory_space<vmem>>, vector<16xf32>,
        %add3A_767 = arith.addf %add3A_715, %get3A_766 : vector<16xf32>
        %mul3A_768 = arith.constant 8 : i32
        %mul3A_769 = arith.muli %scan3A_552, %mul3A_768 : i32
        %add3A_770 = arith.constant 4 : i32
        %add3A_771 = arith.addi %mul3A_769, %add3A_770 : i32
        %get3A_772 = arith.constant 2 : i32
        %get3A_773 = arith.index_cast %get3A_772 : i32 to index
        %get3A_774 = arith.index_cast %add3A_771 : i32 to index
        %get3A_775 = arith.constant 0 : index
        %get3A_776 = tpu.vector_load %arg6[%get3A_773, %get3A_774, %get3A_775] {strides = array<i32>} : memref<3x200x128xf32, #tpu.memory_space<vmem>>, vector<16xf32>,
        %add3A_777 = arith.addf %add3A_725, %get3A_776 : vector<16xf32>
        %get3A_778 = arith.constant 2 : i32
        %get3A_779 = arith.index_cast %get3A_778 : i32 to index
        %get3A_780 = arith.index_cast %add3A_771 : i32 to index
        %get3A_781 = arith.constant 16 : index
        %get3A_782 = tpu.vector_load %arg6[%get3A_779, %get3A_780, %get3A_781] {strides = array<i32>} : memref<3x200x128xf32, #tpu.memory_space<vmem>>, vector<16xf32>,
        %add3A_783 = arith.addf %add3A_731, %get3A_782 : vector<16xf32>
        %get3A_784 = arith.constant 2 : i32
        %get3A_785 = arith.index_cast %get3A_784 : i32 to index
        %get3A_786 = arith.index_cast %add3A_771 : i32 to index
        %get3A_787 = arith.constant 32 : index
        %get3A_788 = tpu.vector_load %arg6[%get3A_785, %get3A_786, %get3A_787] {strides = array<i32>} : memref<3x200x128xf32, #tpu.memory_space<vmem>>, vector<16xf32>,
        %add3A_789 = arith.addf %add3A_737, %get3A_788 : vector<16xf32>
        %get3A_790 = arith.constant 2 : i32
        %get3A_791 = arith.index_cast %get3A_790 : i32 to index
        %get3A_792 = arith.index_cast %add3A_771 : i32 to index
        %get3A_793 = arith.constant 48 : index
        %get3A_794 = tpu.vector_load %arg6[%get3A_791, %get3A_792, %get3A_793] {strides = array<i32>} : memref<3x200x128xf32, #tpu.memory_space<vmem>>, vector<16xf32>,
        %add3A_795 = arith.addf %add3A_743, %get3A_794 : vector<16xf32>
        %get3A_796 = arith.constant 2 : i32
        %get3A_797 = arith.index_cast %get3A_796 : i32 to index
        %get3A_798 = arith.index_cast %add3A_771 : i32 to index
        %get3A_799 = arith.constant 64 : index
        %get3A_800 = tpu.vector_load %arg6[%get3A_797, %get3A_798, %get3A_799] {strides = array<i32>} : memref<3x200x128xf32, #tpu.memory_space<vmem>>, vector<16xf32>,
        %add3A_801 = arith.addf %add3A_749, %get3A_800 : vector<16xf32>
        %get3A_802 = arith.constant 2 : i32
        %get3A_803 = arith.index_cast %get3A_802 : i32 to index
        %get3A_804 = arith.index_cast %add3A_771 : i32 to index
        %get3A_805 = arith.constant 80 : index
        %get3A_806 = tpu.vector_load %arg6[%get3A_803, %get3A_804, %get3A_805] {strides = array<i32>} : memref<3x200x128xf32, #tpu.memory_space<vmem>>, vector<16xf32>,
        %add3A_807 = arith.addf %add3A_755, %get3A_806 : vector<16xf32>
        %get3A_808 = arith.constant 2 : i32
        %get3A_809 = arith.index_cast %get3A_808 : i32 to index
        %get3A_810 = arith.index_cast %add3A_771 : i32 to index
        %get3A_811 = arith.constant 96 : index
        %get3A_812 = tpu.vector_load %arg6[%get3A_809, %get3A_810, %get3A_811] {strides = array<i32>} : memref<3x200x128xf32, #tpu.memory_space<vmem>>, vector<16xf32>,
        %add3A_813 = arith.addf %add3A_761, %get3A_812 : vector<16xf32>
        %get3A_814 = arith.constant 2 : i32
        %get3A_815 = arith.index_cast %get3A_814 : i32 to index
        %get3A_816 = arith.index_cast %add3A_771 : i32 to index
        %get3A_817 = arith.constant 112 : index
        %get3A_818 = tpu.vector_load %arg6[%get3A_815, %get3A_816, %get3A_817] {strides = array<i32>} : memref<3x200x128xf32, #tpu.memory_space<vmem>>, vector<16xf32>,
        %add3A_819 = arith.addf %add3A_767, %get3A_818 : vector<16xf32>
        %mul3A_820 = arith.constant 8 : i32
        %mul3A_821 = arith.muli %scan3A_552, %mul3A_820 : i32
        %add3A_822 = arith.constant 5 : i32
        %add3A_823 = arith.addi %mul3A_821, %add3A_822 : i32
        %get3A_824 = arith.constant 2 : i32
        %get3A_825 = arith.index_cast %get3A_824 : i32 to index
        %get3A_826 = arith.index_cast %add3A_823 : i32 to index
        %get3A_827 = arith.constant 0 : index
        %get3A_828 = tpu.vector_load %arg6[%get3A_825, %get3A_826, %get3A_827] {strides = array<i32>} : memref<3x200x128xf32, #tpu.memory_space<vmem>>, vector<16xf32>,
        %add3A_829 = arith.addf %add3A_777, %get3A_828 : vector<16xf32>
        %get3A_830 = arith.constant 2 : i32
        %get3A_831 = arith.index_cast %get3A_830 : i32 to index
        %get3A_832 = arith.index_cast %add3A_823 : i32 to index
        %get3A_833 = arith.constant 16 : index
        %get3A_834 = tpu.vector_load %arg6[%get3A_831, %get3A_832, %get3A_833] {strides = array<i32>} : memref<3x200x128xf32, #tpu.memory_space<vmem>>, vector<16xf32>,
        %add3A_835 = arith.addf %add3A_783, %get3A_834 : vector<16xf32>
        %get3A_836 = arith.constant 2 : i32
        %get3A_837 = arith.index_cast %get3A_836 : i32 to index
        %get3A_838 = arith.index_cast %add3A_823 : i32 to index
        %get3A_839 = arith.constant 32 : index
        %get3A_840 = tpu.vector_load %arg6[%get3A_837, %get3A_838, %get3A_839] {strides = array<i32>} : memref<3x200x128xf32, #tpu.memory_space<vmem>>, vector<16xf32>,
        %add3A_841 = arith.addf %add3A_789, %get3A_840 : vector<16xf32>
        %get3A_842 = arith.constant 2 : i32
        %get3A_843 = arith.index_cast %get3A_842 : i32 to index
        %get3A_844 = arith.index_cast %add3A_823 : i32 to index
        %get3A_845 = arith.constant 48 : index
        %get3A_846 = tpu.vector_load %arg6[%get3A_843, %get3A_844, %get3A_845] {strides = array<i32>} : memref<3x200x128xf32, #tpu.memory_space<vmem>>, vector<16xf32>,
        %add3A_847 = arith.addf %add3A_795, %get3A_846 : vector<16xf32>
        %get3A_848 = arith.constant 2 : i32
        %get3A_849 = arith.index_cast %get3A_848 : i32 to index
        %get3A_850 = arith.index_cast %add3A_823 : i32 to index
        %get3A_851 = arith.constant 64 : index
        %get3A_852 = tpu.vector_load %arg6[%get3A_849, %get3A_850, %get3A_851] {strides = array<i32>} : memref<3x200x128xf32, #tpu.memory_space<vmem>>, vector<16xf32>,
        %add3A_853 = arith.addf %add3A_801, %get3A_852 : vector<16xf32>
        %get3A_854 = arith.constant 2 : i32
        %get3A_855 = arith.index_cast %get3A_854 : i32 to index
        %get3A_856 = arith.index_cast %add3A_823 : i32 to index
        %get3A_857 = arith.constant 80 : index
        %get3A_858 = tpu.vector_load %arg6[%get3A_855, %get3A_856, %get3A_857] {strides = array<i32>} : memref<3x200x128xf32, #tpu.memory_space<vmem>>, vector<16xf32>,
        %add3A_859 = arith.addf %add3A_807, %get3A_858 : vector<16xf32>
        %get3A_860 = arith.constant 2 : i32
        %get3A_861 = arith.index_cast %get3A_860 : i32 to index
        %get3A_862 = arith.index_cast %add3A_823 : i32 to index
        %get3A_863 = arith.constant 96 : index
        %get3A_864 = tpu.vector_load %arg6[%get3A_861, %get3A_862, %get3A_863] {strides = array<i32>} : memref<3x200x128xf32, #tpu.memory_space<vmem>>, vector<16xf32>,
        %add3A_865 = arith.addf %add3A_813, %get3A_864 : vector<16xf32>
        %get3A_866 = arith.constant 2 : i32
        %get3A_867 = arith.index_cast %get3A_866 : i32 to index
        %get3A_868 = arith.index_cast %add3A_823 : i32 to index
        %get3A_869 = arith.constant 112 : index
        %get3A_870 = tpu.vector_load %arg6[%get3A_867, %get3A_868, %get3A_869] {strides = array<i32>} : memref<3x200x128xf32, #tpu.memory_space<vmem>>, vector<16xf32>,
        %add3A_871 = arith.addf %add3A_819, %get3A_870 : vector<16xf32>
        %mul3A_872 = arith.constant 8 : i32
        %mul3A_873 = arith.muli %scan3A_552, %mul3A_872 : i32
        %add3A_874 = arith.constant 6 : i32
        %add3A_875 = arith.addi %mul3A_873, %add3A_874 : i32
        %get3A_876 = arith.constant 2 : i32
        %get3A_877 = arith.index_cast %get3A_876 : i32 to index
        %get3A_878 = arith.index_cast %add3A_875 : i32 to index
        %get3A_879 = arith.constant 0 : index
        %get3A_880 = tpu.vector_load %arg6[%get3A_877, %get3A_878, %get3A_879] {strides = array<i32>} : memref<3x200x128xf32, #tpu.memory_space<vmem>>, vector<16xf32>,
        %add3A_881 = arith.addf %add3A_829, %get3A_880 : vector<16xf32>
        %get3A_882 = arith.constant 2 : i32
        %get3A_883 = arith.index_cast %get3A_882 : i32 to index
        %get3A_884 = arith.index_cast %add3A_875 : i32 to index
        %get3A_885 = arith.constant 16 : index
        %get3A_886 = tpu.vector_load %arg6[%get3A_883, %get3A_884, %get3A_885] {strides = array<i32>} : memref<3x200x128xf32, #tpu.memory_space<vmem>>, vector<16xf32>,
        %add3A_887 = arith.addf %add3A_835, %get3A_886 : vector<16xf32>
        %get3A_888 = arith.constant 2 : i32
        %get3A_889 = arith.index_cast %get3A_888 : i32 to index
        %get3A_890 = arith.index_cast %add3A_875 : i32 to index
        %get3A_891 = arith.constant 32 : index
        %get3A_892 = tpu.vector_load %arg6[%get3A_889, %get3A_890, %get3A_891] {strides = array<i32>} : memref<3x200x128xf32, #tpu.memory_space<vmem>>, vector<16xf32>,
        %add3A_893 = arith.addf %add3A_841, %get3A_892 : vector<16xf32>
        %get3A_894 = arith.constant 2 : i32
        %get3A_895 = arith.index_cast %get3A_894 : i32 to index
        %get3A_896 = arith.index_cast %add3A_875 : i32 to index
        %get3A_897 = arith.constant 48 : index
        %get3A_898 = tpu.vector_load %arg6[%get3A_895, %get3A_896, %get3A_897] {strides = array<i32>} : memref<3x200x128xf32, #tpu.memory_space<vmem>>, vector<16xf32>,
        %add3A_899 = arith.addf %add3A_847, %get3A_898 : vector<16xf32>
        %get3A_900 = arith.constant 2 : i32
        %get3A_901 = arith.index_cast %get3A_900 : i32 to index
        %get3A_902 = arith.index_cast %add3A_875 : i32 to index
        %get3A_903 = arith.constant 64 : index
        %get3A_904 = tpu.vector_load %arg6[%get3A_901, %get3A_902, %get3A_903] {strides = array<i32>} : memref<3x200x128xf32, #tpu.memory_space<vmem>>, vector<16xf32>,
        %add3A_905 = arith.addf %add3A_853, %get3A_904 : vector<16xf32>
        %get3A_906 = arith.constant 2 : i32
        %get3A_907 = arith.index_cast %get3A_906 : i32 to index
        %get3A_908 = arith.index_cast %add3A_875 : i32 to index
        %get3A_909 = arith.constant 80 : index
        %get3A_910 = tpu.vector_load %arg6[%get3A_907, %get3A_908, %get3A_909] {strides = array<i32>} : memref<3x200x128xf32, #tpu.memory_space<vmem>>, vector<16xf32>,
        %add3A_911 = arith.addf %add3A_859, %get3A_910 : vector<16xf32>
        %get3A_912 = arith.constant 2 : i32
        %get3A_913 = arith.index_cast %get3A_912 : i32 to index
        %get3A_914 = arith.index_cast %add3A_875 : i32 to index
        %get3A_915 = arith.constant 96 : index
        %get3A_916 = tpu.vector_load %arg6[%get3A_913, %get3A_914, %get3A_915] {strides = array<i32>} : memref<3x200x128xf32, #tpu.memory_space<vmem>>, vector<16xf32>,
        %add3A_917 = arith.addf %add3A_865, %get3A_916 : vector<16xf32>
        %get3A_918 = arith.constant 2 : i32
        %get3A_919 = arith.index_cast %get3A_918 : i32 to index
        %get3A_920 = arith.index_cast %add3A_875 : i32 to index
        %get3A_921 = arith.constant 112 : index
        %get3A_922 = tpu.vector_load %arg6[%get3A_919, %get3A_920, %get3A_921] {strides = array<i32>} : memref<3x200x128xf32, #tpu.memory_space<vmem>>, vector<16xf32>,
        %add3A_923 = arith.addf %add3A_871, %get3A_922 : vector<16xf32>
        %mul3A_924 = arith.constant 8 : i32
        %mul3A_925 = arith.muli %scan3A_552, %mul3A_924 : i32
        %add3A_926 = arith.constant 7 : i32
        %add3A_927 = arith.addi %mul3A_925, %add3A_926 : i32
        %get3A_928 = arith.constant 2 : i32
        %get3A_929 = arith.index_cast %get3A_928 : i32 to index
        %get3A_930 = arith.index_cast %add3A_927 : i32 to index
        %get3A_931 = arith.constant 0 : index
        %get3A_932 = tpu.vector_load %arg6[%get3A_929, %get3A_930, %get3A_931] {strides = array<i32>} : memref<3x200x128xf32, #tpu.memory_space<vmem>>, vector<16xf32>,
        %add3A_933 = arith.addf %add3A_881, %get3A_932 : vector<16xf32>
        %get3A_934 = arith.constant 2 : i32
        %get3A_935 = arith.index_cast %get3A_934 : i32 to index
        %get3A_936 = arith.index_cast %add3A_927 : i32 to index
        %get3A_937 = arith.constant 16 : index
        %get3A_938 = tpu.vector_load %arg6[%get3A_935, %get3A_936, %get3A_937] {strides = array<i32>} : memref<3x200x128xf32, #tpu.memory_space<vmem>>, vector<16xf32>,
        %add3A_939 = arith.addf %add3A_887, %get3A_938 : vector<16xf32>
        %get3A_940 = arith.constant 2 : i32
        %get3A_941 = arith.index_cast %get3A_940 : i32 to index
        %get3A_942 = arith.index_cast %add3A_927 : i32 to index
        %get3A_943 = arith.constant 32 : index
        %get3A_944 = tpu.vector_load %arg6[%get3A_941, %get3A_942, %get3A_943] {strides = array<i32>} : memref<3x200x128xf32, #tpu.memory_space<vmem>>, vector<16xf32>,
        %add3A_945 = arith.addf %add3A_893, %get3A_944 : vector<16xf32>
        %get3A_946 = arith.constant 2 : i32
        %get3A_947 = arith.index_cast %get3A_946 : i32 to index
        %get3A_948 = arith.index_cast %add3A_927 : i32 to index
        %get3A_949 = arith.constant 48 : index
        %get3A_950 = tpu.vector_load %arg6[%get3A_947, %get3A_948, %get3A_949] {strides = array<i32>} : memref<3x200x128xf32, #tpu.memory_space<vmem>>, vector<16xf32>,
        %add3A_951 = arith.addf %add3A_899, %get3A_950 : vector<16xf32>
        %get3A_952 = arith.constant 2 : i32
        %get3A_953 = arith.index_cast %get3A_952 : i32 to index
        %get3A_954 = arith.index_cast %add3A_927 : i32 to index
        %get3A_955 = arith.constant 64 : index
        %get3A_956 = tpu.vector_load %arg6[%get3A_953, %get3A_954, %get3A_955] {strides = array<i32>} : memref<3x200x128xf32, #tpu.memory_space<vmem>>, vector<16xf32>,
        %add3A_957 = arith.addf %add3A_905, %get3A_956 : vector<16xf32>
        %get3A_958 = arith.constant 2 : i32
        %get3A_959 = arith.index_cast %get3A_958 : i32 to index
        %get3A_960 = arith.index_cast %add3A_927 : i32 to index
        %get3A_961 = arith.constant 80 : index
        %get3A_962 = tpu.vector_load %arg6[%get3A_959, %get3A_960, %get3A_961] {strides = array<i32>} : memref<3x200x128xf32, #tpu.memory_space<vmem>>, vector<16xf32>,
        %add3A_963 = arith.addf %add3A_911, %get3A_962 : vector<16xf32>
        %get3A_964 = arith.constant 2 : i32
        %get3A_965 = arith.index_cast %get3A_964 : i32 to index
        %get3A_966 = arith.index_cast %add3A_927 : i32 to index
        %get3A_967 = arith.constant 96 : index
        %get3A_968 = tpu.vector_load %arg6[%get3A_965, %get3A_966, %get3A_967] {strides = array<i32>} : memref<3x200x128xf32, #tpu.memory_space<vmem>>, vector<16xf32>,
        %add3A_969 = arith.addf %add3A_917, %get3A_968 : vector<16xf32>
        %get3A_970 = arith.constant 2 : i32
        %get3A_971 = arith.index_cast %get3A_970 : i32 to index
        %get3A_972 = arith.index_cast %add3A_927 : i32 to index
        %get3A_973 = arith.constant 112 : index
        %get3A_974 = tpu.vector_load %arg6[%get3A_971, %get3A_972, %get3A_973] {strides = array<i32>} : memref<3x200x128xf32, #tpu.memory_space<vmem>>, vector<16xf32>,
        %add3A_975 = arith.addf %add3A_923, %get3A_974 : vector<16xf32>
        scf.yield %add3A_933, %add3A_939, %add3A_945, %add3A_951, %add3A_957, %add3A_963, %add3A_969, %add3A_975 : vector<16xf32>, vector<16xf32>, vector<16xf32>, vector<16xf32>, vector<16xf32>, vector<16xf32>, vector<16xf32>, vector<16xf32>
      }
      %scan3A_501 = arith.constant 25 : i32
      %swap3A_502 = arith.index_cast %add3A_455 : i32 to index
      %swap3A_503 = arith.constant 0 : index
      %swap3A_504 = tpu.vector_load %arg7[%swap3A_502, %swap3A_503] {strides = array<i32>} : memref<128x128xf32, #tpu.memory_space<vmem>>, vector<16xf32>,
      tpu.vector_store %arg7[%swap3A_502, %swap3A_503], %scan3A_500#0 {strides = array<i32>} : memref<128x128xf32, #tpu.memory_space<vmem>>, vector<16xf32>,
      %swap3A_505 = arith.index_cast %add3A_455 : i32 to index
      %swap3A_506 = arith.constant 16 : index
      %swap3A_507 = tpu.vector_load %arg7[%swap3A_505, %swap3A_506] {strides = array<i32>} : memref<128x128xf32, #tpu.memory_space<vmem>>, vector<16xf32>,
      tpu.vector_store %arg7[%swap3A_505, %swap3A_506], %scan3A_500#1 {strides = array<i32>} : memref<128x128xf32, #tpu.memory_space<vmem>>, vector<16xf32>,
      %swap3A_508 = arith.index_cast %add3A_455 : i32 to index
      %swap3A_509 = arith.constant 32 : index
      %swap3A_510 = tpu.vector_load %arg7[%swap3A_508, %swap3A_509] {strides = array<i32>} : memref<128x128xf32, #tpu.memory_space<vmem>>, vector<16xf32>,
      tpu.vector_store %arg7[%swap3A_508, %swap3A_509], %scan3A_500#2 {strides = array<i32>} : memref<128x128xf32, #tpu.memory_space<vmem>>, vector<16xf32>,
      %swap3A_511 = arith.index_cast %add3A_455 : i32 to index
      %swap3A_512 = arith.constant 48 : index
      %swap3A_513 = tpu.vector_load %arg7[%swap3A_511, %swap3A_512] {strides = array<i32>} : memref<128x128xf32, #tpu.memory_space<vmem>>, vector<16xf32>,
      tpu.vector_store %arg7[%swap3A_511, %swap3A_512], %scan3A_500#3 {strides = array<i32>} : memref<128x128xf32, #tpu.memory_space<vmem>>, vector<16xf32>,
      %swap3A_514 = arith.index_cast %add3A_455 : i32 to index
      %swap3A_515 = arith.constant 64 : index
      %swap3A_516 = tpu.vector_load %arg7[%swap3A_514, %swap3A_515] {strides = array<i32>} : memref<128x128xf32, #tpu.memory_space<vmem>>, vector<16xf32>,
      tpu.vector_store %arg7[%swap3A_514, %swap3A_515], %scan3A_500#4 {strides = array<i32>} : memref<128x128xf32, #tpu.memory_space<vmem>>, vector<16xf32>,
      %swap3A_517 = arith.index_cast %add3A_455 : i32 to index
      %swap3A_518 = arith.constant 80 : index
      %swap3A_519 = tpu.vector_load %arg7[%swap3A_517, %swap3A_518] {strides = array<i32>} : memref<128x128xf32, #tpu.memory_space<vmem>>, vector<16xf32>,
      tpu.vector_store %arg7[%swap3A_517, %swap3A_518], %scan3A_500#5 {strides = array<i32>} : memref<128x128xf32, #tpu.memory_space<vmem>>, vector<16xf32>,
      %swap3A_520 = arith.index_cast %add3A_455 : i32 to index
      %swap3A_521 = arith.constant 96 : index
      %swap3A_522 = tpu.vector_load %arg7[%swap3A_520, %swap3A_521] {strides = array<i32>} : memref<128x128xf32, #tpu.memory_space<vmem>>, vector<16xf32>,
      tpu.vector_store %arg7[%swap3A_520, %swap3A_521], %scan3A_500#6 {strides = array<i32>} : memref<128x128xf32, #tpu.memory_space<vmem>>, vector<16xf32>,
      %swap3A_523 = arith.index_cast %add3A_455 : i32 to index
      %swap3A_524 = arith.constant 112 : index
      %swap3A_525 = tpu.vector_load %arg7[%swap3A_523, %swap3A_524] {strides = array<i32>} : memref<128x128xf32, #tpu.memory_space<vmem>>, vector<16xf32>,
      tpu.vector_store %arg7[%swap3A_523, %swap3A_524], %scan3A_500#7 {strides = array<i32>} : memref<128x128xf32, #tpu.memory_space<vmem>>, vector<16xf32>,
      %add3A_526 = arith.constant 3 : i32
      %add3A_527 = arith.addi %add3A_455, %add3A_526 : i32
      %min3A_528 = arith.constant 127 : i32
      %min3A_529 = arith.minsi %add3A_527, %min3A_528 : i32
      %dma_start3A_530 = arith.constant 2 : i32
      %dma_start3A_531 = arith.constant 0 : i32
      %dma_start3A_532 = arith.constant 0 : i32
      %dma_start3A_533 = tpu.memref_slice %arg6[%dma_start3A_530, %dma_start3A_531, %dma_start3A_532] : memref<3x200x128xf32, #tpu.memory_space<vmem>> -> memref<1x104x128xf32, #tpu.memory_space<vmem>>
      %dma_start3A_534 = tpu.memref_squeeze %dma_start3A_533 : memref<1x104x128xf32, #tpu.memory_space<vmem>> -> memref<104x128xf32, #tpu.memory_space<vmem>>
      %dma_start3A_535 = arith.constant 0 : i32
      %dma_start3A_536 = tpu.memref_slice %arg5[%min3A_529, %dma_start3A_535] : memref<128x200xi32, #tpu.memory_space<vmem>> -> memref<1x104xi32, #tpu.memory_space<vmem>>
      %dma_start3A_537 = tpu.memref_squeeze %dma_start3A_536 : memref<1x104xi32, #tpu.memory_space<vmem>> -> memref<104xi32, #tpu.memory_space<vmem>>
      %dma_start3A_538 = arith.constant 0 : i32
      %dma_start3A_539 = arith.constant 0 : i32
      %dma_start3A_540 = tpu.memref_slice %arg3[%dma_start3A_538, %dma_start3A_539] : memref<100000x128xf32, #tpu.memory_space<hbm>> -> memref<100000x128xf32, #tpu.memory_space<hbm>>
      tpu.enqueue_indirect_dma source(%dma_start3A_540 : memref<100000x128xf32, #tpu.memory_space<hbm>>) target(%dma_start3A_534 : memref<104x128xf32, #tpu.memory_space<vmem>>) offsets(%dma_start3A_537 : memref<104xi32, #tpu.memory_space<vmem>>) semaphore(%arg10 : memref<!tpu.dma_semaphore, #tpu.memory_space<semaphore_mem>>)
      %dma_start3A_541 = arith.constant 2 : i32
      %dma_start3A_542 = arith.constant 104 : i32
      %dma_start3A_543 = arith.constant 0 : i32
      %dma_start3A_544 = tpu.memref_slice %arg6[%dma_start3A_541, %dma_start3A_542, %dma_start3A_543] : memref<3x200x128xf32, #tpu.memory_space<vmem>> -> memref<1x96x128xf32, #tpu.memory_space<vmem>>
      %dma_start3A_545 = tpu.memref_squeeze %dma_start3A_544 : memref<1x96x128xf32, #tpu.memory_space<vmem>> -> memref<96x128xf32, #tpu.memory_space<vmem>>
      %dma_start3A_546 = arith.constant 104 : i32
      %dma_start3A_547 = tpu.memref_slice %arg5[%min3A_529, %dma_start3A_546] : memref<128x200xi32, #tpu.memory_space<vmem>> -> memref<1x96xi32, #tpu.memory_space<vmem>>
      %dma_start3A_548 = tpu.memref_squeeze %dma_start3A_547 : memref<1x96xi32, #tpu.memory_space<vmem>> -> memref<96xi32, #tpu.memory_space<vmem>>
      %dma_start3A_549 = arith.constant 0 : i32
      %dma_start3A_550 = arith.constant 0 : i32
      %dma_start3A_551 = tpu.memref_slice %arg3[%dma_start3A_549, %dma_start3A_550] : memref<100000x128xf32, #tpu.memory_space<hbm>> -> memref<100000x128xf32, #tpu.memory_space<hbm>>
      tpu.enqueue_indirect_dma source(%dma_start3A_551 : memref<100000x128xf32, #tpu.memory_space<hbm>>) target(%dma_start3A_545 : memref<96x128xf32, #tpu.memory_space<vmem>>) offsets(%dma_start3A_548 : memref<96xi32, #tpu.memory_space<vmem>>) semaphore(%arg10 : memref<!tpu.dma_semaphore, #tpu.memory_space<semaphore_mem>>)
    }
    %scan3A_78 = arith.constant 42 : i32
    %dma_wait3A = arith.constant 0 : i32
    %dma_wait3A_79 = arith.constant 0 : i32
    %dma_wait3A_80 = arith.constant 0 : i32
    %dma_wait3A_81 = arith.constant 0 : i32
    %dma_wait3A_82 = tpu.memref_slice %arg6[%dma_wait3A_79, %dma_wait3A_80, %dma_wait3A_81] : memref<3x200x128xf32, #tpu.memory_space<vmem>> -> memref<1x104x128xf32, #tpu.memory_space<vmem>>
    %dma_wait3A_83 = tpu.memref_squeeze %dma_wait3A_82 : memref<1x104x128xf32, #tpu.memory_space<vmem>> -> memref<104x128xf32, #tpu.memory_space<vmem>>
    %dma_wait3A_84 = arith.constant 0 : i32
    %dma_wait3A_85 = tpu.memref_slice %arg5[%dma_wait3A, %dma_wait3A_84] : memref<128x200xi32, #tpu.memory_space<vmem>> -> memref<1x104xi32, #tpu.memory_space<vmem>>
    %dma_wait3A_86 = tpu.memref_squeeze %dma_wait3A_85 : memref<1x104xi32, #tpu.memory_space<vmem>> -> memref<104xi32, #tpu.memory_space<vmem>>
    %dma_wait3A_87 = arith.constant 0 : i32
    %dma_wait3A_88 = arith.constant 0 : i32
    %dma_wait3A_89 = tpu.memref_slice %arg3[%dma_wait3A_87, %dma_wait3A_88] : memref<100000x128xf32, #tpu.memory_space<hbm>> -> memref<100000x128xf32, #tpu.memory_space<hbm>>
    tpu.wait_indirect_dma semaphore(%arg8 : memref<!tpu.dma_semaphore, #tpu.memory_space<semaphore_mem>>) src(%dma_wait3A_89 : memref<100000x128xf32, #tpu.memory_space<hbm>>) dst(%dma_wait3A_83 : memref<104x128xf32, #tpu.memory_space<vmem>>)
    %dma_wait3A_90 = arith.constant 0 : i32
    %dma_wait3A_91 = arith.constant 0 : i32
    %dma_wait3A_92 = arith.constant 104 : i32
    %dma_wait3A_93 = arith.constant 0 : i32
    %dma_wait3A_94 = tpu.memref_slice %arg6[%dma_wait3A_91, %dma_wait3A_92, %dma_wait3A_93] : memref<3x200x128xf32, #tpu.memory_space<vmem>> -> memref<1x96x128xf32, #tpu.memory_space<vmem>>
    %dma_wait3A_95 = tpu.memref_squeeze %dma_wait3A_94 : memref<1x96x128xf32, #tpu.memory_space<vmem>> -> memref<96x128xf32, #tpu.memory_space<vmem>>
    %dma_wait3A_96 = arith.constant 104 : i32
    %dma_wait3A_97 = tpu.memref_slice %arg5[%dma_wait3A_90, %dma_wait3A_96] : memref<128x200xi32, #tpu.memory_space<vmem>> -> memref<1x96xi32, #tpu.memory_space<vmem>>
    %dma_wait3A_98 = tpu.memref_squeeze %dma_wait3A_97 : memref<1x96xi32, #tpu.memory_space<vmem>> -> memref<96xi32, #tpu.memory_space<vmem>>
    %dma_wait3A_99 = arith.constant 0 : i32
    %dma_wait3A_100 = arith.constant 0 : i32
    %dma_wait3A_101 = tpu.memref_slice %arg3[%dma_wait3A_99, %dma_wait3A_100] : memref<100000x128xf32, #tpu.memory_space<hbm>> -> memref<100000x128xf32, #tpu.memory_space<hbm>>
    tpu.wait_indirect_dma semaphore(%arg8 : memref<!tpu.dma_semaphore, #tpu.memory_space<semaphore_mem>>) src(%dma_wait3A_101 : memref<100000x128xf32, #tpu.memory_space<hbm>>) dst(%dma_wait3A_95 : memref<96x128xf32, #tpu.memory_space<vmem>>)
    %broadcast_in_dim3A = arith.constant 0.000000e+00 : f32
    %broadcast_in_dim3A_102 = vector.broadcast %broadcast_in_dim3A : f32 to vector<16xf32>
    %broadcast_in_dim3A_103 = arith.constant 0.000000e+00 : f32
    %broadcast_in_dim3A_104 = vector.broadcast %broadcast_in_dim3A_103 : f32 to vector<16xf32>
    %broadcast_in_dim3A_105 = arith.constant 0.000000e+00 : f32
    %broadcast_in_dim3A_106 = vector.broadcast %broadcast_in_dim3A_105 : f32 to vector<16xf32>
    %broadcast_in_dim3A_107 = arith.constant 0.000000e+00 : f32
    %broadcast_in_dim3A_108 = vector.broadcast %broadcast_in_dim3A_107 : f32 to vector<16xf32>
    %broadcast_in_dim3A_109 = arith.constant 0.000000e+00 : f32
    %broadcast_in_dim3A_110 = vector.broadcast %broadcast_in_dim3A_109 : f32 to vector<16xf32>
    %broadcast_in_dim3A_111 = arith.constant 0.000000e+00 : f32
    %broadcast_in_dim3A_112 = vector.broadcast %broadcast_in_dim3A_111 : f32 to vector<16xf32>
    %broadcast_in_dim3A_113 = arith.constant 0.000000e+00 : f32
    %broadcast_in_dim3A_114 = vector.broadcast %broadcast_in_dim3A_113 : f32 to vector<16xf32>
    %broadcast_in_dim3A_115 = arith.constant 0.000000e+00 : f32
    %broadcast_in_dim3A_116 = vector.broadcast %broadcast_in_dim3A_115 : f32 to vector<16xf32>
    %scan3A_117 = arith.constant 0 : i32
    %scan3A_118 = arith.constant 25 : i32
    %scan3A_119 = arith.addi %scan3A_117, %scan3A_118 : i32
    %scan3A_120 = arith.constant 1 : i32
    %scan3A_121:8 = scf.for %scan3A_256 = %scan3A_117 to %scan3A_119 step %scan3A_120 iter_args(%scan3A_257 = %broadcast_in_dim3A_102, %scan3A_258 = %broadcast_in_dim3A_104, %scan3A_259 = %broadcast_in_dim3A_106, %scan3A_260 = %broadcast_in_dim3A_108, %scan3A_261 = %broadcast_in_dim3A_110, %scan3A_262 = %broadcast_in_dim3A_112, %scan3A_263 = %broadcast_in_dim3A_114, %scan3A_264 = %broadcast_in_dim3A_116) -> (vector<16xf32>, vector<16xf32>, vector<16xf32>, vector<16xf32>, vector<16xf32>, vector<16xf32>, vector<16xf32>, vector<16xf32>)  : i32 {
      %mul3A_265 = arith.constant 8 : i32
      %mul3A_266 = arith.muli %scan3A_256, %mul3A_265 : i32
      %add3A_267 = arith.constant 0 : i32
      %add3A_268 = arith.addi %mul3A_266, %add3A_267 : i32
      %get3A = arith.constant 0 : i32
      %get3A_269 = arith.index_cast %get3A : i32 to index
      %get3A_270 = arith.index_cast %add3A_268 : i32 to index
      %get3A_271 = arith.constant 0 : index
      %get3A_272 = tpu.vector_load %arg6[%get3A_269, %get3A_270, %get3A_271] {strides = array<i32>} : memref<3x200x128xf32, #tpu.memory_space<vmem>>, vector<16xf32>,
      %add3A_273 = arith.addf %scan3A_257, %get3A_272 : vector<16xf32>
      %get3A_274 = arith.constant 0 : i32
      %get3A_275 = arith.index_cast %get3A_274 : i32 to index
      %get3A_276 = arith.index_cast %add3A_268 : i32 to index
      %get3A_277 = arith.constant 16 : index
      %get3A_278 = tpu.vector_load %arg6[%get3A_275, %get3A_276, %get3A_277] {strides = array<i32>} : memref<3x200x128xf32, #tpu.memory_space<vmem>>, vector<16xf32>,
      %add3A_279 = arith.addf %scan3A_258, %get3A_278 : vector<16xf32>
      %get3A_280 = arith.constant 0 : i32
      %get3A_281 = arith.index_cast %get3A_280 : i32 to index
      %get3A_282 = arith.index_cast %add3A_268 : i32 to index
      %get3A_283 = arith.constant 32 : index
      %get3A_284 = tpu.vector_load %arg6[%get3A_281, %get3A_282, %get3A_283] {strides = array<i32>} : memref<3x200x128xf32, #tpu.memory_space<vmem>>, vector<16xf32>,
      %add3A_285 = arith.addf %scan3A_259, %get3A_284 : vector<16xf32>
      %get3A_286 = arith.constant 0 : i32
      %get3A_287 = arith.index_cast %get3A_286 : i32 to index
      %get3A_288 = arith.index_cast %add3A_268 : i32 to index
      %get3A_289 = arith.constant 48 : index
      %get3A_290 = tpu.vector_load %arg6[%get3A_287, %get3A_288, %get3A_289] {strides = array<i32>} : memref<3x200x128xf32, #tpu.memory_space<vmem>>, vector<16xf32>,
      %add3A_291 = arith.addf %scan3A_260, %get3A_290 : vector<16xf32>
      %get3A_292 = arith.constant 0 : i32
      %get3A_293 = arith.index_cast %get3A_292 : i32 to index
      %get3A_294 = arith.index_cast %add3A_268 : i32 to index
      %get3A_295 = arith.constant 64 : index
      %get3A_296 = tpu.vector_load %arg6[%get3A_293, %get3A_294, %get3A_295] {strides = array<i32>} : memref<3x200x128xf32, #tpu.memory_space<vmem>>, vector<16xf32>,
      %add3A_297 = arith.addf %scan3A_261, %get3A_296 : vector<16xf32>
      %get3A_298 = arith.constant 0 : i32
      %get3A_299 = arith.index_cast %get3A_298 : i32 to index
      %get3A_300 = arith.index_cast %add3A_268 : i32 to index
      %get3A_301 = arith.constant 80 : index
      %get3A_302 = tpu.vector_load %arg6[%get3A_299, %get3A_300, %get3A_301] {strides = array<i32>} : memref<3x200x128xf32, #tpu.memory_space<vmem>>, vector<16xf32>,
      %add3A_303 = arith.addf %scan3A_262, %get3A_302 : vector<16xf32>
      %get3A_304 = arith.constant 0 : i32
      %get3A_305 = arith.index_cast %get3A_304 : i32 to index
      %get3A_306 = arith.index_cast %add3A_268 : i32 to index
      %get3A_307 = arith.constant 96 : index
      %get3A_308 = tpu.vector_load %arg6[%get3A_305, %get3A_306, %get3A_307] {strides = array<i32>} : memref<3x200x128xf32, #tpu.memory_space<vmem>>, vector<16xf32>,
      %add3A_309 = arith.addf %scan3A_263, %get3A_308 : vector<16xf32>
      %get3A_310 = arith.constant 0 : i32
      %get3A_311 = arith.index_cast %get3A_310 : i32 to index
      %get3A_312 = arith.index_cast %add3A_268 : i32 to index
      %get3A_313 = arith.constant 112 : index
      %get3A_314 = tpu.vector_load %arg6[%get3A_311, %get3A_312, %get3A_313] {strides = array<i32>} : memref<3x200x128xf32, #tpu.memory_space<vmem>>, vector<16xf32>,
      %add3A_315 = arith.addf %scan3A_264, %get3A_314 : vector<16xf32>
      %mul3A_316 = arith.constant 8 : i32
      %mul3A_317 = arith.muli %scan3A_256, %mul3A_316 : i32
      %add3A_318 = arith.constant 1 : i32
      %add3A_319 = arith.addi %mul3A_317, %add3A_318 : i32
      %get3A_320 = arith.constant 0 : i32
      %get3A_321 = arith.index_cast %get3A_320 : i32 to index
      %get3A_322 = arith.index_cast %add3A_319 : i32 to index
      %get3A_323 = arith.constant 0 : index
      %get3A_324 = tpu.vector_load %arg6[%get3A_321, %get3A_322, %get3A_323] {strides = array<i32>} : memref<3x200x128xf32, #tpu.memory_space<vmem>>, vector<16xf32>,
      %add3A_325 = arith.addf %add3A_273, %get3A_324 : vector<16xf32>
      %get3A_326 = arith.constant 0 : i32
      %get3A_327 = arith.index_cast %get3A_326 : i32 to index
      %get3A_328 = arith.index_cast %add3A_319 : i32 to index
      %get3A_329 = arith.constant 16 : index
      %get3A_330 = tpu.vector_load %arg6[%get3A_327, %get3A_328, %get3A_329] {strides = array<i32>} : memref<3x200x128xf32, #tpu.memory_space<vmem>>, vector<16xf32>,
      %add3A_331 = arith.addf %add3A_279, %get3A_330 : vector<16xf32>
      %get3A_332 = arith.constant 0 : i32
      %get3A_333 = arith.index_cast %get3A_332 : i32 to index
      %get3A_334 = arith.index_cast %add3A_319 : i32 to index
      %get3A_335 = arith.constant 32 : index
      %get3A_336 = tpu.vector_load %arg6[%get3A_333, %get3A_334, %get3A_335] {strides = array<i32>} : memref<3x200x128xf32, #tpu.memory_space<vmem>>, vector<16xf32>,
      %add3A_337 = arith.addf %add3A_285, %get3A_336 : vector<16xf32>
      %get3A_338 = arith.constant 0 : i32
      %get3A_339 = arith.index_cast %get3A_338 : i32 to index
      %get3A_340 = arith.index_cast %add3A_319 : i32 to index
      %get3A_341 = arith.constant 48 : index
      %get3A_342 = tpu.vector_load %arg6[%get3A_339, %get3A_340, %get3A_341] {strides = array<i32>} : memref<3x200x128xf32, #tpu.memory_space<vmem>>, vector<16xf32>,
      %add3A_343 = arith.addf %add3A_291, %get3A_342 : vector<16xf32>
      %get3A_344 = arith.constant 0 : i32
      %get3A_345 = arith.index_cast %get3A_344 : i32 to index
      %get3A_346 = arith.index_cast %add3A_319 : i32 to index
      %get3A_347 = arith.constant 64 : index
      %get3A_348 = tpu.vector_load %arg6[%get3A_345, %get3A_346, %get3A_347] {strides = array<i32>} : memref<3x200x128xf32, #tpu.memory_space<vmem>>, vector<16xf32>,
      %add3A_349 = arith.addf %add3A_297, %get3A_348 : vector<16xf32>
      %get3A_350 = arith.constant 0 : i32
      %get3A_351 = arith.index_cast %get3A_350 : i32 to index
      %get3A_352 = arith.index_cast %add3A_319 : i32 to index
      %get3A_353 = arith.constant 80 : index
      %get3A_354 = tpu.vector_load %arg6[%get3A_351, %get3A_352, %get3A_353] {strides = array<i32>} : memref<3x200x128xf32, #tpu.memory_space<vmem>>, vector<16xf32>,
      %add3A_355 = arith.addf %add3A_303, %get3A_354 : vector<16xf32>
      %get3A_356 = arith.constant 0 : i32
      %get3A_357 = arith.index_cast %get3A_356 : i32 to index
      %get3A_358 = arith.index_cast %add3A_319 : i32 to index
      %get3A_359 = arith.constant 96 : index
      %get3A_360 = tpu.vector_load %arg6[%get3A_357, %get3A_358, %get3A_359] {strides = array<i32>} : memref<3x200x128xf32, #tpu.memory_space<vmem>>, vector<16xf32>,
      %add3A_361 = arith.addf %add3A_309, %get3A_360 : vector<16xf32>
      %get3A_362 = arith.constant 0 : i32
      %get3A_363 = arith.index_cast %get3A_362 : i32 to index
      %get3A_364 = arith.index_cast %add3A_319 : i32 to index
      %get3A_365 = arith.constant 112 : index
      %get3A_366 = tpu.vector_load %arg6[%get3A_363, %get3A_364, %get3A_365] {strides = array<i32>} : memref<3x200x128xf32, #tpu.memory_space<vmem>>, vector<16xf32>,
      %add3A_367 = arith.addf %add3A_315, %get3A_366 : vector<16xf32>
      %mul3A_368 = arith.constant 8 : i32
      %mul3A_369 = arith.muli %scan3A_256, %mul3A_368 : i32
      %add3A_370 = arith.constant 2 : i32
      %add3A_371 = arith.addi %mul3A_369, %add3A_370 : i32
      %get3A_372 = arith.constant 0 : i32
      %get3A_373 = arith.index_cast %get3A_372 : i32 to index
      %get3A_374 = arith.index_cast %add3A_371 : i32 to index
      %get3A_375 = arith.constant 0 : index
      %get3A_376 = tpu.vector_load %arg6[%get3A_373, %get3A_374, %get3A_375] {strides = array<i32>} : memref<3x200x128xf32, #tpu.memory_space<vmem>>, vector<16xf32>,
      %add3A_377 = arith.addf %add3A_325, %get3A_376 : vector<16xf32>
      %get3A_378 = arith.constant 0 : i32
      %get3A_379 = arith.index_cast %get3A_378 : i32 to index
      %get3A_380 = arith.index_cast %add3A_371 : i32 to index
      %get3A_381 = arith.constant 16 : index
      %get3A_382 = tpu.vector_load %arg6[%get3A_379, %get3A_380, %get3A_381] {strides = array<i32>} : memref<3x200x128xf32, #tpu.memory_space<vmem>>, vector<16xf32>,
      %add3A_383 = arith.addf %add3A_331, %get3A_382 : vector<16xf32>
      %get3A_384 = arith.constant 0 : i32
      %get3A_385 = arith.index_cast %get3A_384 : i32 to index
      %get3A_386 = arith.index_cast %add3A_371 : i32 to index
      %get3A_387 = arith.constant 32 : index
      %get3A_388 = tpu.vector_load %arg6[%get3A_385, %get3A_386, %get3A_387] {strides = array<i32>} : memref<3x200x128xf32, #tpu.memory_space<vmem>>, vector<16xf32>,
      %add3A_389 = arith.addf %add3A_337, %get3A_388 : vector<16xf32>
      %get3A_390 = arith.constant 0 : i32
      %get3A_391 = arith.index_cast %get3A_390 : i32 to index
      %get3A_392 = arith.index_cast %add3A_371 : i32 to index
      %get3A_393 = arith.constant 48 : index
      %get3A_394 = tpu.vector_load %arg6[%get3A_391, %get3A_392, %get3A_393] {strides = array<i32>} : memref<3x200x128xf32, #tpu.memory_space<vmem>>, vector<16xf32>,
      %add3A_395 = arith.addf %add3A_343, %get3A_394 : vector<16xf32>
      %get3A_396 = arith.constant 0 : i32
      %get3A_397 = arith.index_cast %get3A_396 : i32 to index
      %get3A_398 = arith.index_cast %add3A_371 : i32 to index
      %get3A_399 = arith.constant 64 : index
      %get3A_400 = tpu.vector_load %arg6[%get3A_397, %get3A_398, %get3A_399] {strides = array<i32>} : memref<3x200x128xf32, #tpu.memory_space<vmem>>, vector<16xf32>,
      %add3A_401 = arith.addf %add3A_349, %get3A_400 : vector<16xf32>
      %get3A_402 = arith.constant 0 : i32
      %get3A_403 = arith.index_cast %get3A_402 : i32 to index
      %get3A_404 = arith.index_cast %add3A_371 : i32 to index
      %get3A_405 = arith.constant 80 : index
      %get3A_406 = tpu.vector_load %arg6[%get3A_403, %get3A_404, %get3A_405] {strides = array<i32>} : memref<3x200x128xf32, #tpu.memory_space<vmem>>, vector<16xf32>,
      %add3A_407 = arith.addf %add3A_355, %get3A_406 : vector<16xf32>
      %get3A_408 = arith.constant 0 : i32
      %get3A_409 = arith.index_cast %get3A_408 : i32 to index
      %get3A_410 = arith.index_cast %add3A_371 : i32 to index
      %get3A_411 = arith.constant 96 : index
      %get3A_412 = tpu.vector_load %arg6[%get3A_409, %get3A_410, %get3A_411] {strides = array<i32>} : memref<3x200x128xf32, #tpu.memory_space<vmem>>, vector<16xf32>,
      %add3A_413 = arith.addf %add3A_361, %get3A_412 : vector<16xf32>
      %get3A_414 = arith.constant 0 : i32
      %get3A_415 = arith.index_cast %get3A_414 : i32 to index
      %get3A_416 = arith.index_cast %add3A_371 : i32 to index
      %get3A_417 = arith.constant 112 : index
      %get3A_418 = tpu.vector_load %arg6[%get3A_415, %get3A_416, %get3A_417] {strides = array<i32>} : memref<3x200x128xf32, #tpu.memory_space<vmem>>, vector<16xf32>,
      %add3A_419 = arith.addf %add3A_367, %get3A_418 : vector<16xf32>
      %mul3A_420 = arith.constant 8 : i32
      %mul3A_421 = arith.muli %scan3A_256, %mul3A_420 : i32
      %add3A_422 = arith.constant 3 : i32
      %add3A_423 = arith.addi %mul3A_421, %add3A_422 : i32
      %get3A_424 = arith.constant 0 : i32
      %get3A_425 = arith.index_cast %get3A_424 : i32 to index
      %get3A_426 = arith.index_cast %add3A_423 : i32 to index
      %get3A_427 = arith.constant 0 : index
      %get3A_428 = tpu.vector_load %arg6[%get3A_425, %get3A_426, %get3A_427] {strides = array<i32>} : memref<3x200x128xf32, #tpu.memory_space<vmem>>, vector<16xf32>,
      %add3A_429 = arith.addf %add3A_377, %get3A_428 : vector<16xf32>
      %get3A_430 = arith.constant 0 : i32
      %get3A_431 = arith.index_cast %get3A_430 : i32 to index
      %get3A_432 = arith.index_cast %add3A_423 : i32 to index
      %get3A_433 = arith.constant 16 : index
      %get3A_434 = tpu.vector_load %arg6[%get3A_431, %get3A_432, %get3A_433] {strides = array<i32>} : memref<3x200x128xf32, #tpu.memory_space<vmem>>, vector<16xf32>,
      %add3A_435 = arith.addf %add3A_383, %get3A_434 : vector<16xf32>
      %get3A_436 = arith.constant 0 : i32
      %get3A_437 = arith.index_cast %get3A_436 : i32 to index
      %get3A_438 = arith.index_cast %add3A_423 : i32 to index
      %get3A_439 = arith.constant 32 : index
      %get3A_440 = tpu.vector_load %arg6[%get3A_437, %get3A_438, %get3A_439] {strides = array<i32>} : memref<3x200x128xf32, #tpu.memory_space<vmem>>, vector<16xf32>,
      %add3A_441 = arith.addf %add3A_389, %get3A_440 : vector<16xf32>
      %get3A_442 = arith.constant 0 : i32
      %get3A_443 = arith.index_cast %get3A_442 : i32 to index
      %get3A_444 = arith.index_cast %add3A_423 : i32 to index
      %get3A_445 = arith.constant 48 : index
      %get3A_446 = tpu.vector_load %arg6[%get3A_443, %get3A_444, %get3A_445] {strides = array<i32>} : memref<3x200x128xf32, #tpu.memory_space<vmem>>, vector<16xf32>,
      %add3A_447 = arith.addf %add3A_395, %get3A_446 : vector<16xf32>
      %get3A_448 = arith.constant 0 : i32
      %get3A_449 = arith.index_cast %get3A_448 : i32 to index
      %get3A_450 = arith.index_cast %add3A_423 : i32 to index
      %get3A_451 = arith.constant 64 : index
      %get3A_452 = tpu.vector_load %arg6[%get3A_449, %get3A_450, %get3A_451] {strides = array<i32>} : memref<3x200x128xf32, #tpu.memory_space<vmem>>, vector<16xf32>,
      %add3A_453 = arith.addf %add3A_401, %get3A_452 : vector<16xf32>
      %get3A_454 = arith.constant 0 : i32
      %get3A_455 = arith.index_cast %get3A_454 : i32 to index
      %get3A_456 = arith.index_cast %add3A_423 : i32 to index
      %get3A_457 = arith.constant 80 : index
      %get3A_458 = tpu.vector_load %arg6[%get3A_455, %get3A_456, %get3A_457] {strides = array<i32>} : memref<3x200x128xf32, #tpu.memory_space<vmem>>, vector<16xf32>,
      %add3A_459 = arith.addf %add3A_407, %get3A_458 : vector<16xf32>
      %get3A_460 = arith.constant 0 : i32
      %get3A_461 = arith.index_cast %get3A_460 : i32 to index
      %get3A_462 = arith.index_cast %add3A_423 : i32 to index
      %get3A_463 = arith.constant 96 : index
      %get3A_464 = tpu.vector_load %arg6[%get3A_461, %get3A_462, %get3A_463] {strides = array<i32>} : memref<3x200x128xf32, #tpu.memory_space<vmem>>, vector<16xf32>,
      %add3A_465 = arith.addf %add3A_413, %get3A_464 : vector<16xf32>
      %get3A_466 = arith.constant 0 : i32
      %get3A_467 = arith.index_cast %get3A_466 : i32 to index
      %get3A_468 = arith.index_cast %add3A_423 : i32 to index
      %get3A_469 = arith.constant 112 : index
      %get3A_470 = tpu.vector_load %arg6[%get3A_467, %get3A_468, %get3A_469] {strides = array<i32>} : memref<3x200x128xf32, #tpu.memory_space<vmem>>, vector<16xf32>,
      %add3A_471 = arith.addf %add3A_419, %get3A_470 : vector<16xf32>
      %mul3A_472 = arith.constant 8 : i32
      %mul3A_473 = arith.muli %scan3A_256, %mul3A_472 : i32
      %add3A_474 = arith.constant 4 : i32
      %add3A_475 = arith.addi %mul3A_473, %add3A_474 : i32
      %get3A_476 = arith.constant 0 : i32
      %get3A_477 = arith.index_cast %get3A_476 : i32 to index
      %get3A_478 = arith.index_cast %add3A_475 : i32 to index
      %get3A_479 = arith.constant 0 : index
      %get3A_480 = tpu.vector_load %arg6[%get3A_477, %get3A_478, %get3A_479] {strides = array<i32>} : memref<3x200x128xf32, #tpu.memory_space<vmem>>, vector<16xf32>,
      %add3A_481 = arith.addf %add3A_429, %get3A_480 : vector<16xf32>
      %get3A_482 = arith.constant 0 : i32
      %get3A_483 = arith.index_cast %get3A_482 : i32 to index
      %get3A_484 = arith.index_cast %add3A_475 : i32 to index
      %get3A_485 = arith.constant 16 : index
      %get3A_486 = tpu.vector_load %arg6[%get3A_483, %get3A_484, %get3A_485] {strides = array<i32>} : memref<3x200x128xf32, #tpu.memory_space<vmem>>, vector<16xf32>,
      %add3A_487 = arith.addf %add3A_435, %get3A_486 : vector<16xf32>
      %get3A_488 = arith.constant 0 : i32
      %get3A_489 = arith.index_cast %get3A_488 : i32 to index
      %get3A_490 = arith.index_cast %add3A_475 : i32 to index
      %get3A_491 = arith.constant 32 : index
      %get3A_492 = tpu.vector_load %arg6[%get3A_489, %get3A_490, %get3A_491] {strides = array<i32>} : memref<3x200x128xf32, #tpu.memory_space<vmem>>, vector<16xf32>,
      %add3A_493 = arith.addf %add3A_441, %get3A_492 : vector<16xf32>
      %get3A_494 = arith.constant 0 : i32
      %get3A_495 = arith.index_cast %get3A_494 : i32 to index
      %get3A_496 = arith.index_cast %add3A_475 : i32 to index
      %get3A_497 = arith.constant 48 : index
      %get3A_498 = tpu.vector_load %arg6[%get3A_495, %get3A_496, %get3A_497] {strides = array<i32>} : memref<3x200x128xf32, #tpu.memory_space<vmem>>, vector<16xf32>,
      %add3A_499 = arith.addf %add3A_447, %get3A_498 : vector<16xf32>
      %get3A_500 = arith.constant 0 : i32
      %get3A_501 = arith.index_cast %get3A_500 : i32 to index
      %get3A_502 = arith.index_cast %add3A_475 : i32 to index
      %get3A_503 = arith.constant 64 : index
      %get3A_504 = tpu.vector_load %arg6[%get3A_501, %get3A_502, %get3A_503] {strides = array<i32>} : memref<3x200x128xf32, #tpu.memory_space<vmem>>, vector<16xf32>,
      %add3A_505 = arith.addf %add3A_453, %get3A_504 : vector<16xf32>
      %get3A_506 = arith.constant 0 : i32
      %get3A_507 = arith.index_cast %get3A_506 : i32 to index
      %get3A_508 = arith.index_cast %add3A_475 : i32 to index
      %get3A_509 = arith.constant 80 : index
      %get3A_510 = tpu.vector_load %arg6[%get3A_507, %get3A_508, %get3A_509] {strides = array<i32>} : memref<3x200x128xf32, #tpu.memory_space<vmem>>, vector<16xf32>,
      %add3A_511 = arith.addf %add3A_459, %get3A_510 : vector<16xf32>
      %get3A_512 = arith.constant 0 : i32
      %get3A_513 = arith.index_cast %get3A_512 : i32 to index
      %get3A_514 = arith.index_cast %add3A_475 : i32 to index
      %get3A_515 = arith.constant 96 : index
      %get3A_516 = tpu.vector_load %arg6[%get3A_513, %get3A_514, %get3A_515] {strides = array<i32>} : memref<3x200x128xf32, #tpu.memory_space<vmem>>, vector<16xf32>,
      %add3A_517 = arith.addf %add3A_465, %get3A_516 : vector<16xf32>
      %get3A_518 = arith.constant 0 : i32
      %get3A_519 = arith.index_cast %get3A_518 : i32 to index
      %get3A_520 = arith.index_cast %add3A_475 : i32 to index
      %get3A_521 = arith.constant 112 : index
      %get3A_522 = tpu.vector_load %arg6[%get3A_519, %get3A_520, %get3A_521] {strides = array<i32>} : memref<3x200x128xf32, #tpu.memory_space<vmem>>, vector<16xf32>,
      %add3A_523 = arith.addf %add3A_471, %get3A_522 : vector<16xf32>
      %mul3A_524 = arith.constant 8 : i32
      %mul3A_525 = arith.muli %scan3A_256, %mul3A_524 : i32
      %add3A_526 = arith.constant 5 : i32
      %add3A_527 = arith.addi %mul3A_525, %add3A_526 : i32
      %get3A_528 = arith.constant 0 : i32
      %get3A_529 = arith.index_cast %get3A_528 : i32 to index
      %get3A_530 = arith.index_cast %add3A_527 : i32 to index
      %get3A_531 = arith.constant 0 : index
      %get3A_532 = tpu.vector_load %arg6[%get3A_529, %get3A_530, %get3A_531] {strides = array<i32>} : memref<3x200x128xf32, #tpu.memory_space<vmem>>, vector<16xf32>,
      %add3A_533 = arith.addf %add3A_481, %get3A_532 : vector<16xf32>
      %get3A_534 = arith.constant 0 : i32
      %get3A_535 = arith.index_cast %get3A_534 : i32 to index
      %get3A_536 = arith.index_cast %add3A_527 : i32 to index
      %get3A_537 = arith.constant 16 : index
      %get3A_538 = tpu.vector_load %arg6[%get3A_535, %get3A_536, %get3A_537] {strides = array<i32>} : memref<3x200x128xf32, #tpu.memory_space<vmem>>, vector<16xf32>,
      %add3A_539 = arith.addf %add3A_487, %get3A_538 : vector<16xf32>
      %get3A_540 = arith.constant 0 : i32
      %get3A_541 = arith.index_cast %get3A_540 : i32 to index
      %get3A_542 = arith.index_cast %add3A_527 : i32 to index
      %get3A_543 = arith.constant 32 : index
      %get3A_544 = tpu.vector_load %arg6[%get3A_541, %get3A_542, %get3A_543] {strides = array<i32>} : memref<3x200x128xf32, #tpu.memory_space<vmem>>, vector<16xf32>,
      %add3A_545 = arith.addf %add3A_493, %get3A_544 : vector<16xf32>
      %get3A_546 = arith.constant 0 : i32
      %get3A_547 = arith.index_cast %get3A_546 : i32 to index
      %get3A_548 = arith.index_cast %add3A_527 : i32 to index
      %get3A_549 = arith.constant 48 : index
      %get3A_550 = tpu.vector_load %arg6[%get3A_547, %get3A_548, %get3A_549] {strides = array<i32>} : memref<3x200x128xf32, #tpu.memory_space<vmem>>, vector<16xf32>,
      %add3A_551 = arith.addf %add3A_499, %get3A_550 : vector<16xf32>
      %get3A_552 = arith.constant 0 : i32
      %get3A_553 = arith.index_cast %get3A_552 : i32 to index
      %get3A_554 = arith.index_cast %add3A_527 : i32 to index
      %get3A_555 = arith.constant 64 : index
      %get3A_556 = tpu.vector_load %arg6[%get3A_553, %get3A_554, %get3A_555] {strides = array<i32>} : memref<3x200x128xf32, #tpu.memory_space<vmem>>, vector<16xf32>,
      %add3A_557 = arith.addf %add3A_505, %get3A_556 : vector<16xf32>
      %get3A_558 = arith.constant 0 : i32
      %get3A_559 = arith.index_cast %get3A_558 : i32 to index
      %get3A_560 = arith.index_cast %add3A_527 : i32 to index
      %get3A_561 = arith.constant 80 : index
      %get3A_562 = tpu.vector_load %arg6[%get3A_559, %get3A_560, %get3A_561] {strides = array<i32>} : memref<3x200x128xf32, #tpu.memory_space<vmem>>, vector<16xf32>,
      %add3A_563 = arith.addf %add3A_511, %get3A_562 : vector<16xf32>
      %get3A_564 = arith.constant 0 : i32
      %get3A_565 = arith.index_cast %get3A_564 : i32 to index
      %get3A_566 = arith.index_cast %add3A_527 : i32 to index
      %get3A_567 = arith.constant 96 : index
      %get3A_568 = tpu.vector_load %arg6[%get3A_565, %get3A_566, %get3A_567] {strides = array<i32>} : memref<3x200x128xf32, #tpu.memory_space<vmem>>, vector<16xf32>,
      %add3A_569 = arith.addf %add3A_517, %get3A_568 : vector<16xf32>
      %get3A_570 = arith.constant 0 : i32
      %get3A_571 = arith.index_cast %get3A_570 : i32 to index
      %get3A_572 = arith.index_cast %add3A_527 : i32 to index
      %get3A_573 = arith.constant 112 : index
      %get3A_574 = tpu.vector_load %arg6[%get3A_571, %get3A_572, %get3A_573] {strides = array<i32>} : memref<3x200x128xf32, #tpu.memory_space<vmem>>, vector<16xf32>,
      %add3A_575 = arith.addf %add3A_523, %get3A_574 : vector<16xf32>
      %mul3A_576 = arith.constant 8 : i32
      %mul3A_577 = arith.muli %scan3A_256, %mul3A_576 : i32
      %add3A_578 = arith.constant 6 : i32
      %add3A_579 = arith.addi %mul3A_577, %add3A_578 : i32
      %get3A_580 = arith.constant 0 : i32
      %get3A_581 = arith.index_cast %get3A_580 : i32 to index
      %get3A_582 = arith.index_cast %add3A_579 : i32 to index
      %get3A_583 = arith.constant 0 : index
      %get3A_584 = tpu.vector_load %arg6[%get3A_581, %get3A_582, %get3A_583] {strides = array<i32>} : memref<3x200x128xf32, #tpu.memory_space<vmem>>, vector<16xf32>,
      %add3A_585 = arith.addf %add3A_533, %get3A_584 : vector<16xf32>
      %get3A_586 = arith.constant 0 : i32
      %get3A_587 = arith.index_cast %get3A_586 : i32 to index
      %get3A_588 = arith.index_cast %add3A_579 : i32 to index
      %get3A_589 = arith.constant 16 : index
      %get3A_590 = tpu.vector_load %arg6[%get3A_587, %get3A_588, %get3A_589] {strides = array<i32>} : memref<3x200x128xf32, #tpu.memory_space<vmem>>, vector<16xf32>,
      %add3A_591 = arith.addf %add3A_539, %get3A_590 : vector<16xf32>
      %get3A_592 = arith.constant 0 : i32
      %get3A_593 = arith.index_cast %get3A_592 : i32 to index
      %get3A_594 = arith.index_cast %add3A_579 : i32 to index
      %get3A_595 = arith.constant 32 : index
      %get3A_596 = tpu.vector_load %arg6[%get3A_593, %get3A_594, %get3A_595] {strides = array<i32>} : memref<3x200x128xf32, #tpu.memory_space<vmem>>, vector<16xf32>,
      %add3A_597 = arith.addf %add3A_545, %get3A_596 : vector<16xf32>
      %get3A_598 = arith.constant 0 : i32
      %get3A_599 = arith.index_cast %get3A_598 : i32 to index
      %get3A_600 = arith.index_cast %add3A_579 : i32 to index
      %get3A_601 = arith.constant 48 : index
      %get3A_602 = tpu.vector_load %arg6[%get3A_599, %get3A_600, %get3A_601] {strides = array<i32>} : memref<3x200x128xf32, #tpu.memory_space<vmem>>, vector<16xf32>,
      %add3A_603 = arith.addf %add3A_551, %get3A_602 : vector<16xf32>
      %get3A_604 = arith.constant 0 : i32
      %get3A_605 = arith.index_cast %get3A_604 : i32 to index
      %get3A_606 = arith.index_cast %add3A_579 : i32 to index
      %get3A_607 = arith.constant 64 : index
      %get3A_608 = tpu.vector_load %arg6[%get3A_605, %get3A_606, %get3A_607] {strides = array<i32>} : memref<3x200x128xf32, #tpu.memory_space<vmem>>, vector<16xf32>,
      %add3A_609 = arith.addf %add3A_557, %get3A_608 : vector<16xf32>
      %get3A_610 = arith.constant 0 : i32
      %get3A_611 = arith.index_cast %get3A_610 : i32 to index
      %get3A_612 = arith.index_cast %add3A_579 : i32 to index
      %get3A_613 = arith.constant 80 : index
      %get3A_614 = tpu.vector_load %arg6[%get3A_611, %get3A_612, %get3A_613] {strides = array<i32>} : memref<3x200x128xf32, #tpu.memory_space<vmem>>, vector<16xf32>,
      %add3A_615 = arith.addf %add3A_563, %get3A_614 : vector<16xf32>
      %get3A_616 = arith.constant 0 : i32
      %get3A_617 = arith.index_cast %get3A_616 : i32 to index
      %get3A_618 = arith.index_cast %add3A_579 : i32 to index
      %get3A_619 = arith.constant 96 : index
      %get3A_620 = tpu.vector_load %arg6[%get3A_617, %get3A_618, %get3A_619] {strides = array<i32>} : memref<3x200x128xf32, #tpu.memory_space<vmem>>, vector<16xf32>,
      %add3A_621 = arith.addf %add3A_569, %get3A_620 : vector<16xf32>
      %get3A_622 = arith.constant 0 : i32
      %get3A_623 = arith.index_cast %get3A_622 : i32 to index
      %get3A_624 = arith.index_cast %add3A_579 : i32 to index
      %get3A_625 = arith.constant 112 : index
      %get3A_626 = tpu.vector_load %arg6[%get3A_623, %get3A_624, %get3A_625] {strides = array<i32>} : memref<3x200x128xf32, #tpu.memory_space<vmem>>, vector<16xf32>,
      %add3A_627 = arith.addf %add3A_575, %get3A_626 : vector<16xf32>
      %mul3A_628 = arith.constant 8 : i32
      %mul3A_629 = arith.muli %scan3A_256, %mul3A_628 : i32
      %add3A_630 = arith.constant 7 : i32
      %add3A_631 = arith.addi %mul3A_629, %add3A_630 : i32
      %get3A_632 = arith.constant 0 : i32
      %get3A_633 = arith.index_cast %get3A_632 : i32 to index
      %get3A_634 = arith.index_cast %add3A_631 : i32 to index
      %get3A_635 = arith.constant 0 : index
      %get3A_636 = tpu.vector_load %arg6[%get3A_633, %get3A_634, %get3A_635] {strides = array<i32>} : memref<3x200x128xf32, #tpu.memory_space<vmem>>, vector<16xf32>,
      %add3A_637 = arith.addf %add3A_585, %get3A_636 : vector<16xf32>
      %get3A_638 = arith.constant 0 : i32
      %get3A_639 = arith.index_cast %get3A_638 : i32 to index
      %get3A_640 = arith.index_cast %add3A_631 : i32 to index
      %get3A_641 = arith.constant 16 : index
      %get3A_642 = tpu.vector_load %arg6[%get3A_639, %get3A_640, %get3A_641] {strides = array<i32>} : memref<3x200x128xf32, #tpu.memory_space<vmem>>, vector<16xf32>,
      %add3A_643 = arith.addf %add3A_591, %get3A_642 : vector<16xf32>
      %get3A_644 = arith.constant 0 : i32
      %get3A_645 = arith.index_cast %get3A_644 : i32 to index
      %get3A_646 = arith.index_cast %add3A_631 : i32 to index
      %get3A_647 = arith.constant 32 : index
      %get3A_648 = tpu.vector_load %arg6[%get3A_645, %get3A_646, %get3A_647] {strides = array<i32>} : memref<3x200x128xf32, #tpu.memory_space<vmem>>, vector<16xf32>,
      %add3A_649 = arith.addf %add3A_597, %get3A_648 : vector<16xf32>
      %get3A_650 = arith.constant 0 : i32
      %get3A_651 = arith.index_cast %get3A_650 : i32 to index
      %get3A_652 = arith.index_cast %add3A_631 : i32 to index
      %get3A_653 = arith.constant 48 : index
      %get3A_654 = tpu.vector_load %arg6[%get3A_651, %get3A_652, %get3A_653] {strides = array<i32>} : memref<3x200x128xf32, #tpu.memory_space<vmem>>, vector<16xf32>,
      %add3A_655 = arith.addf %add3A_603, %get3A_654 : vector<16xf32>
      %get3A_656 = arith.constant 0 : i32
      %get3A_657 = arith.index_cast %get3A_656 : i32 to index
      %get3A_658 = arith.index_cast %add3A_631 : i32 to index
      %get3A_659 = arith.constant 64 : index
      %get3A_660 = tpu.vector_load %arg6[%get3A_657, %get3A_658, %get3A_659] {strides = array<i32>} : memref<3x200x128xf32, #tpu.memory_space<vmem>>, vector<16xf32>,
      %add3A_661 = arith.addf %add3A_609, %get3A_660 : vector<16xf32>
      %get3A_662 = arith.constant 0 : i32
      %get3A_663 = arith.index_cast %get3A_662 : i32 to index
      %get3A_664 = arith.index_cast %add3A_631 : i32 to index
      %get3A_665 = arith.constant 80 : index
      %get3A_666 = tpu.vector_load %arg6[%get3A_663, %get3A_664, %get3A_665] {strides = array<i32>} : memref<3x200x128xf32, #tpu.memory_space<vmem>>, vector<16xf32>,
      %add3A_667 = arith.addf %add3A_615, %get3A_666 : vector<16xf32>
      %get3A_668 = arith.constant 0 : i32
      %get3A_669 = arith.index_cast %get3A_668 : i32 to index
      %get3A_670 = arith.index_cast %add3A_631 : i32 to index
      %get3A_671 = arith.constant 96 : index
      %get3A_672 = tpu.vector_load %arg6[%get3A_669, %get3A_670, %get3A_671] {strides = array<i32>} : memref<3x200x128xf32, #tpu.memory_space<vmem>>, vector<16xf32>,
      %add3A_673 = arith.addf %add3A_621, %get3A_672 : vector<16xf32>
      %get3A_674 = arith.constant 0 : i32
      %get3A_675 = arith.index_cast %get3A_674 : i32 to index
      %get3A_676 = arith.index_cast %add3A_631 : i32 to index
      %get3A_677 = arith.constant 112 : index
      %get3A_678 = tpu.vector_load %arg6[%get3A_675, %get3A_676, %get3A_677] {strides = array<i32>} : memref<3x200x128xf32, #tpu.memory_space<vmem>>, vector<16xf32>,
      %add3A_679 = arith.addf %add3A_627, %get3A_678 : vector<16xf32>
      scf.yield %add3A_637, %add3A_643, %add3A_649, %add3A_655, %add3A_661, %add3A_667, %add3A_673, %add3A_679 : vector<16xf32>, vector<16xf32>, vector<16xf32>, vector<16xf32>, vector<16xf32>, vector<16xf32>, vector<16xf32>, vector<16xf32>
    }
    %scan3A_122 = arith.constant 25 : i32
    %swap3A = arith.constant 126 : i32
    %swap3A_123 = arith.index_cast %swap3A : i32 to index
    %swap3A_124 = arith.constant 0 : index
    %swap3A_125 = tpu.vector_load %arg7[%swap3A_123, %swap3A_124] {strides = array<i32>} : memref<128x128xf32, #tpu.memory_space<vmem>>, vector<16xf32>,
    tpu.vector_store %arg7[%swap3A_123, %swap3A_124], %scan3A_121#0 {strides = array<i32>} : memref<128x128xf32, #tpu.memory_space<vmem>>, vector<16xf32>,
    %swap3A_126 = arith.constant 126 : i32
    %swap3A_127 = arith.index_cast %swap3A_126 : i32 to index
    %swap3A_128 = arith.constant 16 : index
    %swap3A_129 = tpu.vector_load %arg7[%swap3A_127, %swap3A_128] {strides = array<i32>} : memref<128x128xf32, #tpu.memory_space<vmem>>, vector<16xf32>,
    tpu.vector_store %arg7[%swap3A_127, %swap3A_128], %scan3A_121#1 {strides = array<i32>} : memref<128x128xf32, #tpu.memory_space<vmem>>, vector<16xf32>,
    %swap3A_130 = arith.constant 126 : i32
    %swap3A_131 = arith.index_cast %swap3A_130 : i32 to index
    %swap3A_132 = arith.constant 32 : index
    %swap3A_133 = tpu.vector_load %arg7[%swap3A_131, %swap3A_132] {strides = array<i32>} : memref<128x128xf32, #tpu.memory_space<vmem>>, vector<16xf32>,
    tpu.vector_store %arg7[%swap3A_131, %swap3A_132], %scan3A_121#2 {strides = array<i32>} : memref<128x128xf32, #tpu.memory_space<vmem>>, vector<16xf32>,
    %swap3A_134 = arith.constant 126 : i32
    %swap3A_135 = arith.index_cast %swap3A_134 : i32 to index
    %swap3A_136 = arith.constant 48 : index
    %swap3A_137 = tpu.vector_load %arg7[%swap3A_135, %swap3A_136] {strides = array<i32>} : memref<128x128xf32, #tpu.memory_space<vmem>>, vector<16xf32>,
    tpu.vector_store %arg7[%swap3A_135, %swap3A_136], %scan3A_121#3 {strides = array<i32>} : memref<128x128xf32, #tpu.memory_space<vmem>>, vector<16xf32>,
    %swap3A_138 = arith.constant 126 : i32
    %swap3A_139 = arith.index_cast %swap3A_138 : i32 to index
    %swap3A_140 = arith.constant 64 : index
    %swap3A_141 = tpu.vector_load %arg7[%swap3A_139, %swap3A_140] {strides = array<i32>} : memref<128x128xf32, #tpu.memory_space<vmem>>, vector<16xf32>,
    tpu.vector_store %arg7[%swap3A_139, %swap3A_140], %scan3A_121#4 {strides = array<i32>} : memref<128x128xf32, #tpu.memory_space<vmem>>, vector<16xf32>,
    %swap3A_142 = arith.constant 126 : i32
    %swap3A_143 = arith.index_cast %swap3A_142 : i32 to index
    %swap3A_144 = arith.constant 80 : index
    %swap3A_145 = tpu.vector_load %arg7[%swap3A_143, %swap3A_144] {strides = array<i32>} : memref<128x128xf32, #tpu.memory_space<vmem>>, vector<16xf32>,
    tpu.vector_store %arg7[%swap3A_143, %swap3A_144], %scan3A_121#5 {strides = array<i32>} : memref<128x128xf32, #tpu.memory_space<vmem>>, vector<16xf32>,
    %swap3A_146 = arith.constant 126 : i32
    %swap3A_147 = arith.index_cast %swap3A_146 : i32 to index
    %swap3A_148 = arith.constant 96 : index
    %swap3A_149 = tpu.vector_load %arg7[%swap3A_147, %swap3A_148] {strides = array<i32>} : memref<128x128xf32, #tpu.memory_space<vmem>>, vector<16xf32>,
    tpu.vector_store %arg7[%swap3A_147, %swap3A_148], %scan3A_121#6 {strides = array<i32>} : memref<128x128xf32, #tpu.memory_space<vmem>>, vector<16xf32>,
    %swap3A_150 = arith.constant 126 : i32
    %swap3A_151 = arith.index_cast %swap3A_150 : i32 to index
    %swap3A_152 = arith.constant 112 : index
    %swap3A_153 = tpu.vector_load %arg7[%swap3A_151, %swap3A_152] {strides = array<i32>} : memref<128x128xf32, #tpu.memory_space<vmem>>, vector<16xf32>,
    tpu.vector_store %arg7[%swap3A_151, %swap3A_152], %scan3A_121#7 {strides = array<i32>} : memref<128x128xf32, #tpu.memory_space<vmem>>, vector<16xf32>,
    %dma_wait3A_154 = arith.constant 0 : i32
    %dma_wait3A_155 = arith.constant 1 : i32
    %dma_wait3A_156 = arith.constant 0 : i32
    %dma_wait3A_157 = arith.constant 0 : i32
    %dma_wait3A_158 = tpu.memref_slice %arg6[%dma_wait3A_155, %dma_wait3A_156, %dma_wait3A_157] : memref<3x200x128xf32, #tpu.memory_space<vmem>> -> memref<1x104x128xf32, #tpu.memory_space<vmem>>
    %dma_wait3A_159 = tpu.memref_squeeze %dma_wait3A_158 : memref<1x104x128xf32, #tpu.memory_space<vmem>> -> memref<104x128xf32, #tpu.memory_space<vmem>>
    %dma_wait3A_160 = arith.constant 0 : i32
    %dma_wait3A_161 = tpu.memref_slice %arg5[%dma_wait3A_154, %dma_wait3A_160] : memref<128x200xi32, #tpu.memory_space<vmem>> -> memref<1x104xi32, #tpu.memory_space<vmem>>
    %dma_wait3A_162 = tpu.memref_squeeze %dma_wait3A_161 : memref<1x104xi32, #tpu.memory_space<vmem>> -> memref<104xi32, #tpu.memory_space<vmem>>
    %dma_wait3A_163 = arith.constant 0 : i32
    %dma_wait3A_164 = arith.constant 0 : i32
    %dma_wait3A_165 = tpu.memref_slice %arg3[%dma_wait3A_163, %dma_wait3A_164] : memref<100000x128xf32, #tpu.memory_space<hbm>> -> memref<100000x128xf32, #tpu.memory_space<hbm>>
    tpu.wait_indirect_dma semaphore(%arg9 : memref<!tpu.dma_semaphore, #tpu.memory_space<semaphore_mem>>) src(%dma_wait3A_165 : memref<100000x128xf32, #tpu.memory_space<hbm>>) dst(%dma_wait3A_159 : memref<104x128xf32, #tpu.memory_space<vmem>>)
    %dma_wait3A_166 = arith.constant 0 : i32
    %dma_wait3A_167 = arith.constant 1 : i32
    %dma_wait3A_168 = arith.constant 104 : i32
    %dma_wait3A_169 = arith.constant 0 : i32
    %dma_wait3A_170 = tpu.memref_slice %arg6[%dma_wait3A_167, %dma_wait3A_168, %dma_wait3A_169] : memref<3x200x128xf32, #tpu.memory_space<vmem>> -> memref<1x96x128xf32, #tpu.memory_space<vmem>>
    %dma_wait3A_171 = tpu.memref_squeeze %dma_wait3A_170 : memref<1x96x128xf32, #tpu.memory_space<vmem>> -> memref<96x128xf32, #tpu.memory_space<vmem>>
    %dma_wait3A_172 = arith.constant 104 : i32
    %dma_wait3A_173 = tpu.memref_slice %arg5[%dma_wait3A_166, %dma_wait3A_172] : memref<128x200xi32, #tpu.memory_space<vmem>> -> memref<1x96xi32, #tpu.memory_space<vmem>>
    %dma_wait3A_174 = tpu.memref_squeeze %dma_wait3A_173 : memref<1x96xi32, #tpu.memory_space<vmem>> -> memref<96xi32, #tpu.memory_space<vmem>>
    %dma_wait3A_175 = arith.constant 0 : i32
    %dma_wait3A_176 = arith.constant 0 : i32
    %dma_wait3A_177 = tpu.memref_slice %arg3[%dma_wait3A_175, %dma_wait3A_176] : memref<100000x128xf32, #tpu.memory_space<hbm>> -> memref<100000x128xf32, #tpu.memory_space<hbm>>
    tpu.wait_indirect_dma semaphore(%arg9 : memref<!tpu.dma_semaphore, #tpu.memory_space<semaphore_mem>>) src(%dma_wait3A_177 : memref<100000x128xf32, #tpu.memory_space<hbm>>) dst(%dma_wait3A_171 : memref<96x128xf32, #tpu.memory_space<vmem>>)
    %broadcast_in_dim3A_178 = arith.constant 0.000000e+00 : f32
    %broadcast_in_dim3A_179 = vector.broadcast %broadcast_in_dim3A_178 : f32 to vector<16xf32>
    %broadcast_in_dim3A_180 = arith.constant 0.000000e+00 : f32
    %broadcast_in_dim3A_181 = vector.broadcast %broadcast_in_dim3A_180 : f32 to vector<16xf32>
    %broadcast_in_dim3A_182 = arith.constant 0.000000e+00 : f32
    %broadcast_in_dim3A_183 = vector.broadcast %broadcast_in_dim3A_182 : f32 to vector<16xf32>
    %broadcast_in_dim3A_184 = arith.constant 0.000000e+00 : f32
    %broadcast_in_dim3A_185 = vector.broadcast %broadcast_in_dim3A_184 : f32 to vector<16xf32>
    %broadcast_in_dim3A_186 = arith.constant 0.000000e+00 : f32
    %broadcast_in_dim3A_187 = vector.broadcast %broadcast_in_dim3A_186 : f32 to vector<16xf32>
    %broadcast_in_dim3A_188 = arith.constant 0.000000e+00 : f32
    %broadcast_in_dim3A_189 = vector.broadcast %broadcast_in_dim3A_188 : f32 to vector<16xf32>
    %broadcast_in_dim3A_190 = arith.constant 0.000000e+00 : f32
    %broadcast_in_dim3A_191 = vector.broadcast %broadcast_in_dim3A_190 : f32 to vector<16xf32>
    %broadcast_in_dim3A_192 = arith.constant 0.000000e+00 : f32
    %broadcast_in_dim3A_193 = vector.broadcast %broadcast_in_dim3A_192 : f32 to vector<16xf32>
    %scan3A_194 = arith.constant 0 : i32
    %scan3A_195 = arith.constant 25 : i32
    %scan3A_196 = arith.addi %scan3A_194, %scan3A_195 : i32
    %scan3A_197 = arith.constant 1 : i32
    %scan3A_198:8 = scf.for %scan3A_256 = %scan3A_194 to %scan3A_196 step %scan3A_197 iter_args(%scan3A_257 = %broadcast_in_dim3A_179, %scan3A_258 = %broadcast_in_dim3A_181, %scan3A_259 = %broadcast_in_dim3A_183, %scan3A_260 = %broadcast_in_dim3A_185, %scan3A_261 = %broadcast_in_dim3A_187, %scan3A_262 = %broadcast_in_dim3A_189, %scan3A_263 = %broadcast_in_dim3A_191, %scan3A_264 = %broadcast_in_dim3A_193) -> (vector<16xf32>, vector<16xf32>, vector<16xf32>, vector<16xf32>, vector<16xf32>, vector<16xf32>, vector<16xf32>, vector<16xf32>)  : i32 {
      %mul3A_265 = arith.constant 8 : i32
      %mul3A_266 = arith.muli %scan3A_256, %mul3A_265 : i32
      %add3A_267 = arith.constant 0 : i32
      %add3A_268 = arith.addi %mul3A_266, %add3A_267 : i32
      %get3A = arith.constant 1 : i32
      %get3A_269 = arith.index_cast %get3A : i32 to index
      %get3A_270 = arith.index_cast %add3A_268 : i32 to index
      %get3A_271 = arith.constant 0 : index
      %get3A_272 = tpu.vector_load %arg6[%get3A_269, %get3A_270, %get3A_271] {strides = array<i32>} : memref<3x200x128xf32, #tpu.memory_space<vmem>>, vector<16xf32>,
      %add3A_273 = arith.addf %scan3A_257, %get3A_272 : vector<16xf32>
      %get3A_274 = arith.constant 1 : i32
      %get3A_275 = arith.index_cast %get3A_274 : i32 to index
      %get3A_276 = arith.index_cast %add3A_268 : i32 to index
      %get3A_277 = arith.constant 16 : index
      %get3A_278 = tpu.vector_load %arg6[%get3A_275, %get3A_276, %get3A_277] {strides = array<i32>} : memref<3x200x128xf32, #tpu.memory_space<vmem>>, vector<16xf32>,
      %add3A_279 = arith.addf %scan3A_258, %get3A_278 : vector<16xf32>
      %get3A_280 = arith.constant 1 : i32
      %get3A_281 = arith.index_cast %get3A_280 : i32 to index
      %get3A_282 = arith.index_cast %add3A_268 : i32 to index
      %get3A_283 = arith.constant 32 : index
      %get3A_284 = tpu.vector_load %arg6[%get3A_281, %get3A_282, %get3A_283] {strides = array<i32>} : memref<3x200x128xf32, #tpu.memory_space<vmem>>, vector<16xf32>,
      %add3A_285 = arith.addf %scan3A_259, %get3A_284 : vector<16xf32>
      %get3A_286 = arith.constant 1 : i32
      %get3A_287 = arith.index_cast %get3A_286 : i32 to index
      %get3A_288 = arith.index_cast %add3A_268 : i32 to index
      %get3A_289 = arith.constant 48 : index
      %get3A_290 = tpu.vector_load %arg6[%get3A_287, %get3A_288, %get3A_289] {strides = array<i32>} : memref<3x200x128xf32, #tpu.memory_space<vmem>>, vector<16xf32>,
      %add3A_291 = arith.addf %scan3A_260, %get3A_290 : vector<16xf32>
      %get3A_292 = arith.constant 1 : i32
      %get3A_293 = arith.index_cast %get3A_292 : i32 to index
      %get3A_294 = arith.index_cast %add3A_268 : i32 to index
      %get3A_295 = arith.constant 64 : index
      %get3A_296 = tpu.vector_load %arg6[%get3A_293, %get3A_294, %get3A_295] {strides = array<i32>} : memref<3x200x128xf32, #tpu.memory_space<vmem>>, vector<16xf32>,
      %add3A_297 = arith.addf %scan3A_261, %get3A_296 : vector<16xf32>
      %get3A_298 = arith.constant 1 : i32
      %get3A_299 = arith.index_cast %get3A_298 : i32 to index
      %get3A_300 = arith.index_cast %add3A_268 : i32 to index
      %get3A_301 = arith.constant 80 : index
      %get3A_302 = tpu.vector_load %arg6[%get3A_299, %get3A_300, %get3A_301] {strides = array<i32>} : memref<3x200x128xf32, #tpu.memory_space<vmem>>, vector<16xf32>,
      %add3A_303 = arith.addf %scan3A_262, %get3A_302 : vector<16xf32>
      %get3A_304 = arith.constant 1 : i32
      %get3A_305 = arith.index_cast %get3A_304 : i32 to index
      %get3A_306 = arith.index_cast %add3A_268 : i32 to index
      %get3A_307 = arith.constant 96 : index
      %get3A_308 = tpu.vector_load %arg6[%get3A_305, %get3A_306, %get3A_307] {strides = array<i32>} : memref<3x200x128xf32, #tpu.memory_space<vmem>>, vector<16xf32>,
      %add3A_309 = arith.addf %scan3A_263, %get3A_308 : vector<16xf32>
      %get3A_310 = arith.constant 1 : i32
      %get3A_311 = arith.index_cast %get3A_310 : i32 to index
      %get3A_312 = arith.index_cast %add3A_268 : i32 to index
      %get3A_313 = arith.constant 112 : index
      %get3A_314 = tpu.vector_load %arg6[%get3A_311, %get3A_312, %get3A_313] {strides = array<i32>} : memref<3x200x128xf32, #tpu.memory_space<vmem>>, vector<16xf32>,
      %add3A_315 = arith.addf %scan3A_264, %get3A_314 : vector<16xf32>
      %mul3A_316 = arith.constant 8 : i32
      %mul3A_317 = arith.muli %scan3A_256, %mul3A_316 : i32
      %add3A_318 = arith.constant 1 : i32
      %add3A_319 = arith.addi %mul3A_317, %add3A_318 : i32
      %get3A_320 = arith.constant 1 : i32
      %get3A_321 = arith.index_cast %get3A_320 : i32 to index
      %get3A_322 = arith.index_cast %add3A_319 : i32 to index
      %get3A_323 = arith.constant 0 : index
      %get3A_324 = tpu.vector_load %arg6[%get3A_321, %get3A_322, %get3A_323] {strides = array<i32>} : memref<3x200x128xf32, #tpu.memory_space<vmem>>, vector<16xf32>,
      %add3A_325 = arith.addf %add3A_273, %get3A_324 : vector<16xf32>
      %get3A_326 = arith.constant 1 : i32
      %get3A_327 = arith.index_cast %get3A_326 : i32 to index
      %get3A_328 = arith.index_cast %add3A_319 : i32 to index
      %get3A_329 = arith.constant 16 : index
      %get3A_330 = tpu.vector_load %arg6[%get3A_327, %get3A_328, %get3A_329] {strides = array<i32>} : memref<3x200x128xf32, #tpu.memory_space<vmem>>, vector<16xf32>,
      %add3A_331 = arith.addf %add3A_279, %get3A_330 : vector<16xf32>
      %get3A_332 = arith.constant 1 : i32
      %get3A_333 = arith.index_cast %get3A_332 : i32 to index
      %get3A_334 = arith.index_cast %add3A_319 : i32 to index
      %get3A_335 = arith.constant 32 : index
      %get3A_336 = tpu.vector_load %arg6[%get3A_333, %get3A_334, %get3A_335] {strides = array<i32>} : memref<3x200x128xf32, #tpu.memory_space<vmem>>, vector<16xf32>,
      %add3A_337 = arith.addf %add3A_285, %get3A_336 : vector<16xf32>
      %get3A_338 = arith.constant 1 : i32
      %get3A_339 = arith.index_cast %get3A_338 : i32 to index
      %get3A_340 = arith.index_cast %add3A_319 : i32 to index
      %get3A_341 = arith.constant 48 : index
      %get3A_342 = tpu.vector_load %arg6[%get3A_339, %get3A_340, %get3A_341] {strides = array<i32>} : memref<3x200x128xf32, #tpu.memory_space<vmem>>, vector<16xf32>,
      %add3A_343 = arith.addf %add3A_291, %get3A_342 : vector<16xf32>
      %get3A_344 = arith.constant 1 : i32
      %get3A_345 = arith.index_cast %get3A_344 : i32 to index
      %get3A_346 = arith.index_cast %add3A_319 : i32 to index
      %get3A_347 = arith.constant 64 : index
      %get3A_348 = tpu.vector_load %arg6[%get3A_345, %get3A_346, %get3A_347] {strides = array<i32>} : memref<3x200x128xf32, #tpu.memory_space<vmem>>, vector<16xf32>,
      %add3A_349 = arith.addf %add3A_297, %get3A_348 : vector<16xf32>
      %get3A_350 = arith.constant 1 : i32
      %get3A_351 = arith.index_cast %get3A_350 : i32 to index
      %get3A_352 = arith.index_cast %add3A_319 : i32 to index
      %get3A_353 = arith.constant 80 : index
      %get3A_354 = tpu.vector_load %arg6[%get3A_351, %get3A_352, %get3A_353] {strides = array<i32>} : memref<3x200x128xf32, #tpu.memory_space<vmem>>, vector<16xf32>,
      %add3A_355 = arith.addf %add3A_303, %get3A_354 : vector<16xf32>
      %get3A_356 = arith.constant 1 : i32
      %get3A_357 = arith.index_cast %get3A_356 : i32 to index
      %get3A_358 = arith.index_cast %add3A_319 : i32 to index
      %get3A_359 = arith.constant 96 : index
      %get3A_360 = tpu.vector_load %arg6[%get3A_357, %get3A_358, %get3A_359] {strides = array<i32>} : memref<3x200x128xf32, #tpu.memory_space<vmem>>, vector<16xf32>,
      %add3A_361 = arith.addf %add3A_309, %get3A_360 : vector<16xf32>
      %get3A_362 = arith.constant 1 : i32
      %get3A_363 = arith.index_cast %get3A_362 : i32 to index
      %get3A_364 = arith.index_cast %add3A_319 : i32 to index
      %get3A_365 = arith.constant 112 : index
      %get3A_366 = tpu.vector_load %arg6[%get3A_363, %get3A_364, %get3A_365] {strides = array<i32>} : memref<3x200x128xf32, #tpu.memory_space<vmem>>, vector<16xf32>,
      %add3A_367 = arith.addf %add3A_315, %get3A_366 : vector<16xf32>
      %mul3A_368 = arith.constant 8 : i32
      %mul3A_369 = arith.muli %scan3A_256, %mul3A_368 : i32
      %add3A_370 = arith.constant 2 : i32
      %add3A_371 = arith.addi %mul3A_369, %add3A_370 : i32
      %get3A_372 = arith.constant 1 : i32
      %get3A_373 = arith.index_cast %get3A_372 : i32 to index
      %get3A_374 = arith.index_cast %add3A_371 : i32 to index
      %get3A_375 = arith.constant 0 : index
      %get3A_376 = tpu.vector_load %arg6[%get3A_373, %get3A_374, %get3A_375] {strides = array<i32>} : memref<3x200x128xf32, #tpu.memory_space<vmem>>, vector<16xf32>,
      %add3A_377 = arith.addf %add3A_325, %get3A_376 : vector<16xf32>
      %get3A_378 = arith.constant 1 : i32
      %get3A_379 = arith.index_cast %get3A_378 : i32 to index
      %get3A_380 = arith.index_cast %add3A_371 : i32 to index
      %get3A_381 = arith.constant 16 : index
      %get3A_382 = tpu.vector_load %arg6[%get3A_379, %get3A_380, %get3A_381] {strides = array<i32>} : memref<3x200x128xf32, #tpu.memory_space<vmem>>, vector<16xf32>,
      %add3A_383 = arith.addf %add3A_331, %get3A_382 : vector<16xf32>
      %get3A_384 = arith.constant 1 : i32
      %get3A_385 = arith.index_cast %get3A_384 : i32 to index
      %get3A_386 = arith.index_cast %add3A_371 : i32 to index
      %get3A_387 = arith.constant 32 : index
      %get3A_388 = tpu.vector_load %arg6[%get3A_385, %get3A_386, %get3A_387] {strides = array<i32>} : memref<3x200x128xf32, #tpu.memory_space<vmem>>, vector<16xf32>,
      %add3A_389 = arith.addf %add3A_337, %get3A_388 : vector<16xf32>
      %get3A_390 = arith.constant 1 : i32
      %get3A_391 = arith.index_cast %get3A_390 : i32 to index
      %get3A_392 = arith.index_cast %add3A_371 : i32 to index
      %get3A_393 = arith.constant 48 : index
      %get3A_394 = tpu.vector_load %arg6[%get3A_391, %get3A_392, %get3A_393] {strides = array<i32>} : memref<3x200x128xf32, #tpu.memory_space<vmem>>, vector<16xf32>,
      %add3A_395 = arith.addf %add3A_343, %get3A_394 : vector<16xf32>
      %get3A_396 = arith.constant 1 : i32
      %get3A_397 = arith.index_cast %get3A_396 : i32 to index
      %get3A_398 = arith.index_cast %add3A_371 : i32 to index
      %get3A_399 = arith.constant 64 : index
      %get3A_400 = tpu.vector_load %arg6[%get3A_397, %get3A_398, %get3A_399] {strides = array<i32>} : memref<3x200x128xf32, #tpu.memory_space<vmem>>, vector<16xf32>,
      %add3A_401 = arith.addf %add3A_349, %get3A_400 : vector<16xf32>
      %get3A_402 = arith.constant 1 : i32
      %get3A_403 = arith.index_cast %get3A_402 : i32 to index
      %get3A_404 = arith.index_cast %add3A_371 : i32 to index
      %get3A_405 = arith.constant 80 : index
      %get3A_406 = tpu.vector_load %arg6[%get3A_403, %get3A_404, %get3A_405] {strides = array<i32>} : memref<3x200x128xf32, #tpu.memory_space<vmem>>, vector<16xf32>,
      %add3A_407 = arith.addf %add3A_355, %get3A_406 : vector<16xf32>
      %get3A_408 = arith.constant 1 : i32
      %get3A_409 = arith.index_cast %get3A_408 : i32 to index
      %get3A_410 = arith.index_cast %add3A_371 : i32 to index
      %get3A_411 = arith.constant 96 : index
      %get3A_412 = tpu.vector_load %arg6[%get3A_409, %get3A_410, %get3A_411] {strides = array<i32>} : memref<3x200x128xf32, #tpu.memory_space<vmem>>, vector<16xf32>,
      %add3A_413 = arith.addf %add3A_361, %get3A_412 : vector<16xf32>
      %get3A_414 = arith.constant 1 : i32
      %get3A_415 = arith.index_cast %get3A_414 : i32 to index
      %get3A_416 = arith.index_cast %add3A_371 : i32 to index
      %get3A_417 = arith.constant 112 : index
      %get3A_418 = tpu.vector_load %arg6[%get3A_415, %get3A_416, %get3A_417] {strides = array<i32>} : memref<3x200x128xf32, #tpu.memory_space<vmem>>, vector<16xf32>,
      %add3A_419 = arith.addf %add3A_367, %get3A_418 : vector<16xf32>
      %mul3A_420 = arith.constant 8 : i32
      %mul3A_421 = arith.muli %scan3A_256, %mul3A_420 : i32
      %add3A_422 = arith.constant 3 : i32
      %add3A_423 = arith.addi %mul3A_421, %add3A_422 : i32
      %get3A_424 = arith.constant 1 : i32
      %get3A_425 = arith.index_cast %get3A_424 : i32 to index
      %get3A_426 = arith.index_cast %add3A_423 : i32 to index
      %get3A_427 = arith.constant 0 : index
      %get3A_428 = tpu.vector_load %arg6[%get3A_425, %get3A_426, %get3A_427] {strides = array<i32>} : memref<3x200x128xf32, #tpu.memory_space<vmem>>, vector<16xf32>,
      %add3A_429 = arith.addf %add3A_377, %get3A_428 : vector<16xf32>
      %get3A_430 = arith.constant 1 : i32
      %get3A_431 = arith.index_cast %get3A_430 : i32 to index
      %get3A_432 = arith.index_cast %add3A_423 : i32 to index
      %get3A_433 = arith.constant 16 : index
      %get3A_434 = tpu.vector_load %arg6[%get3A_431, %get3A_432, %get3A_433] {strides = array<i32>} : memref<3x200x128xf32, #tpu.memory_space<vmem>>, vector<16xf32>,
      %add3A_435 = arith.addf %add3A_383, %get3A_434 : vector<16xf32>
      %get3A_436 = arith.constant 1 : i32
      %get3A_437 = arith.index_cast %get3A_436 : i32 to index
      %get3A_438 = arith.index_cast %add3A_423 : i32 to index
      %get3A_439 = arith.constant 32 : index
      %get3A_440 = tpu.vector_load %arg6[%get3A_437, %get3A_438, %get3A_439] {strides = array<i32>} : memref<3x200x128xf32, #tpu.memory_space<vmem>>, vector<16xf32>,
      %add3A_441 = arith.addf %add3A_389, %get3A_440 : vector<16xf32>
      %get3A_442 = arith.constant 1 : i32
      %get3A_443 = arith.index_cast %get3A_442 : i32 to index
      %get3A_444 = arith.index_cast %add3A_423 : i32 to index
      %get3A_445 = arith.constant 48 : index
      %get3A_446 = tpu.vector_load %arg6[%get3A_443, %get3A_444, %get3A_445] {strides = array<i32>} : memref<3x200x128xf32, #tpu.memory_space<vmem>>, vector<16xf32>,
      %add3A_447 = arith.addf %add3A_395, %get3A_446 : vector<16xf32>
      %get3A_448 = arith.constant 1 : i32
      %get3A_449 = arith.index_cast %get3A_448 : i32 to index
      %get3A_450 = arith.index_cast %add3A_423 : i32 to index
      %get3A_451 = arith.constant 64 : index
      %get3A_452 = tpu.vector_load %arg6[%get3A_449, %get3A_450, %get3A_451] {strides = array<i32>} : memref<3x200x128xf32, #tpu.memory_space<vmem>>, vector<16xf32>,
      %add3A_453 = arith.addf %add3A_401, %get3A_452 : vector<16xf32>
      %get3A_454 = arith.constant 1 : i32
      %get3A_455 = arith.index_cast %get3A_454 : i32 to index
      %get3A_456 = arith.index_cast %add3A_423 : i32 to index
      %get3A_457 = arith.constant 80 : index
      %get3A_458 = tpu.vector_load %arg6[%get3A_455, %get3A_456, %get3A_457] {strides = array<i32>} : memref<3x200x128xf32, #tpu.memory_space<vmem>>, vector<16xf32>,
      %add3A_459 = arith.addf %add3A_407, %get3A_458 : vector<16xf32>
      %get3A_460 = arith.constant 1 : i32
      %get3A_461 = arith.index_cast %get3A_460 : i32 to index
      %get3A_462 = arith.index_cast %add3A_423 : i32 to index
      %get3A_463 = arith.constant 96 : index
      %get3A_464 = tpu.vector_load %arg6[%get3A_461, %get3A_462, %get3A_463] {strides = array<i32>} : memref<3x200x128xf32, #tpu.memory_space<vmem>>, vector<16xf32>,
      %add3A_465 = arith.addf %add3A_413, %get3A_464 : vector<16xf32>
      %get3A_466 = arith.constant 1 : i32
      %get3A_467 = arith.index_cast %get3A_466 : i32 to index
      %get3A_468 = arith.index_cast %add3A_423 : i32 to index
      %get3A_469 = arith.constant 112 : index
      %get3A_470 = tpu.vector_load %arg6[%get3A_467, %get3A_468, %get3A_469] {strides = array<i32>} : memref<3x200x128xf32, #tpu.memory_space<vmem>>, vector<16xf32>,
      %add3A_471 = arith.addf %add3A_419, %get3A_470 : vector<16xf32>
      %mul3A_472 = arith.constant 8 : i32
      %mul3A_473 = arith.muli %scan3A_256, %mul3A_472 : i32
      %add3A_474 = arith.constant 4 : i32
      %add3A_475 = arith.addi %mul3A_473, %add3A_474 : i32
      %get3A_476 = arith.constant 1 : i32
      %get3A_477 = arith.index_cast %get3A_476 : i32 to index
      %get3A_478 = arith.index_cast %add3A_475 : i32 to index
      %get3A_479 = arith.constant 0 : index
      %get3A_480 = tpu.vector_load %arg6[%get3A_477, %get3A_478, %get3A_479] {strides = array<i32>} : memref<3x200x128xf32, #tpu.memory_space<vmem>>, vector<16xf32>,
      %add3A_481 = arith.addf %add3A_429, %get3A_480 : vector<16xf32>
      %get3A_482 = arith.constant 1 : i32
      %get3A_483 = arith.index_cast %get3A_482 : i32 to index
      %get3A_484 = arith.index_cast %add3A_475 : i32 to index
      %get3A_485 = arith.constant 16 : index
      %get3A_486 = tpu.vector_load %arg6[%get3A_483, %get3A_484, %get3A_485] {strides = array<i32>} : memref<3x200x128xf32, #tpu.memory_space<vmem>>, vector<16xf32>,
      %add3A_487 = arith.addf %add3A_435, %get3A_486 : vector<16xf32>
      %get3A_488 = arith.constant 1 : i32
      %get3A_489 = arith.index_cast %get3A_488 : i32 to index
      %get3A_490 = arith.index_cast %add3A_475 : i32 to index
      %get3A_491 = arith.constant 32 : index
      %get3A_492 = tpu.vector_load %arg6[%get3A_489, %get3A_490, %get3A_491] {strides = array<i32>} : memref<3x200x128xf32, #tpu.memory_space<vmem>>, vector<16xf32>,
      %add3A_493 = arith.addf %add3A_441, %get3A_492 : vector<16xf32>
      %get3A_494 = arith.constant 1 : i32
      %get3A_495 = arith.index_cast %get3A_494 : i32 to index
      %get3A_496 = arith.index_cast %add3A_475 : i32 to index
      %get3A_497 = arith.constant 48 : index
      %get3A_498 = tpu.vector_load %arg6[%get3A_495, %get3A_496, %get3A_497] {strides = array<i32>} : memref<3x200x128xf32, #tpu.memory_space<vmem>>, vector<16xf32>,
      %add3A_499 = arith.addf %add3A_447, %get3A_498 : vector<16xf32>
      %get3A_500 = arith.constant 1 : i32
      %get3A_501 = arith.index_cast %get3A_500 : i32 to index
      %get3A_502 = arith.index_cast %add3A_475 : i32 to index
      %get3A_503 = arith.constant 64 : index
      %get3A_504 = tpu.vector_load %arg6[%get3A_501, %get3A_502, %get3A_503] {strides = array<i32>} : memref<3x200x128xf32, #tpu.memory_space<vmem>>, vector<16xf32>,
      %add3A_505 = arith.addf %add3A_453, %get3A_504 : vector<16xf32>
      %get3A_506 = arith.constant 1 : i32
      %get3A_507 = arith.index_cast %get3A_506 : i32 to index
      %get3A_508 = arith.index_cast %add3A_475 : i32 to index
      %get3A_509 = arith.constant 80 : index
      %get3A_510 = tpu.vector_load %arg6[%get3A_507, %get3A_508, %get3A_509] {strides = array<i32>} : memref<3x200x128xf32, #tpu.memory_space<vmem>>, vector<16xf32>,
      %add3A_511 = arith.addf %add3A_459, %get3A_510 : vector<16xf32>
      %get3A_512 = arith.constant 1 : i32
      %get3A_513 = arith.index_cast %get3A_512 : i32 to index
      %get3A_514 = arith.index_cast %add3A_475 : i32 to index
      %get3A_515 = arith.constant 96 : index
      %get3A_516 = tpu.vector_load %arg6[%get3A_513, %get3A_514, %get3A_515] {strides = array<i32>} : memref<3x200x128xf32, #tpu.memory_space<vmem>>, vector<16xf32>,
      %add3A_517 = arith.addf %add3A_465, %get3A_516 : vector<16xf32>
      %get3A_518 = arith.constant 1 : i32
      %get3A_519 = arith.index_cast %get3A_518 : i32 to index
      %get3A_520 = arith.index_cast %add3A_475 : i32 to index
      %get3A_521 = arith.constant 112 : index
      %get3A_522 = tpu.vector_load %arg6[%get3A_519, %get3A_520, %get3A_521] {strides = array<i32>} : memref<3x200x128xf32, #tpu.memory_space<vmem>>, vector<16xf32>,
      %add3A_523 = arith.addf %add3A_471, %get3A_522 : vector<16xf32>
      %mul3A_524 = arith.constant 8 : i32
      %mul3A_525 = arith.muli %scan3A_256, %mul3A_524 : i32
      %add3A_526 = arith.constant 5 : i32
      %add3A_527 = arith.addi %mul3A_525, %add3A_526 : i32
      %get3A_528 = arith.constant 1 : i32
      %get3A_529 = arith.index_cast %get3A_528 : i32 to index
      %get3A_530 = arith.index_cast %add3A_527 : i32 to index
      %get3A_531 = arith.constant 0 : index
      %get3A_532 = tpu.vector_load %arg6[%get3A_529, %get3A_530, %get3A_531] {strides = array<i32>} : memref<3x200x128xf32, #tpu.memory_space<vmem>>, vector<16xf32>,
      %add3A_533 = arith.addf %add3A_481, %get3A_532 : vector<16xf32>
      %get3A_534 = arith.constant 1 : i32
      %get3A_535 = arith.index_cast %get3A_534 : i32 to index
      %get3A_536 = arith.index_cast %add3A_527 : i32 to index
      %get3A_537 = arith.constant 16 : index
      %get3A_538 = tpu.vector_load %arg6[%get3A_535, %get3A_536, %get3A_537] {strides = array<i32>} : memref<3x200x128xf32, #tpu.memory_space<vmem>>, vector<16xf32>,
      %add3A_539 = arith.addf %add3A_487, %get3A_538 : vector<16xf32>
      %get3A_540 = arith.constant 1 : i32
      %get3A_541 = arith.index_cast %get3A_540 : i32 to index
      %get3A_542 = arith.index_cast %add3A_527 : i32 to index
      %get3A_543 = arith.constant 32 : index
      %get3A_544 = tpu.vector_load %arg6[%get3A_541, %get3A_542, %get3A_543] {strides = array<i32>} : memref<3x200x128xf32, #tpu.memory_space<vmem>>, vector<16xf32>,
      %add3A_545 = arith.addf %add3A_493, %get3A_544 : vector<16xf32>
      %get3A_546 = arith.constant 1 : i32
      %get3A_547 = arith.index_cast %get3A_546 : i32 to index
      %get3A_548 = arith.index_cast %add3A_527 : i32 to index
      %get3A_549 = arith.constant 48 : index
      %get3A_550 = tpu.vector_load %arg6[%get3A_547, %get3A_548, %get3A_549] {strides = array<i32>} : memref<3x200x128xf32, #tpu.memory_space<vmem>>, vector<16xf32>,
      %add3A_551 = arith.addf %add3A_499, %get3A_550 : vector<16xf32>
      %get3A_552 = arith.constant 1 : i32
      %get3A_553 = arith.index_cast %get3A_552 : i32 to index
      %get3A_554 = arith.index_cast %add3A_527 : i32 to index
      %get3A_555 = arith.constant 64 : index
      %get3A_556 = tpu.vector_load %arg6[%get3A_553, %get3A_554, %get3A_555] {strides = array<i32>} : memref<3x200x128xf32, #tpu.memory_space<vmem>>, vector<16xf32>,
      %add3A_557 = arith.addf %add3A_505, %get3A_556 : vector<16xf32>
      %get3A_558 = arith.constant 1 : i32
      %get3A_559 = arith.index_cast %get3A_558 : i32 to index
      %get3A_560 = arith.index_cast %add3A_527 : i32 to index
      %get3A_561 = arith.constant 80 : index
      %get3A_562 = tpu.vector_load %arg6[%get3A_559, %get3A_560, %get3A_561] {strides = array<i32>} : memref<3x200x128xf32, #tpu.memory_space<vmem>>, vector<16xf32>,
      %add3A_563 = arith.addf %add3A_511, %get3A_562 : vector<16xf32>
      %get3A_564 = arith.constant 1 : i32
      %get3A_565 = arith.index_cast %get3A_564 : i32 to index
      %get3A_566 = arith.index_cast %add3A_527 : i32 to index
      %get3A_567 = arith.constant 96 : index
      %get3A_568 = tpu.vector_load %arg6[%get3A_565, %get3A_566, %get3A_567] {strides = array<i32>} : memref<3x200x128xf32, #tpu.memory_space<vmem>>, vector<16xf32>,
      %add3A_569 = arith.addf %add3A_517, %get3A_568 : vector<16xf32>
      %get3A_570 = arith.constant 1 : i32
      %get3A_571 = arith.index_cast %get3A_570 : i32 to index
      %get3A_572 = arith.index_cast %add3A_527 : i32 to index
      %get3A_573 = arith.constant 112 : index
      %get3A_574 = tpu.vector_load %arg6[%get3A_571, %get3A_572, %get3A_573] {strides = array<i32>} : memref<3x200x128xf32, #tpu.memory_space<vmem>>, vector<16xf32>,
      %add3A_575 = arith.addf %add3A_523, %get3A_574 : vector<16xf32>
      %mul3A_576 = arith.constant 8 : i32
      %mul3A_577 = arith.muli %scan3A_256, %mul3A_576 : i32
      %add3A_578 = arith.constant 6 : i32
      %add3A_579 = arith.addi %mul3A_577, %add3A_578 : i32
      %get3A_580 = arith.constant 1 : i32
      %get3A_581 = arith.index_cast %get3A_580 : i32 to index
      %get3A_582 = arith.index_cast %add3A_579 : i32 to index
      %get3A_583 = arith.constant 0 : index
      %get3A_584 = tpu.vector_load %arg6[%get3A_581, %get3A_582, %get3A_583] {strides = array<i32>} : memref<3x200x128xf32, #tpu.memory_space<vmem>>, vector<16xf32>,
      %add3A_585 = arith.addf %add3A_533, %get3A_584 : vector<16xf32>
      %get3A_586 = arith.constant 1 : i32
      %get3A_587 = arith.index_cast %get3A_586 : i32 to index
      %get3A_588 = arith.index_cast %add3A_579 : i32 to index
      %get3A_589 = arith.constant 16 : index
      %get3A_590 = tpu.vector_load %arg6[%get3A_587, %get3A_588, %get3A_589] {strides = array<i32>} : memref<3x200x128xf32, #tpu.memory_space<vmem>>, vector<16xf32>,
      %add3A_591 = arith.addf %add3A_539, %get3A_590 : vector<16xf32>
      %get3A_592 = arith.constant 1 : i32
      %get3A_593 = arith.index_cast %get3A_592 : i32 to index
      %get3A_594 = arith.index_cast %add3A_579 : i32 to index
      %get3A_595 = arith.constant 32 : index
      %get3A_596 = tpu.vector_load %arg6[%get3A_593, %get3A_594, %get3A_595] {strides = array<i32>} : memref<3x200x128xf32, #tpu.memory_space<vmem>>, vector<16xf32>,
      %add3A_597 = arith.addf %add3A_545, %get3A_596 : vector<16xf32>
      %get3A_598 = arith.constant 1 : i32
      %get3A_599 = arith.index_cast %get3A_598 : i32 to index
      %get3A_600 = arith.index_cast %add3A_579 : i32 to index
      %get3A_601 = arith.constant 48 : index
      %get3A_602 = tpu.vector_load %arg6[%get3A_599, %get3A_600, %get3A_601] {strides = array<i32>} : memref<3x200x128xf32, #tpu.memory_space<vmem>>, vector<16xf32>,
      %add3A_603 = arith.addf %add3A_551, %get3A_602 : vector<16xf32>
      %get3A_604 = arith.constant 1 : i32
      %get3A_605 = arith.index_cast %get3A_604 : i32 to index
      %get3A_606 = arith.index_cast %add3A_579 : i32 to index
      %get3A_607 = arith.constant 64 : index
      %get3A_608 = tpu.vector_load %arg6[%get3A_605, %get3A_606, %get3A_607] {strides = array<i32>} : memref<3x200x128xf32, #tpu.memory_space<vmem>>, vector<16xf32>,
      %add3A_609 = arith.addf %add3A_557, %get3A_608 : vector<16xf32>
      %get3A_610 = arith.constant 1 : i32
      %get3A_611 = arith.index_cast %get3A_610 : i32 to index
      %get3A_612 = arith.index_cast %add3A_579 : i32 to index
      %get3A_613 = arith.constant 80 : index
      %get3A_614 = tpu.vector_load %arg6[%get3A_611, %get3A_612, %get3A_613] {strides = array<i32>} : memref<3x200x128xf32, #tpu.memory_space<vmem>>, vector<16xf32>,
      %add3A_615 = arith.addf %add3A_563, %get3A_614 : vector<16xf32>
      %get3A_616 = arith.constant 1 : i32
      %get3A_617 = arith.index_cast %get3A_616 : i32 to index
      %get3A_618 = arith.index_cast %add3A_579 : i32 to index
      %get3A_619 = arith.constant 96 : index
      %get3A_620 = tpu.vector_load %arg6[%get3A_617, %get3A_618, %get3A_619] {strides = array<i32>} : memref<3x200x128xf32, #tpu.memory_space<vmem>>, vector<16xf32>,
      %add3A_621 = arith.addf %add3A_569, %get3A_620 : vector<16xf32>
      %get3A_622 = arith.constant 1 : i32
      %get3A_623 = arith.index_cast %get3A_622 : i32 to index
      %get3A_624 = arith.index_cast %add3A_579 : i32 to index
      %get3A_625 = arith.constant 112 : index
      %get3A_626 = tpu.vector_load %arg6[%get3A_623, %get3A_624, %get3A_625] {strides = array<i32>} : memref<3x200x128xf32, #tpu.memory_space<vmem>>, vector<16xf32>,
      %add3A_627 = arith.addf %add3A_575, %get3A_626 : vector<16xf32>
      %mul3A_628 = arith.constant 8 : i32
      %mul3A_629 = arith.muli %scan3A_256, %mul3A_628 : i32
      %add3A_630 = arith.constant 7 : i32
      %add3A_631 = arith.addi %mul3A_629, %add3A_630 : i32
      %get3A_632 = arith.constant 1 : i32
      %get3A_633 = arith.index_cast %get3A_632 : i32 to index
      %get3A_634 = arith.index_cast %add3A_631 : i32 to index
      %get3A_635 = arith.constant 0 : index
      %get3A_636 = tpu.vector_load %arg6[%get3A_633, %get3A_634, %get3A_635] {strides = array<i32>} : memref<3x200x128xf32, #tpu.memory_space<vmem>>, vector<16xf32>,
      %add3A_637 = arith.addf %add3A_585, %get3A_636 : vector<16xf32>
      %get3A_638 = arith.constant 1 : i32
      %get3A_639 = arith.index_cast %get3A_638 : i32 to index
      %get3A_640 = arith.index_cast %add3A_631 : i32 to index
      %get3A_641 = arith.constant 16 : index
      %get3A_642 = tpu.vector_load %arg6[%get3A_639, %get3A_640, %get3A_641] {strides = array<i32>} : memref<3x200x128xf32, #tpu.memory_space<vmem>>, vector<16xf32>,
      %add3A_643 = arith.addf %add3A_591, %get3A_642 : vector<16xf32>
      %get3A_644 = arith.constant 1 : i32
      %get3A_645 = arith.index_cast %get3A_644 : i32 to index
      %get3A_646 = arith.index_cast %add3A_631 : i32 to index
      %get3A_647 = arith.constant 32 : index
      %get3A_648 = tpu.vector_load %arg6[%get3A_645, %get3A_646, %get3A_647] {strides = array<i32>} : memref<3x200x128xf32, #tpu.memory_space<vmem>>, vector<16xf32>,
      %add3A_649 = arith.addf %add3A_597, %get3A_648 : vector<16xf32>
      %get3A_650 = arith.constant 1 : i32
      %get3A_651 = arith.index_cast %get3A_650 : i32 to index
      %get3A_652 = arith.index_cast %add3A_631 : i32 to index
      %get3A_653 = arith.constant 48 : index
      %get3A_654 = tpu.vector_load %arg6[%get3A_651, %get3A_652, %get3A_653] {strides = array<i32>} : memref<3x200x128xf32, #tpu.memory_space<vmem>>, vector<16xf32>,
      %add3A_655 = arith.addf %add3A_603, %get3A_654 : vector<16xf32>
      %get3A_656 = arith.constant 1 : i32
      %get3A_657 = arith.index_cast %get3A_656 : i32 to index
      %get3A_658 = arith.index_cast %add3A_631 : i32 to index
      %get3A_659 = arith.constant 64 : index
      %get3A_660 = tpu.vector_load %arg6[%get3A_657, %get3A_658, %get3A_659] {strides = array<i32>} : memref<3x200x128xf32, #tpu.memory_space<vmem>>, vector<16xf32>,
      %add3A_661 = arith.addf %add3A_609, %get3A_660 : vector<16xf32>
      %get3A_662 = arith.constant 1 : i32
      %get3A_663 = arith.index_cast %get3A_662 : i32 to index
      %get3A_664 = arith.index_cast %add3A_631 : i32 to index
      %get3A_665 = arith.constant 80 : index
      %get3A_666 = tpu.vector_load %arg6[%get3A_663, %get3A_664, %get3A_665] {strides = array<i32>} : memref<3x200x128xf32, #tpu.memory_space<vmem>>, vector<16xf32>,
      %add3A_667 = arith.addf %add3A_615, %get3A_666 : vector<16xf32>
      %get3A_668 = arith.constant 1 : i32
      %get3A_669 = arith.index_cast %get3A_668 : i32 to index
      %get3A_670 = arith.index_cast %add3A_631 : i32 to index
      %get3A_671 = arith.constant 96 : index
      %get3A_672 = tpu.vector_load %arg6[%get3A_669, %get3A_670, %get3A_671] {strides = array<i32>} : memref<3x200x128xf32, #tpu.memory_space<vmem>>, vector<16xf32>,
      %add3A_673 = arith.addf %add3A_621, %get3A_672 : vector<16xf32>
      %get3A_674 = arith.constant 1 : i32
      %get3A_675 = arith.index_cast %get3A_674 : i32 to index
      %get3A_676 = arith.index_cast %add3A_631 : i32 to index
      %get3A_677 = arith.constant 112 : index
      %get3A_678 = tpu.vector_load %arg6[%get3A_675, %get3A_676, %get3A_677] {strides = array<i32>} : memref<3x200x128xf32, #tpu.memory_space<vmem>>, vector<16xf32>,
      %add3A_679 = arith.addf %add3A_627, %get3A_678 : vector<16xf32>
      scf.yield %add3A_637, %add3A_643, %add3A_649, %add3A_655, %add3A_661, %add3A_667, %add3A_673, %add3A_679 : vector<16xf32>, vector<16xf32>, vector<16xf32>, vector<16xf32>, vector<16xf32>, vector<16xf32>, vector<16xf32>, vector<16xf32>
    }
    %scan3A_199 = arith.constant 25 : i32
    %swap3A_200 = arith.constant 127 : i32
    %swap3A_201 = arith.index_cast %swap3A_200 : i32 to index
    %swap3A_202 = arith.constant 0 : index
    %swap3A_203 = tpu.vector_load %arg7[%swap3A_201, %swap3A_202] {strides = array<i32>} : memref<128x128xf32, #tpu.memory_space<vmem>>, vector<16xf32>,
    tpu.vector_store %arg7[%swap3A_201, %swap3A_202], %scan3A_198#0 {strides = array<i32>} : memref<128x128xf32, #tpu.memory_space<vmem>>, vector<16xf32>,
    %swap3A_204 = arith.constant 127 : i32
    %swap3A_205 = arith.index_cast %swap3A_204 : i32 to index
    %swap3A_206 = arith.constant 16 : index
    %swap3A_207 = tpu.vector_load %arg7[%swap3A_205, %swap3A_206] {strides = array<i32>} : memref<128x128xf32, #tpu.memory_space<vmem>>, vector<16xf32>,
    tpu.vector_store %arg7[%swap3A_205, %swap3A_206], %scan3A_198#1 {strides = array<i32>} : memref<128x128xf32, #tpu.memory_space<vmem>>, vector<16xf32>,
    %swap3A_208 = arith.constant 127 : i32
    %swap3A_209 = arith.index_cast %swap3A_208 : i32 to index
    %swap3A_210 = arith.constant 32 : index
    %swap3A_211 = tpu.vector_load %arg7[%swap3A_209, %swap3A_210] {strides = array<i32>} : memref<128x128xf32, #tpu.memory_space<vmem>>, vector<16xf32>,
    tpu.vector_store %arg7[%swap3A_209, %swap3A_210], %scan3A_198#2 {strides = array<i32>} : memref<128x128xf32, #tpu.memory_space<vmem>>, vector<16xf32>,
    %swap3A_212 = arith.constant 127 : i32
    %swap3A_213 = arith.index_cast %swap3A_212 : i32 to index
    %swap3A_214 = arith.constant 48 : index
    %swap3A_215 = tpu.vector_load %arg7[%swap3A_213, %swap3A_214] {strides = array<i32>} : memref<128x128xf32, #tpu.memory_space<vmem>>, vector<16xf32>,
    tpu.vector_store %arg7[%swap3A_213, %swap3A_214], %scan3A_198#3 {strides = array<i32>} : memref<128x128xf32, #tpu.memory_space<vmem>>, vector<16xf32>,
    %swap3A_216 = arith.constant 127 : i32
    %swap3A_217 = arith.index_cast %swap3A_216 : i32 to index
    %swap3A_218 = arith.constant 64 : index
    %swap3A_219 = tpu.vector_load %arg7[%swap3A_217, %swap3A_218] {strides = array<i32>} : memref<128x128xf32, #tpu.memory_space<vmem>>, vector<16xf32>,
    tpu.vector_store %arg7[%swap3A_217, %swap3A_218], %scan3A_198#4 {strides = array<i32>} : memref<128x128xf32, #tpu.memory_space<vmem>>, vector<16xf32>,
    %swap3A_220 = arith.constant 127 : i32
    %swap3A_221 = arith.index_cast %swap3A_220 : i32 to index
    %swap3A_222 = arith.constant 80 : index
    %swap3A_223 = tpu.vector_load %arg7[%swap3A_221, %swap3A_222] {strides = array<i32>} : memref<128x128xf32, #tpu.memory_space<vmem>>, vector<16xf32>,
    tpu.vector_store %arg7[%swap3A_221, %swap3A_222], %scan3A_198#5 {strides = array<i32>} : memref<128x128xf32, #tpu.memory_space<vmem>>, vector<16xf32>,
    %swap3A_224 = arith.constant 127 : i32
    %swap3A_225 = arith.index_cast %swap3A_224 : i32 to index
    %swap3A_226 = arith.constant 96 : index
    %swap3A_227 = tpu.vector_load %arg7[%swap3A_225, %swap3A_226] {strides = array<i32>} : memref<128x128xf32, #tpu.memory_space<vmem>>, vector<16xf32>,
    tpu.vector_store %arg7[%swap3A_225, %swap3A_226], %scan3A_198#6 {strides = array<i32>} : memref<128x128xf32, #tpu.memory_space<vmem>>, vector<16xf32>,
    %swap3A_228 = arith.constant 127 : i32
    %swap3A_229 = arith.index_cast %swap3A_228 : i32 to index
    %swap3A_230 = arith.constant 112 : index
    %swap3A_231 = tpu.vector_load %arg7[%swap3A_229, %swap3A_230] {strides = array<i32>} : memref<128x128xf32, #tpu.memory_space<vmem>>, vector<16xf32>,
    tpu.vector_store %arg7[%swap3A_229, %swap3A_230], %scan3A_198#7 {strides = array<i32>} : memref<128x128xf32, #tpu.memory_space<vmem>>, vector<16xf32>,
    %dma_wait3A_232 = arith.constant 0 : i32
    %dma_wait3A_233 = arith.constant 2 : i32
    %dma_wait3A_234 = arith.constant 0 : i32
    %dma_wait3A_235 = arith.constant 0 : i32
    %dma_wait3A_236 = tpu.memref_slice %arg6[%dma_wait3A_233, %dma_wait3A_234, %dma_wait3A_235] : memref<3x200x128xf32, #tpu.memory_space<vmem>> -> memref<1x104x128xf32, #tpu.memory_space<vmem>>
    %dma_wait3A_237 = tpu.memref_squeeze %dma_wait3A_236 : memref<1x104x128xf32, #tpu.memory_space<vmem>> -> memref<104x128xf32, #tpu.memory_space<vmem>>
    %dma_wait3A_238 = arith.constant 0 : i32
    %dma_wait3A_239 = tpu.memref_slice %arg5[%dma_wait3A_232, %dma_wait3A_238] : memref<128x200xi32, #tpu.memory_space<vmem>> -> memref<1x104xi32, #tpu.memory_space<vmem>>
    %dma_wait3A_240 = tpu.memref_squeeze %dma_wait3A_239 : memref<1x104xi32, #tpu.memory_space<vmem>> -> memref<104xi32, #tpu.memory_space<vmem>>
    %dma_wait3A_241 = arith.constant 0 : i32
    %dma_wait3A_242 = arith.constant 0 : i32
    %dma_wait3A_243 = tpu.memref_slice %arg3[%dma_wait3A_241, %dma_wait3A_242] : memref<100000x128xf32, #tpu.memory_space<hbm>> -> memref<100000x128xf32, #tpu.memory_space<hbm>>
    tpu.wait_indirect_dma semaphore(%arg10 : memref<!tpu.dma_semaphore, #tpu.memory_space<semaphore_mem>>) src(%dma_wait3A_243 : memref<100000x128xf32, #tpu.memory_space<hbm>>) dst(%dma_wait3A_237 : memref<104x128xf32, #tpu.memory_space<vmem>>)
    %dma_wait3A_244 = arith.constant 0 : i32
    %dma_wait3A_245 = arith.constant 2 : i32
    %dma_wait3A_246 = arith.constant 104 : i32
    %dma_wait3A_247 = arith.constant 0 : i32
    %dma_wait3A_248 = tpu.memref_slice %arg6[%dma_wait3A_245, %dma_wait3A_246, %dma_wait3A_247] : memref<3x200x128xf32, #tpu.memory_space<vmem>> -> memref<1x96x128xf32, #tpu.memory_space<vmem>>
    %dma_wait3A_249 = tpu.memref_squeeze %dma_wait3A_248 : memref<1x96x128xf32, #tpu.memory_space<vmem>> -> memref<96x128xf32, #tpu.memory_space<vmem>>
    %dma_wait3A_250 = arith.constant 104 : i32
    %dma_wait3A_251 = tpu.memref_slice %arg5[%dma_wait3A_244, %dma_wait3A_250] : memref<128x200xi32, #tpu.memory_space<vmem>> -> memref<1x96xi32, #tpu.memory_space<vmem>>
    %dma_wait3A_252 = tpu.memref_squeeze %dma_wait3A_251 : memref<1x96xi32, #tpu.memory_space<vmem>> -> memref<96xi32, #tpu.memory_space<vmem>>
    %dma_wait3A_253 = arith.constant 0 : i32
    %dma_wait3A_254 = arith.constant 0 : i32
    %dma_wait3A_255 = tpu.memref_slice %arg3[%dma_wait3A_253, %dma_wait3A_254] : memref<100000x128xf32, #tpu.memory_space<hbm>> -> memref<100000x128xf32, #tpu.memory_space<hbm>>
    tpu.wait_indirect_dma semaphore(%arg10 : memref<!tpu.dma_semaphore, #tpu.memory_space<semaphore_mem>>) src(%dma_wait3A_255 : memref<100000x128xf32, #tpu.memory_space<hbm>>) dst(%dma_wait3A_249 : memref<96x128xf32, #tpu.memory_space<vmem>>)
    "tpu.region"() ({
      %run_scoped3A = tpu.sem_alloc : memref<!tpu.dma_semaphore, #tpu.memory_space<semaphore_mem>>
      %dma_start3A_256 = arith.constant 0 : i32
      %dma_start3A_257 = tpu.memref_slice %arg4[%mul3A_2, %dma_start3A_256] : memref<4096x128xf32, #tpu.memory_space<hbm>> -> memref<128x128xf32, #tpu.memory_space<hbm>>
      %dma_start3A_258 = arith.constant 0 : i32
      %dma_start3A_259 = tpu.memref_slice %arg4[%mul3A_2, %dma_start3A_258] : memref<4096x128xf32, #tpu.memory_space<hbm>> -> memref<128x128xf32, #tpu.memory_space<hbm>>
      tpu.enqueue_dma source(%arg7 : memref<128x128xf32, #tpu.memory_space<vmem>>) target(%dma_start3A_259 : memref<128x128xf32, #tpu.memory_space<hbm>>) target_semaphore(%run_scoped3A : memref<!tpu.dma_semaphore, #tpu.memory_space<semaphore_mem>>)
      %dma_wait3A_260 = arith.constant 0 : i32
      %dma_wait3A_261 = tpu.memref_slice %arg4[%mul3A_2, %dma_wait3A_260] : memref<4096x128xf32, #tpu.memory_space<hbm>> -> memref<128x128xf32, #tpu.memory_space<hbm>>
      %dma_wait3A_262 = arith.constant 0 : i32
      %dma_wait3A_263 = tpu.memref_slice %arg4[%mul3A_2, %dma_wait3A_262] : memref<4096x128xf32, #tpu.memory_space<hbm>> -> memref<128x128xf32, #tpu.memory_space<hbm>>
      tpu.wait_dma2 semaphore(%run_scoped3A : memref<!tpu.dma_semaphore, #tpu.memory_space<semaphore_mem>>) src(%arg7 : memref<128x128xf32, #tpu.memory_space<vmem>>) dst(%dma_wait3A_263 : memref<128x128xf32, #tpu.memory_space<hbm>>)
      tpu.yield
    }) : () -> ()
    return
  }
}

module attributes {stable_mosaic.version = 14 : i64} {
  func.func @body(%arg0: i32, %arg1: memref<4096x128xf32, #tpu.memory_space<vmem>>, %arg2: memref<4096x200xi32, #tpu.memory_space<vmem>>, %arg3: memref<1x128xf32, #tpu.memory_space<vmem>>, %arg4: memref<128x512xf32, #tpu.memory_space<vmem>>, %arg5: memref<1x512xf32, #tpu.memory_space<vmem>>, %arg6: memref<512x3xf32, #tpu.memory_space<vmem>>, %arg7: memref<1x3xf32, #tpu.memory_space<vmem>>, %arg8: memref<4096x3xf32, #tpu.memory_space<vmem>>) attributes {dimension_semantics = [#tpu.dimension_semantics<arbitrary>], iteration_bounds = array<i64: 1>, scalar_prefetch = 0 : i64, scratch_operands = 0 : i64, tpu.core_type = #tpu.core_type<tc>, window_params = [{transform_indices = @transform_0, window_bounds = array<i64: 4096, 128>}, {transform_indices = @transform_1, window_bounds = array<i64: 4096, 200>}, {pipeline_mode = #tpu.pipeline_mode<synchronous>, transform_indices = @transform_2, window_bounds = array<i64: 1, 128>}, {pipeline_mode = #tpu.pipeline_mode<synchronous>, transform_indices = @transform_3, window_bounds = array<i64: 128, 512>}, {pipeline_mode = #tpu.pipeline_mode<synchronous>, transform_indices = @transform_4, window_bounds = array<i64: 1, 512>}, {pipeline_mode = #tpu.pipeline_mode<synchronous>, transform_indices = @transform_5, window_bounds = array<i64: 512, 3>}, {pipeline_mode = #tpu.pipeline_mode<synchronous>, transform_indices = @transform_6, window_bounds = array<i64: 1, 3>}, {transform_indices = @transform_7, window_bounds = array<i64: 4096, 3>}]} {
    %get3A = arith.constant 0 : index
    %get3A_0 = arith.constant 0 : index
    %get3A_1 = vector.load %arg2[%get3A, %get3A_0] : memref<4096x200xi32, #tpu.memory_space<vmem>>, vector<4096x200xi32>
    %ne3A = arith.constant 0 : i32
    %ne3A_2 = vector.broadcast %ne3A : i32 to vector<4096x200xi32>
    %ne3A_3 = arith.cmpi ne, %get3A_1, %ne3A_2 : vector<4096x200xi32>
    %convert_element_type3A = arith.extui %ne3A_3 : vector<4096x200xi1> to vector<4096x200xi32>
    %convert_element_type3A_4 = arith.sitofp %convert_element_type3A : vector<4096x200xi32> to vector<4096x200xf32>
    %reduce_sum3A = arith.constant dense<0.000000e+00> : vector<4096xf32>
    %reduce_sum3A_5 = vector.multi_reduction <add>, %convert_element_type3A_4, %reduce_sum3A [1] : vector<4096x200xf32> to vector<4096xf32>
    %broadcast_in_dim3A = vector.shape_cast %reduce_sum3A_5 : vector<4096xf32> to vector<4096x1xf32>
    %sub3A = arith.constant 2.000000e+02 : f32
    %sub3A_6 = vector.broadcast %sub3A : f32 to vector<4096x1xf32>
    %sub3A_7 = arith.subf %sub3A_6, %broadcast_in_dim3A : vector<4096x1xf32>
    %get3A_8 = arith.constant 0 : index
    %get3A_9 = arith.constant 0 : index
    %get3A_10 = vector.load %arg1[%get3A_8, %get3A_9] : memref<4096x128xf32, #tpu.memory_space<vmem>>, vector<4096x128xf32>
    %get3A_11 = arith.constant 0 : index
    %get3A_12 = arith.constant 0 : index
    %get3A_13 = vector.load %arg3[%get3A_11, %get3A_12] : memref<1x128xf32, #tpu.memory_space<vmem>>, vector<1x128xf32>
    %mul3A = vector.broadcast %sub3A_7 : vector<4096x1xf32> to vector<4096x128xf32>
    %mul3A_14 = vector.broadcast %get3A_13 : vector<1x128xf32> to vector<4096x128xf32>
    %mul3A_15 = arith.mulf %mul3A, %mul3A_14 : vector<4096x128xf32>
    %sub3A_16 = arith.subf %get3A_10, %mul3A_15 : vector<4096x128xf32>
    %gt3A = arith.constant 0.000000e+00 : f32
    %gt3A_17 = vector.broadcast %gt3A : f32 to vector<4096x1xf32>
    %gt3A_18 = arith.cmpf ogt, %broadcast_in_dim3A, %gt3A_17 : vector<4096x1xf32>
    %max3A = arith.constant 1.000000e+00 : f32
    %max3A_19 = vector.broadcast %max3A : f32 to vector<4096x1xf32>
    %max3A_20 = arith.maximumf %broadcast_in_dim3A, %max3A_19 : vector<4096x1xf32>
    %div3A = vector.broadcast %max3A_20 : vector<4096x1xf32> to vector<4096x128xf32>
    %div3A_21 = arith.divf %sub3A_16, %div3A : vector<4096x128xf32>
    %jit3A = arith.constant 0.000000e+00 : f32
    %broadcast_in_dim3A_22 = vector.shape_cast %gt3A_18 : vector<4096x1xi1> to vector<4096x1xi1>
    %broadcast_in_dim3A_23 = vector.broadcast %broadcast_in_dim3A_22 : vector<4096x1xi1> to vector<4096x128xi1>
    %broadcast_in_dim3A_24 = vector.broadcast %jit3A : f32 to vector<4096x128xf32>
    %select_n3A = arith.select %broadcast_in_dim3A_23, %div3A_21, %broadcast_in_dim3A_24 : vector<4096x128xi1>, vector<4096x128xf32>
    %get3A_25 = arith.constant 0 : index
    %get3A_26 = arith.constant 0 : index
    %get3A_27 = vector.load %arg4[%get3A_25, %get3A_26] : memref<128x512xf32, #tpu.memory_space<vmem>>, vector<128x512xf32>
    %dot_general3A = arith.constant dense<0.000000e+00> : vector<4096x512xf32>
    %dot_general3A_28 = tpu.matmul %select_n3A, %get3A_27, %dot_general3A {dimension_numbers = #tpu.dot_dimension_numbers<[1], [0], [0], [1], [0, 0, 1, 1], [], []>, transpose_lhs_hint = false} : vector<4096x128xf32>, vector<128x512xf32>, vector<4096x512xf32> -> vector<4096x512xf32>
    %get3A_29 = arith.constant 0 : index
    %get3A_30 = arith.constant 0 : index
    %get3A_31 = vector.load %arg5[%get3A_29, %get3A_30] : memref<1x512xf32, #tpu.memory_space<vmem>>, vector<1x512xf32>
    %add3A = vector.broadcast %get3A_31 : vector<1x512xf32> to vector<4096x512xf32>
    %add3A_32 = arith.addf %dot_general3A_28, %add3A : vector<4096x512xf32>
    %max3A_33 = arith.constant 0.000000e+00 : f32
    %max3A_34 = vector.broadcast %max3A_33 : f32 to vector<4096x512xf32>
    %max3A_35 = arith.maximumf %add3A_32, %max3A_34 : vector<4096x512xf32>
    %get3A_36 = arith.constant 0 : index
    %get3A_37 = arith.constant 0 : index
    %get3A_38 = vector.load %arg6[%get3A_36, %get3A_37] : memref<512x3xf32, #tpu.memory_space<vmem>>, vector<512x3xf32>
    %dot_general3A_39 = arith.constant dense<0.000000e+00> : vector<4096x3xf32>
    %dot_general3A_40 = tpu.matmul %max3A_35, %get3A_38, %dot_general3A_39 {dimension_numbers = #tpu.dot_dimension_numbers<[1], [0], [0], [1], [0, 0, 1, 1], [], []>, transpose_lhs_hint = false} : vector<4096x512xf32>, vector<512x3xf32>, vector<4096x3xf32> -> vector<4096x3xf32>
    %get3A_41 = arith.constant 0 : index
    %get3A_42 = arith.constant 0 : index
    %get3A_43 = vector.load %arg7[%get3A_41, %get3A_42] : memref<1x3xf32, #tpu.memory_space<vmem>>, vector<1x3xf32>
    %add3A_44 = vector.broadcast %get3A_43 : vector<1x3xf32> to vector<4096x3xf32>
    %add3A_45 = arith.addf %dot_general3A_40, %add3A_44 : vector<4096x3xf32>
    %swap3A = arith.constant 0 : index
    %swap3A_46 = arith.constant 0 : index
    %swap3A_47 = vector.load %arg8[%swap3A, %swap3A_46] : memref<4096x3xf32, #tpu.memory_space<vmem>>, vector<4096x3xf32>
    tpu.vector_store %arg8[%swap3A, %swap3A_46], %add3A_45 {strides = array<i32>} : memref<4096x3xf32, #tpu.memory_space<vmem>>, vector<4096x3xf32>,
    return
  }
  func.func @transform_0(%arg0: i32) -> (i32, i32) {
    %c0_i32 = arith.constant 0 : i32
    %c0_i32_0 = arith.constant 0 : i32
    return %arg0, %c0_i32 : i32, i32
  }
  func.func @transform_1(%arg0: i32) -> (i32, i32) {
    %c0_i32 = arith.constant 0 : i32
    %c0_i32_0 = arith.constant 0 : i32
    return %arg0, %c0_i32 : i32, i32
  }
  func.func @transform_2(%arg0: i32) -> (i32, i32) {
    %c0_i32 = arith.constant 0 : i32
    %c0_i32_0 = arith.constant 0 : i32
    %c0_i32_1 = arith.constant 0 : i32
    return %c0_i32, %c0_i32_0 : i32, i32
  }
  func.func @transform_3(%arg0: i32) -> (i32, i32) {
    %c0_i32 = arith.constant 0 : i32
    %c0_i32_0 = arith.constant 0 : i32
    %c0_i32_1 = arith.constant 0 : i32
    return %c0_i32, %c0_i32_0 : i32, i32
  }
  func.func @transform_4(%arg0: i32) -> (i32, i32) {
    %c0_i32 = arith.constant 0 : i32
    %c0_i32_0 = arith.constant 0 : i32
    %c0_i32_1 = arith.constant 0 : i32
    return %c0_i32, %c0_i32_0 : i32, i32
  }
  func.func @transform_5(%arg0: i32) -> (i32, i32) {
    %c0_i32 = arith.constant 0 : i32
    %c0_i32_0 = arith.constant 0 : i32
    %c0_i32_1 = arith.constant 0 : i32
    return %c0_i32, %c0_i32_0 : i32, i32
  }
  func.func @transform_6(%arg0: i32) -> (i32, i32) {
    %c0_i32 = arith.constant 0 : i32
    %c0_i32_0 = arith.constant 0 : i32
    %c0_i32_1 = arith.constant 0 : i32
    return %c0_i32, %c0_i32_0 : i32, i32
  }
  func.func @transform_7(%arg0: i32) -> (i32, i32) {
    %c0_i32 = arith.constant 0 : i32
    %c0_i32_0 = arith.constant 0 : i32
    return %arg0, %c0_i32 : i32, i32
  }
}

</mosaic_0001>

<sc_bundles>
// kernel: kernel.4.cloned.1.call-start
scs
__scs_entry_jumppad:
0x0: {  	(pc) =	sbr.rel $0x88, $3  }
0x1: {  	(tag) =	ssettag $0x0;
	lr =	simm.s32 $0x1  }
0x2: {  	[smem:$0x3F9B] =	sst lr;
	_ =	strace $0xD0000000  }
0x3: {  	_ = 	snop  }
0x4: {  	_ = 	snop  }
0x5: {  	_ = 	snop  }
0x6: {  	_ = 	snop  }
0x7: {  	_ = 	snop  }
__scs_overlays_trampoline_lowered:
0x8: {  	[smem:$0x3FAA] =	sst s0  }
0x9: {  	[smem:$0x3FAB] =	sst s1  }
0xa: {  	[smem:$0x3FAC] =	sst s2  }
0xb: {  	[smem:$0x3FAD] =	sst s3  }
0xc: {  	[smem:$0x3FAE] =	sst s4  }
0xd: {  	[smem:$0x3FAF] =	sst s5  }
0xe: {  	[smem:$0x3FB0] =	sst s6  }
0xf: {  	[smem:$0x3FB1] =	sst s7  }
0x10: {  	[smem:$0x3FB2] =	sst s8  }
0x11: {  	[smem:$0x3FB3] =	sst s9;
	s0 =	simm.s32 @!p0 $0x0  }
0x12: {  	s1 =	sld [smem:$0x3F99];
	s0 =	simm.s32 @p0 $0x1  }
0x13: {  	[smem:$0x3FB4] =	sst s0;
	s0 =	simm.s32 @!p1 $0x0  }
0x14: {  	s2 =	sld [smem:$0x3F98];
	s0 =	simm.s32 @p1 $0x1  }
0x15: {  	[smem:$0x3FB5] =	sst s0;
	s0 =	simm.s32 @!p2 $0x0  }
0x16: {  	s3 =	sld [smem:$0x3FDB];
	s0 =	simm.s32 @p2 $0x1  }
0x17: {  	s4 =	simm.s32 $0x1BF5;
	[smem:$0x3FB7] =	sst s0  }
0x18: {  	s0 =	sld [smem:$0x3F9A];
	_ =	swait.ge [sflag:s4], $0x0  }
0x19: {  	s7 =	sld [smem:$0x3F9B]  }
0x1a: {  	s8 =	sadd.s32 $0xFFFFE003, lr  }
0x1b: {  	s9 =	sadd.s32 $0xFFFFFEF7, lr;
	s5 =	simm.s32 $0xFFFFFFFF;
	p2 =	slt.u32 s8, $0xFFFFF086  }
0x1c: {  	p1 =	slt.u32 s9, $0xF7A;
	s5 =	simm.s32 @!p2 $0x0  }
0x1d: {  	s5 =	simm.s32 @p1 $0x1;
	p0 =	seq.s32 s7, s2  }
0x1e: {  	s7 =	smul.u32 @!p0 $0xF7A, s2;
	p2 =	seq.s32 @!p0 s5, $0x0  }
0x1f: {  	s9 =	smul.u32 $0xF7A, s1;
	s8 =	simm.s32 @!p0 $0x1BF5;
	p2 =	por !p2, p0  }
0x20: {  	[sflag:s8] =	ssyncset.s32 @!p0 $0xFFFFF086;
	s6 =	sadd.s32 @!p0 s3, s7;
	s7 =	simm.s32 @!p0 $0x108  }
0x21: {  	s3 =	sadd.s32 s3, s9;
	s6 =	sadd.s32 @!p0 $0x88, s6;
	s7 =	simm.s32 @p2 $0x1082  }
0x22: {  	[simem:s7], [sflag:s8] =	dma.local @!p0 [hbm:s6], $0xF7A  }
0x23: {  	s9 =	sor.u32 $0xD0000000, s2;
	s6 =	simm.s32 $0x108;
	_ =	swait.ge @!p0 [sflag:s8], $0x0  }
0x24: {  	s3 =	sadd.s32 $0x88, s3;
	s6 =	simm.s32 @!p1 $0x1082;
	[sflag:s4] =	ssyncset.s32 $0xFFFFF086  }
0x25: {  	[simem:s6], [sflag:s4] =	dma.local [hbm:s3], $0xF7A  }
0x26: {  	[smem:$0x3F9B] =	sst s1;
	(tag) =	ssettag s2;
	_ =	strace s9  }
0x27: {  	s1 =	sld [smem:$0x3FAB]  }
0x28: {  	s2 =	sld [smem:$0x3FAC]  }
0x29: {  	s4 =	sld [smem:$0x3FAE]  }
0x2a: {  	p0 =	seq.s32 s5, $0x0;
	s5 =	sld [smem:$0x3FAF]  }
0x2b: {  	s6 =	sld [smem:$0x3FB0]  }
0x2c: {  	s7 =	sld [smem:$0x3FB1]  }
0x2d: {  	s3 =	simm.s32 $0x108;
	s8 =	sld [smem:$0x3FB2]  }
0x2e: {  	s3 =	simm.s32 @!p0 $0x1082;
	s9 =	sld [smem:$0x3FB3]  }
0x2f: {  	lr =	sadd.s32 s0, s3;
	s0 =	sld [smem:$0x3FAA]  }
0x30: {  	s3 =	sld [smem:$0x3FAD]  }
0x31: {  	[smem:$0x3FB6] =	sst s10  }
0x32: {  	s10 =	sld [smem:$0x3FB4];
	_ =	sdelay $0x3  }
0x33: {  	p0 =	seq.s32 s10, $0x1;
	s10 =	sld [smem:$0x3FB6];
	_ =	sdelay $0x3  }
0x34: {  	[smem:$0x3FB6] =	sst s10  }
0x35: {  	s10 =	sld [smem:$0x3FB5];
	_ =	sdelay $0x3  }
0x36: {  	p1 =	seq.s32 s10, $0x1;
	s10 =	sld [smem:$0x3FB6];
	_ =	sdelay $0x3  }
0x37: {  	[smem:$0x3FB6] =	sst s10  }
0x38: {  	s10 =	sld [smem:$0x3FB7]  }
0x39: {  	_ = 	snop;
	(pc) =	sbr.ind lr, $3  }
0x3a: {  	_ = 	snop  }
0x3b: {  	_ = 	snop  }
0x3c: {  	p2 =	seq.s32 s10, $0x1;
	s10 =	sld [smem:$0x3FB6]  }
0x3d: {  	_ =	shalt  }
0x3e: {  	_ =	shalt  }
0x3f: {  	_ =	shalt  }
0x40: {  	_ =	shalt  }
0x41: {  	_ =	shalt  }
0x42: {  	_ =	shalt  }
0x43: {  	_ =	shalt  }
0x44: {  	_ =	shalt  }
0x45: {  	_ =	shalt  }
0x46: {  	_ =	shalt  }
0x47: {  	_ =	shalt  }
0x48: {  	_ =	shalt  }
0x49: {  	_ =	shalt  }
0x4a: {  	_ =	shalt  }
0x4b: {  	_ =	shalt  }
0x4c: {  	_ =	shalt  }
0x4d: {  	_ =	shalt  }
0x4e: {  	_ =	shalt  }
0x4f: {  	_ =	shalt  }
0x50: {  	_ =	shalt  }
0x51: {  	_ =	shalt  }
0x52: {  	_ =	shalt  }
0x53: {  	_ =	shalt  }
0x54: {  	_ =	shalt  }
0x55: {  	_ =	shalt  }
0x56: {  	_ =	shalt  }
0x57: {  	_ =	shalt  }
0x58: {  	_ =	shalt  }
0x59: {  	_ =	shalt  }
0x5a: {  	_ =	shalt  }
0x5b: {  	_ =	shalt  }
0x5c: {  	_ =	shalt  }
0x5d: {  	_ =	shalt  }
0x5e: {  	_ =	shalt  }
0x5f: {  	_ =	shalt  }
0x60: {  	_ =	shalt  }
0x61: {  	_ =	shalt  }
0x62: {  	_ =	shalt  }
0x63: {  	_ =	shalt  }
0x64: {  	_ =	shalt  }
0x65: {  	_ =	shalt  }
0x66: {  	_ =	shalt  }
0x67: {  	_ =	shalt  }
0x68: {  	_ =	shalt  }
0x69: {  	_ =	shalt  }
0x6a: {  	_ =	shalt  }
0x6b: {  	_ =	shalt  }
0x6c: {  	_ =	shalt  }
0x6d: {  	_ =	shalt  }
0x6e: {  	_ =	shalt  }
0x6f: {  	_ =	shalt  }
0x70: {  	_ =	shalt  }
0x71: {  	_ =	shalt  }
0x72: {  	_ =	shalt  }
0x73: {  	_ =	shalt  }
0x74: {  	_ =	shalt  }
0x75: {  	_ =	shalt  }
0x76: {  	_ =	shalt  }
0x77: {  	_ =	shalt  }
0x78: {  	_ =	shalt  }
0x79: {  	_ =	shalt  }
0x7a: {  	_ =	shalt  }
0x7b: {  	_ =	shalt  }
0x7c: {  	_ =	shalt  }
0x7d: {  	_ =	shalt  }
0x7e: {  	_ =	shalt  }
0x7f: {  	_ =	shalt  }
0x80: {  	_ =	shalt  }
0x81: {  	_ =	shalt  }
0x82: {  	_ =	shalt  }
0x83: {  	_ =	shalt  }
0x84: {  	_ =	shalt  }
0x85: {  	_ =	shalt  }
0x86: {  	_ =	shalt  }
0x87: {  	_ =	shalt  }
.Lfunc_end0:
.L_simem_size_0:
called_computation_lowered:
.L_overlay_start_0:
0x88: {  	s2 =	sld [smem:$0x3FD9]  }
0x89: {  	s3 =	sld [smem:$0x3FFE];
	_ =	sdelay $0x1  }
0x8a: {  	s1 =	srdreg.scid  }
0x8b: {  	s0 =	sand.u32 $0x1, s1  }
0x8c: {  	s17 =	sshll.u32 s0, $0xA;
	s2 =	sadd.s32 s3, s2  }
0x8d: {  	s2 =	sadd.s32 s2, s17  }
0x8e: {  	[smem:$0x3FC2] =	sst s2  }
0x8f: {  	_ = 	snop  }
0x90: {  	s2 =	sld [smem:$0x3FC8];
	(tm) =	ssettm $0x1  }
0x91: {  	s18 =	sld [smem:$0x3FFB];
	_ =	sdelay $0x3  }
0x92: {  	_ =	strace s18  }
0x93: {  	s3 =	sld [smem:$0x3FFC];
	_ =	sdelay $0x3  }
0x94: {  	_ =	strace s3  }
0x95: {  	s3 =	sld [smem:$0x3FFD];
	_ =	sdelay $0x3  }
0x96: {  	_ =	strace s3  }
0x97: {  	_ =	strace $0x8FFFFFFF  }
0x98: {  	s19 =	sld [smem:$0x3FDB];
	_ =	sdelay $0x1  }
0x99: {  	s4 =	simm.s32 $_scs_section_size  }
0x9a: {  	s5 =	simm.s32 $_size__tile_overlayer_lowered;
	s6 =	simm.s32 $_tile_overlayer_lowered  }
0x9b: {  	s22 =	simm.s32 $0x1BFF;
	s21 =	sshll.u32 s6, $0x1;
	s3 =	sadd.s32 s4, s19  }
0x9c: {  	s7 =	simm.s32 $0x0;
	s20 =	sshll.u32 s5, $0x1;
	s5 =	sadd.s32 s21, s3  }
0x9d: {  	[timem:s7], [sflag:s22] =	dma.local [hbm:s5], s20  }
0x9e: {  	_ =	swait.ge [sflag:s22], s20  }
0x9f: {  	s4 =	ssub.s32 $0x0, s20;
	[sflag:s22] =	ssyncset.done $0x0  }
0xa0: {  	[sflag:s22] =	ssyncadd.s32 s4;
	_ =	sdelay $0x1  }
0xa1: {  	s23 =	simm.s32 $0x1B8B  }
0xa2: {  	_ =	swait.ge [sflag:s23], $0x1  }
0xa3: {  	[sflag:s23] =	ssyncset.done $0x0  }
0xa4: {  	s25 =	simm.s32 $0x1B8E;
	s24 =	sld [smem:$0x3FFE];
	[sflag:s23] =	ssyncadd.s32 $0xFFFFFFFF  }
0xa5: {  	s26 =	simm.s32 $execute0_lowered;
	[smem:$0x3FD2] =	sst s25  }
0xa6: {  	s5 =	sshll.u32 s26, $0x1;
	_ =	strace $0x80000046;
	[dreg:$0x1] =	wrdreg $0xFFFFFFFF  }
0xa7: {  	s28 =	simm.s32 $_size_execute0_lowered;
	s3 =	sadd.s32 s3, s5;
	[dreg:$0x0] =	wrdreg $0x0  }
0xa8: {  	s5 =	sshll.u32 s28, $0x1;
	[dreg:$0x2] =	wrdreg s3  }
0xa9: {  	[dreg:$0x3] =	wrdreg s5  }
0xaa: {  	[dreg:$0x4] =	wrdreg $0xC0  }
0xab: {  	_ =	task [dreg:s7], $0x5FFFF  }
0xac: {  	[dreg:$0x1] =	wrdreg $0xFFFFFFFF  }
0xad: {  	[dreg:$0x0] =	wrdreg $0x60  }
0xae: {  	[dreg:$0x2] =	wrdreg s24  }
0xaf: {  	[dreg:$0x3] =	wrdreg s2  }
0xb0: {  	[dreg:$0x4] =	wrdreg $0x9  }
0xb1: {  	_ =	task.clear_ibuf [dreg:s7], $0x5FFFF;
	_ =	strace $0x90000046  }
0xb2: {  	s29 =	simm.s32 $0x9;
	_ =	strace $0x80000048  }
0xb3: {  	_ =	swait.ge [sflag:s29], $0x1  }
0xb4: {  	[sflag:s29] =	ssyncadd.s32 $0xFFFFFFFF  }
0xb5: {  	_ =	strace $0x90000048  }
0xb6: {  	_ =	sfence  }
0xb7: {  	s30 =	sld [smem:$0x0];
	_ =	sdelay $0x2  }
0xb8: {  	s31 =	sshll.u32 s1, $0xD;
	s1 =	sshrl.u32 s1, $0x2  }
0xb9: {  	s3 =	sand.u32 $0x4000, s31;
	s1 =	sadd.s32 s1, s30  }
0xba: {  	s0 =	sor.u32 s3, s0;
	s1 =	sshll.u32 s1, $0x11  }
0xbb: {  	s0 =	sor.u32 s1, s0  }
0xbc: {  	s0 =	sadd.s32 $0x8F2B, s0  }
0xbd: {  	[sflag:s0] =	ssyncadd.remote.s32 $0x1  }
0xbe: {  	_ =	sfence.sel $0xFFFF  }
0xbf: {  	[dreg:$0x0] =	wrdreg $0xFFFFFFFF;
	(pc) =	sbr.abs _section_cstart, $3  }
0xc0: {  	[dreg:$0x1] =	wrdreg $0xFFFFFFFF  }
0xc1: {  	_ =	task.clear_ibuf [dreg:s7], $0x2FFFF;
	_ =	strace $0x9FFFFFFF  }
0xc2: {  	(tm) =	ssettm $0x7FFFFFFF  }
0xc3: {  	_ =	shalt  }
tec
execute0_lowered:
.L_overlay_start_1:
0x0: {  	(tag) =	ssettag $0x1  }
0x1: {  	s1 =	srdreg.scid;
	s4 =	rddreg [dreg:$0x0]  }
0x2: {  	s0 =	stileid.u32;
	s2 =	rddreg [dreg:$0x1]  }
0x3: {  	s3 =	simm.s32 $0x0;
	s9 =	simm.s32 $0x6400;
	s10 =	simm.s32 $0x60  }
0x4: {  	s11 =	simm.s32 $0x9800;
	s12 =	simm.s32 $0xC8;
	s13 =	simm.s32 $0xC800  }
0x5: {  	s14 =	simm.s32 $0x130;
	s15 =	simm.s32 $0xFC00;
	s16 =	simm.s32 $0x190  }
0x6: {  	s17 =	simm.s32 $0x12C00;
	s18 =	simm.s32 $0x1F8;
	s19 =	simm.s32 $0x16000  }
0x7: {  	s20 =	simm.s32 $0x1;
	s21 =	simm.s32 $0x2;
	s22 =	simm.s32 $0x3  }
0x8: {  	s23 =	simm.s32 $0x19000;
	s24 =	simm.s32 $0x0;
	s5 =	sand.u32 $0x1, s1  }
0x9: {  	s6 =	sshll.u32 s0, $0x8;
	s1 =	rddreg [dreg:$0x2];
	s7 =	sshll.u32 s5, $0x7  }
0xa: {  	[smem:$0x7FF] =	sst s3;
	s5 =	ssub.s32 $0x2, s5;
	s6 =	sor.u32 s7, s6  }
0xb: {  	s8 =	sshrl.u32 s5, $0x1;
	s7 =	smul.u32 $0x19, s6;
	s6 =	sshll.u32 s6, $0x4  }
0xc: {  	_ =	strace $0x80000047;
	s8 =	ssub.s32 s5, s8;
	s6 =	sadd.s32 s6, s4  }
0xd: {  	s7 =	sadd.s32 s7, s4;
	s5 =	sadd.s32 $0x19E00, s6;
	s6 =	smax.u32 s8, $0x1  }
0xe: {  	s8 =	simm.s32 $0x68;
	s4 =	sadd.s32 $0xE00, s7;
	s7 =	simm.s32 $0x4  }
.LBB2_1:
0xf: {  	[tilespmem:s3], [sflag:$0x4] =	stream.linear.gather [hbm4b:s4+s3], $0x6400, $0x38;
	[tilespmem:$0x1D000] =	vst v63  }
0x10: {  	_ =	swait.ge [sflag:s7], $0x6400  }
0x11: {  	[sflag:s7] =	ssyncset.done $0x0  }
0x12: {  	[sflag:s7] =	ssyncadd.s32 $0xFFFF9C00  }
0x13: {  	[tilespmem:s9], [sflag:$0x1] =	stream.indirect.gather [hbm4b:s2+s8], $0x80, s3, s8, $0xb8;
	[tilespmem:$0x1D000] =	vst v63  }
0x14: {  	_ = 	snop  }
0x15: {  	[tilespmem:s11], [sflag:$0x1] =	stream.indirect.gather [hbm4b:s2+s10], $0x80, s8, s10, $0xb8;
	[tilespmem:$0x1D000] =	vst v63  }
0x16: {  	_ = 	snop  }
0x17: {  	[tilespmem:s13], [sflag:$0x2] =	stream.indirect.gather [hbm4b:s2+s8], $0x80, s12, s8, $0xb8;
	[tilespmem:$0x1D000] =	vst v63  }
0x18: {  	_ = 	snop  }
0x19: {  	[tilespmem:s15], [sflag:$0x2] =	stream.indirect.gather [hbm4b:s2+s10], $0x80, s14, s10, $0xb8;
	[tilespmem:$0x1D000] =	vst v63  }
0x1a: {  	_ = 	snop  }
0x1b: {  	[tilespmem:s17], [sflag:$0x3] =	stream.indirect.gather [hbm4b:s2+s8], $0x80, s16, s8, $0xb8;
	[tilespmem:$0x1D000] =	vst v63  }
0x1c: {  	s25 =	simm.s32 $0x0  }
0x1d: {  	[tilespmem:s19], [sflag:$0x3] =	stream.indirect.gather [hbm4b:s2+s10], $0x80, s18, s10, $0xb8;
	[tilespmem:$0x1D000] =	vst v63  }
.LBB2_2:
0x1e: {  	_ =	swait.ge [sflag:s20], $0x3400  }
0x1f: {  	[sflag:s20] =	ssyncset.done $0x0  }
0x20: {  	[sflag:s20] =	ssyncadd.s32 $0xFFFFCC00  }
0x21: {  	_ =	swait.ge [sflag:s20], $0x3000  }
0x22: {  	[sflag:s20] =	ssyncset.done $0x0  }
0x23: {  	s26 =	simm.s32 $0x0;
	[sflag:s20] =	ssyncadd.s32 $0xFFFFD000  }
0x24: {  	v6 =	vld [tilespmem:s26+$0x6780]  }
0x25: {  	v7 =	vld [tilespmem:s26+$0x6790]  }
0x26: {  	v8 =	vld [tilespmem:s26+$0x67A0]  }
0x27: {  	v9 =	vld [tilespmem:s26+$0x67B0]  }
0x28: {  	v0 =	vld [tilespmem:s26+$0x67C0]  }
0x29: {  	v1 =	vld [tilespmem:s26+$0x67D0]  }
0x2a: {  	v14 =	vld [tilespmem:s26+$0x6700]  }
0x2b: {  	v16 =	vld [tilespmem:s26+$0x6710]  }
0x2c: {  	v13 =	vld [tilespmem:s26+$0x6720]  }
0x2d: {  	v15 =	vld [tilespmem:s26+$0x6730]  }
0x2e: {  	v3 =	vld [tilespmem:s26+$0x6740]  }
0x2f: {  	v2 =	vld [tilespmem:s26+$0x6750]  }
0x30: {  	v17 =	vld [tilespmem:s26+$0x6680]  }
0x31: {  	v18 =	vld [tilespmem:s26+$0x6690]  }
0x32: {  	v19 =	vld [tilespmem:s26+$0x66A0]  }
0x33: {  	v24 =	vld [tilespmem:s26+$0x66B0]  }
0x34: {  	v4 =	vld [tilespmem:s26+$0x66C0]  }
0x35: {  	v5 =	vld [tilespmem:s26+$0x66D0]  }
0x36: {  	v21 =	vld [tilespmem:s26+$0x6600]  }
0x37: {  	v22 =	vld [tilespmem:s26+$0x6610]  }
0x38: {  	v23 =	vld [tilespmem:s26+$0x6620]  }
0x39: {  	v30 =	vld [tilespmem:s26+$0x6630]  }
0x3a: {  	v10 =	vld [tilespmem:s26+$0x6640]  }
0x3b: {  	v27 =	vld [tilespmem:s26+$0x6580]  }
0x3c: {  	v28 =	vld [tilespmem:s26+$0x6590]  }
0x3d: {  	v25 =	vld [tilespmem:s26+$0x6500]  }
0x3e: {  	v26 =	vld [tilespmem:s26+$0x6510]  }
0x3f: {  	v11 =	vld [tilespmem:s26+$0x6480]  }
0x40: {  	v20 =	vld [tilespmem:s26+$0x6490]  }
0x41: {  	v29 =	vld [tilespmem:s26+$0x6400]  }
0x42: {  	v31 =	vld [tilespmem:s26+$0x6410]  }
0x43: {  	v32 =	vld [tilespmem:s26+$0x6420]  }
0x44: {  	v33 =	vld [tilespmem:s26+$0x6430]  }
0x45: {  	v34 =	vld [tilespmem:s26+$0x64A0]  }
0x46: {  	v35 =	vld [tilespmem:s26+$0x64B0]  }
0x47: {  	v12 =	vimm.f32 $0.0e+00;
	v36 =	vld [tilespmem:s26+$0x6520]  }
0x48: {  	v37 =	vld [tilespmem:s26+$0x6530];
	v29 =	vadd.f32 v29, v12;
	v31 =	vadd.f32 v31, v12  }
0x49: {  	v38 =	vld [tilespmem:s26+$0x65A0];
	v32 =	vadd.f32 v32, v12;
	v33 =	vadd.f32 v33, v12  }
0x4a: {  	v39 =	vld [tilespmem:s26+$0x65B0];
	v29 =	vadd.f32 v11, v29;
	v31 =	vadd.f32 v20, v31  }
0x4b: {  	v11 =	vld [tilespmem:s26+$0x6650];
	v32 =	vadd.f32 v34, v32;
	v33 =	vadd.f32 v35, v33  }
0x4c: {  	v20 =	vld [tilespmem:s26+$0x65C0];
	v29 =	vadd.f32 v25, v29;
	v31 =	vadd.f32 v26, v31  }
0x4d: {  	v25 =	vld [tilespmem:s26+$0x65D0];
	v32 =	vadd.f32 v36, v32;
	v33 =	vadd.f32 v37, v33  }
0x4e: {  	v26 =	vld [tilespmem:s26+$0x6540];
	v29 =	vadd.f32 v27, v29;
	v31 =	vadd.f32 v28, v31  }
0x4f: {  	v27 =	vld [tilespmem:s26+$0x6550];
	v32 =	vadd.f32 v38, v32;
	v33 =	vadd.f32 v39, v33  }
0x50: {  	v28 =	vld [tilespmem:s26+$0x64C0];
	v21 =	vadd.f32 v21, v29;
	v22 =	vadd.f32 v22, v31  }
0x51: {  	v29 =	vld [tilespmem:s26+$0x64D0];
	v23 =	vadd.f32 v23, v32;
	v63 =	vadd.f32 v30, v33  }
0x52: {  	v30 =	vld [tilespmem:s26+$0x6440];
	v21 =	vadd.f32 v17, v21;
	v22 =	vadd.f32 v18, v22  }
0x53: {  	v31 =	vld [tilespmem:s26+$0x6450];
	v23 =	vadd.f32 v19, v23;
	v24 =	vadd.f32 v24, v63  }
0x54: {  	s28 =	simm.s32 $0x1000;
	v32 =	vld [tilespmem:s26+$0x6460];
	v19 =	vimm.f32 $0.0e+00;
	v18 =	vimm.f32 $0.0e+00;
	v17 =	vimm.f32 $0.0e+00  }
.LBB2_3:
0x55: {  	p0 =	sne.s32 s28, $0x18000;
	v33 =	vld [tilespmem:s26+$0x6470];
	v14 =	vadd.f32 v14, v21;
	v16 =	vadd.f32 v16, v22  }
0x56: {  	v34 =	vld [tilespmem:s26+$0x64E0];
	v13 =	vadd.f32 v13, v23;
	v15 =	vadd.f32 v15, v24  }
0x57: {  	v35 =	vld [tilespmem:s26+$0x64F0];
	v21 =	vadd.f32 v6, v14;
	v22 =	vadd.f32 v7, v16  }
0x58: {  	v6 =	vld [tilespmem:s26+$0x6560];
	v23 =	vadd.f32 v8, v13;
	v24 =	vadd.f32 v9, v15  }
0x59: {  	v7 =	vadd.f32 v30, v12;
	v8 =	vadd.f32 v31, v19;
	v9 =	vld [tilespmem:s26+$0x6570]  }
0x5a: {  	v12 =	vadd.f32 v32, v18;
	v13 =	vadd.f32 v33, v17;
	v14 =	vld [tilespmem:s26+$0x65E0]  }
0x5b: {  	v7 =	vadd.f32 v28, v7;
	v8 =	vadd.f32 v29, v8;
	v15 =	vld [tilespmem:s26+$0x65F0]  }
0x5c: {  	v12 =	vadd.f32 v34, v12;
	v13 =	vadd.f32 v35, v13;
	v16 =	vld [tilespmem:s26+$0x6660]  }
0x5d: {  	v7 =	vadd.f32 v26, v7;
	v8 =	vadd.f32 v27, v8;
	v17 =	vld [tilespmem:s26+$0x6670]  }
0x5e: {  	v6 =	vadd.f32 v6, v12;
	v9 =	vadd.f32 v9, v13;
	v12 =	vld [tilespmem:s26+$0x66E0]  }
0x5f: {  	v7 =	vadd.f32 v20, v7;
	v8 =	vadd.f32 v25, v8;
	v13 =	vld [tilespmem:s26+$0x66F0]  }
0x60: {  	v6 =	vadd.f32 v14, v6;
	v9 =	vadd.f32 v15, v9;
	v14 =	vld [tilespmem:s26+$0x6760]  }
0x61: {  	v7 =	vadd.f32 v10, v7;
	v8 =	vadd.f32 v11, v8;
	v10 =	vld [tilespmem:s26+$0x6770]  }
0x62: {  	v11 =	vadd.f32 v16, v6;
	v9 =	vadd.f32 v17, v9;
	v15 =	vld [tilespmem:s26+$0x67E0]  }
0x63: {  	v4 =	vadd.f32 v4, v7;
	v5 =	vadd.f32 v5, v8;
	v16 =	vld [tilespmem:s26+$0x67F0];
	s26 =	sshra.s32 s28, $0x2  }
0x64: {  	v11 =	vadd.f32 v12, v11;
	v6 =	vld [tilespmem:s26+$0x6780];
	v9 =	vadd.f32 v13, v9  }
0x65: {  	v3 =	vadd.f32 v3, v4;
	v2 =	vadd.f32 v2, v5;
	v7 =	vld [tilespmem:s26+$0x6790]  }
0x66: {  	v4 =	vadd.f32 v14, v11;
	v8 =	vld [tilespmem:s26+$0x67A0];
	v5 =	vadd.f32 v10, v9  }
0x67: {  	v12 =	vadd.f32 v0, v3;
	v19 =	vadd.f32 v1, v2;
	v9 =	vld [tilespmem:s26+$0x67B0]  }
0x68: {  	v18 =	vadd.f32 v15, v4;
	v0 =	vld [tilespmem:s26+$0x67C0];
	v17 =	vadd.f32 v16, v5  }
0x69: {  	v1 =	vld [tilespmem:s26+$0x67D0]  }
0x6a: {  	v14 =	vld [tilespmem:s26+$0x6700]  }
0x6b: {  	v16 =	vld [tilespmem:s26+$0x6710]  }
0x6c: {  	v13 =	vld [tilespmem:s26+$0x6720]  }
0x6d: {  	v15 =	vld [tilespmem:s26+$0x6730]  }
0x6e: {  	v3 =	vld [tilespmem:s26+$0x6740]  }
0x6f: {  	v2 =	vld [tilespmem:s26+$0x6750]  }
0x70: {  	v32 =	vld [tilespmem:s26+$0x6680]  }
0x71: {  	v33 =	vld [tilespmem:s26+$0x6690]  }
0x72: {  	v34 =	vld [tilespmem:s26+$0x66A0]  }
0x73: {  	v35 =	vld [tilespmem:s26+$0x66B0]  }
0x74: {  	v4 =	vld [tilespmem:s26+$0x66C0]  }
0x75: {  	v5 =	vld [tilespmem:s26+$0x66D0]  }
0x76: {  	v30 =	vld [tilespmem:s26+$0x6600]  }
0x77: {  	v31 =	vld [tilespmem:s26+$0x6610]  }
0x78: {  	v36 =	vld [tilespmem:s26+$0x6620]  }
0x79: {  	v37 =	vld [tilespmem:s26+$0x6630]  }
0x7a: {  	v10 =	vld [tilespmem:s26+$0x6640]  }
0x7b: {  	v11 =	vld [tilespmem:s26+$0x6650]  }
0x7c: {  	v28 =	vld [tilespmem:s26+$0x6580]  }
0x7d: {  	v29 =	vld [tilespmem:s26+$0x6590]  }
0x7e: {  	v25 =	vld [tilespmem:s26+$0x6500]  }
0x7f: {  	v26 =	vld [tilespmem:s26+$0x6510]  }
0x80: {  	v20 =	vld [tilespmem:s26+$0x6480]  }
0x81: {  	v27 =	vld [tilespmem:s26+$0x6490]  }
0x82: {  	v38 =	vld [tilespmem:s26+$0x6400]  }
0x83: {  	v39 =	vld [tilespmem:s26+$0x6410]  }
0x84: {  	v40 =	vld [tilespmem:s26+$0x6420]  }
0x85: {  	v41 =	vld [tilespmem:s26+$0x6430]  }
0x86: {  	v42 =	vld [tilespmem:s26+$0x64A0]  }
0x87: {  	v43 =	vld [tilespmem:s26+$0x64B0]  }
0x88: {  	v44 =	vld [tilespmem:s26+$0x6520]  }
0x89: {  	v21 =	vadd.f32 v38, v21;
	v22 =	vadd.f32 v39, v22;
	v38 =	vld [tilespmem:s26+$0x6530]  }
0x8a: {  	v23 =	vadd.f32 v40, v23;
	v24 =	vadd.f32 v41, v24;
	v39 =	vld [tilespmem:s26+$0x65A0]  }
0x8b: {  	v21 =	vadd.f32 v20, v21;
	v22 =	vadd.f32 v27, v22;
	v40 =	vld [tilespmem:s26+$0x65B0]  }
0x8c: {  	v23 =	vadd.f32 v42, v23;
	v24 =	vadd.f32 v43, v24;
	v20 =	vld [tilespmem:s26+$0x65C0]  }
0x8d: {  	v21 =	vadd.f32 v25, v21;
	v22 =	vadd.f32 v26, v22;
	v25 =	vld [tilespmem:s26+$0x65D0]  }
0x8e: {  	v23 =	vadd.f32 v44, v23;
	v24 =	vadd.f32 v38, v24;
	v26 =	vld [tilespmem:s26+$0x6540]  }
0x8f: {  	v21 =	vadd.f32 v28, v21;
	v22 =	vadd.f32 v29, v22;
	v27 =	vld [tilespmem:s26+$0x6550]  }
.Ltmp0:
0x90: {  	v23 =	vadd.f32 v39, v23;
	v28 =	vld [tilespmem:s26+$0x64C0];
	v24 =	vadd.f32 v40, v24;
	(pc) =	sbr.rel @p0 .LBB2_3-.Ltmp0, $4  }
0x91: {  	v21 =	vadd.f32 v30, v21;
	v22 =	vadd.f32 v31, v22;
	v29 =	vld [tilespmem:s26+$0x64D0]  }
0x92: {  	v23 =	vadd.f32 v36, v23;
	v30 =	vld [tilespmem:s26+$0x6440];
	v24 =	vadd.f32 v37, v24  }
0x93: {  	v21 =	vadd.f32 v32, v21;
	v22 =	vadd.f32 v33, v22;
	v31 =	vld [tilespmem:s26+$0x6450]  }
0x94: {  	s28 =	sadd.s32 $0x1000, s28;
	v23 =	vadd.f32 v34, v23;
	v32 =	vld [tilespmem:s26+$0x6460];
	v24 =	vadd.f32 v35, v24  }
0x95: {  	v33 =	vld [tilespmem:s26+$0x6470];
	v14 =	vadd.f32 v14, v21;
	v16 =	vadd.f32 v16, v22  }
0x96: {  	v21 =	vld [tilespmem:s26+$0x64E0];
	v13 =	vadd.f32 v13, v23;
	v15 =	vadd.f32 v15, v24  }
0x97: {  	v22 =	vld [tilespmem:s26+$0x64F0];
	v6 =	vadd.f32 v6, v14;
	v7 =	vadd.f32 v7, v16  }
0x98: {  	v14 =	vld [tilespmem:s26+$0x6560];
	v12 =	vadd.f32 v30, v12;
	v8 =	vadd.f32 v8, v13  }
0x99: {  	v9 =	vadd.f32 v9, v15;
	v13 =	vadd.f32 v31, v19;
	v15 =	vld [tilespmem:s26+$0x6570]  }
0x9a: {  	v19 =	vld [tilespmem:s26+$0x65F0];
	v16 =	vadd.f32 v32, v18;
	v12 =	vadd.f32 v28, v12  }
0x9b: {  	v18 =	vld [tilespmem:s26+$0x65E0];
	v17 =	vadd.f32 v33, v17;
	v13 =	vadd.f32 v29, v13  }
0x9c: {  	v16 =	vadd.f32 v21, v16;
	v21 =	vld [tilespmem:s26+$0x6660];
	v12 =	vadd.f32 v26, v12  }
0x9d: {  	v17 =	vadd.f32 v22, v17;
	v13 =	vadd.f32 v27, v13;
	v22 =	vld [tilespmem:s26+$0x6670]  }
0x9e: {  	v14 =	vadd.f32 v14, v16;
	v16 =	vld [tilespmem:s26+$0x66E0];
	v12 =	vadd.f32 v20, v12  }
0x9f: {  	v15 =	vadd.f32 v15, v17;
	v13 =	vadd.f32 v25, v13;
	v17 =	vld [tilespmem:s26+$0x66F0]  }
0xa0: {  	v14 =	vadd.f32 v18, v14;
	v18 =	vld [tilespmem:s26+$0x6760];
	v10 =	vadd.f32 v10, v12  }
0xa1: {  	s28 =	smul.u32 $0x600, s25;
	v12 =	vadd.f32 v19, v15;
	v11 =	vadd.f32 v11, v13;
	v13 =	vld [tilespmem:s26+$0x6770]  }
0xa2: {  	v15 =	vld [tilespmem:s26+$0x67E0];
	v14 =	vadd.f32 v21, v14;
	v4 =	vadd.f32 v4, v10  }
0xa3: {  	v10 =	vadd.f32 v22, v12;
	v5 =	vadd.f32 v5, v11;
	v11 =	vld [tilespmem:s26+$0x67F0];
	s26 =	sshra.s32 s28, $0x2  }
0xa4: {  	v12 =	vadd.f32 v16, v14;
	v3 =	vadd.f32 v3, v4;
	[tilespmem:s26+$0x19000] =	vst v6  }
0xa5: {  	[tilespmem:s26+$0x19010] =	vst v7;
	v4 =	vadd.f32 v17, v10;
	v2 =	vadd.f32 v2, v5  }
0xa6: {  	[tilespmem:s26+$0x19020] =	vst v8;
	v5 =	vadd.f32 v18, v12;
	v0 =	vadd.f32 v0, v3  }
0xa7: {  	[tilespmem:s26+$0x19030] =	vst v9;
	v3 =	vadd.f32 v13, v4;
	v1 =	vadd.f32 v1, v2  }
0xa8: {  	s28 =	smul.u32 $0x960, s25;
	v2 =	vadd.f32 v15, v5;
	[tilespmem:s26+$0x19040] =	vst v0  }
0xa9: {  	v0 =	vadd.f32 v11, v3;
	[tilespmem:s26+$0x19050] =	vst v1  }
0xaa: {  	s28 =	sshra.s32 s28, $0x2;
	[tilespmem:s26+$0x19060] =	vst v2  }
0xab: {  	s29 =	sadd.s32 $0x258, s28;
	[tilespmem:s26+$0x19070] =	vst v0  }
0xac: {  	[tilespmem:s9], [sflag:$0x1] =	stream.indirect.gather [hbm4b:s2+s8], $0x80, s29, s8, $0xb8;
	[tilespmem:$0x1D000] =	vst v63  }
0xad: {  	s29 =	sadd.s32 $0x2C0, s28  }
0xae: {  	[tilespmem:s11], [sflag:$0x1] =	stream.indirect.gather [hbm4b:s2+s10], $0x80, s29, s10, $0xb8;
	[tilespmem:$0x1D000] =	vst v63  }
0xaf: {  	_ =	swait.ge [sflag:s21], $0x3400  }
0xb0: {  	[sflag:s21] =	ssyncset.done $0x0  }
0xb1: {  	[sflag:s21] =	ssyncadd.s32 $0xFFFFCC00  }
0xb2: {  	_ =	swait.ge [sflag:s21], $0x3000  }
0xb3: {  	[sflag:s21] =	ssyncset.done $0x0  }
0xb4: {  	s29 =	simm.s32 $0x0;
	[sflag:s21] =	ssyncadd.s32 $0xFFFFD000  }
0xb5: {  	v6 =	vld [tilespmem:s29+$0xCB80]  }
0xb6: {  	v7 =	vld [tilespmem:s29+$0xCB90]  }
0xb7: {  	v8 =	vld [tilespmem:s29+$0xCBA0]  }
0xb8: {  	v9 =	vld [tilespmem:s29+$0xCBB0]  }
0xb9: {  	v0 =	vld [tilespmem:s29+$0xCBC0]  }
0xba: {  	v1 =	vld [tilespmem:s29+$0xCBD0]  }
0xbb: {  	v14 =	vld [tilespmem:s29+$0xCB00]  }
0xbc: {  	v16 =	vld [tilespmem:s29+$0xCB10]  }
0xbd: {  	v13 =	vld [tilespmem:s29+$0xCB20]  }
0xbe: {  	v15 =	vld [tilespmem:s29+$0xCB30]  }
0xbf: {  	v3 =	vld [tilespmem:s29+$0xCB40]  }
0xc0: {  	v2 =	vld [tilespmem:s29+$0xCB50]  }
0xc1: {  	v17 =	vld [tilespmem:s29+$0xCA80]  }
0xc2: {  	v18 =	vld [tilespmem:s29+$0xCA90]  }
0xc3: {  	v19 =	vld [tilespmem:s29+$0xCAA0]  }
0xc4: {  	v24 =	vld [tilespmem:s29+$0xCAB0]  }
0xc5: {  	v4 =	vld [tilespmem:s29+$0xCAC0]  }
0xc6: {  	v5 =	vld [tilespmem:s29+$0xCAD0]  }
0xc7: {  	v21 =	vld [tilespmem:s29+$0xCA00]  }
0xc8: {  	v22 =	vld [tilespmem:s29+$0xCA10]  }
0xc9: {  	v23 =	vld [tilespmem:s29+$0xCA20]  }
0xca: {  	v30 =	vld [tilespmem:s29+$0xCA30]  }
0xcb: {  	v10 =	vld [tilespmem:s29+$0xCA40]  }
0xcc: {  	v27 =	vld [tilespmem:s29+$0xC980]  }
0xcd: {  	v28 =	vld [tilespmem:s29+$0xC990]  }
0xce: {  	v25 =	vld [tilespmem:s29+$0xC900]  }
0xcf: {  	v26 =	vld [tilespmem:s29+$0xC910]  }
0xd0: {  	v11 =	vld [tilespmem:s29+$0xC880]  }
0xd1: {  	v20 =	vld [tilespmem:s29+$0xC890]  }
0xd2: {  	v29 =	vld [tilespmem:s29+$0xC800]  }
0xd3: {  	v31 =	vld [tilespmem:s29+$0xC810]  }
0xd4: {  	v61 =	vld [tilespmem:s29+$0xC820]  }
0xd5: {  	v62 =	vld [tilespmem:s29+$0xC830]  }
0xd6: {  	v34 =	vld [tilespmem:s29+$0xC8A0]  }
0xd7: {  	v35 =	vld [tilespmem:s29+$0xC8B0]  }
0xd8: {  	v12 =	vimm.f32 $0.0e+00;
	v36 =	vld [tilespmem:s29+$0xC920]  }
0xd9: {  	v37 =	vld [tilespmem:s29+$0xC930];
	v29 =	vadd.f32 v29, v12;
	v31 =	vadd.f32 v31, v12  }
0xda: {  	v38 =	vld [tilespmem:s29+$0xC9A0];
	v32 =	vadd.f32 v61, v12;
	v33 =	vadd.f32 v62, v12  }
0xdb: {  	v39 =	vld [tilespmem:s29+$0xC9B0];
	v29 =	vadd.f32 v11, v29;
	v31 =	vadd.f32 v20, v31  }
0xdc: {  	v11 =	vld [tilespmem:s29+$0xCA50];
	v32 =	vadd.f32 v34, v32;
	v33 =	vadd.f32 v35, v33  }
0xdd: {  	v20 =	vld [tilespmem:s29+$0xC9C0];
	v29 =	vadd.f32 v25, v29;
	v31 =	vadd.f32 v26, v31  }
0xde: {  	v25 =	vld [tilespmem:s29+$0xC9D0];
	v32 =	vadd.f32 v36, v32;
	v33 =	vadd.f32 v37, v33  }
0xdf: {  	v26 =	vld [tilespmem:s29+$0xC940];
	v29 =	vadd.f32 v27, v29;
	v31 =	vadd.f32 v28, v31  }
0xe0: {  	v27 =	vld [tilespmem:s29+$0xC950];
	v32 =	vadd.f32 v38, v32;
	v33 =	vadd.f32 v39, v33  }
0xe1: {  	v28 =	vld [tilespmem:s29+$0xC8C0];
	v21 =	vadd.f32 v21, v29;
	v22 =	vadd.f32 v22, v31  }
0xe2: {  	v29 =	vld [tilespmem:s29+$0xC8D0];
	v23 =	vadd.f32 v23, v32;
	v63 =	vadd.f32 v30, v33  }
0xe3: {  	v30 =	vld [tilespmem:s29+$0xC840];
	v21 =	vadd.f32 v17, v21;
	v22 =	vadd.f32 v18, v22  }
0xe4: {  	v31 =	vld [tilespmem:s29+$0xC850];
	v23 =	vadd.f32 v19, v23;
	v24 =	vadd.f32 v24, v63  }
0xe5: {  	s30 =	simm.s32 $0x1000;
	v32 =	vld [tilespmem:s29+$0xC860];
	v19 =	vimm.f32 $0.0e+00;
	v18 =	vimm.f32 $0.0e+00;
	v17 =	vimm.f32 $0.0e+00  }
.LBB2_5:
0xe6: {  	p0 =	sne.s32 s30, $0x18000;
	v33 =	vld [tilespmem:s29+$0xC870];
	v14 =	vadd.f32 v14, v21;
	v16 =	vadd.f32 v16, v22  }
0xe7: {  	v34 =	vld [tilespmem:s29+$0xC8E0];
	v13 =	vadd.f32 v13, v23;
	v15 =	vadd.f32 v15, v24  }
0xe8: {  	v35 =	vld [tilespmem:s29+$0xC8F0];
	v21 =	vadd.f32 v6, v14;
	v22 =	vadd.f32 v7, v16  }
0xe9: {  	v6 =	vld [tilespmem:s29+$0xC960];
	v23 =	vadd.f32 v8, v13;
	v24 =	vadd.f32 v9, v15  }
0xea: {  	v7 =	vadd.f32 v30, v12;
	v8 =	vadd.f32 v31, v19;
	v9 =	vld [tilespmem:s29+$0xC970]  }
0xeb: {  	v12 =	vadd.f32 v32, v18;
	v13 =	vadd.f32 v33, v17;
	v14 =	vld [tilespmem:s29+$0xC9E0]  }
0xec: {  	v7 =	vadd.f32 v28, v7;
	v8 =	vadd.f32 v29, v8;
	v15 =	vld [tilespmem:s29+$0xC9F0]  }
0xed: {  	v12 =	vadd.f32 v34, v12;
	v13 =	vadd.f32 v35, v13;
	v16 =	vld [tilespmem:s29+$0xCA60]  }
0xee: {  	v7 =	vadd.f32 v26, v7;
	v8 =	vadd.f32 v27, v8;
	v17 =	vld [tilespmem:s29+$0xCA70]  }
0xef: {  	v6 =	vadd.f32 v6, v12;
	v9 =	vadd.f32 v9, v13;
	v12 =	vld [tilespmem:s29+$0xCAE0]  }
0xf0: {  	v7 =	vadd.f32 v20, v7;
	v8 =	vadd.f32 v25, v8;
	v13 =	vld [tilespmem:s29+$0xCAF0]  }
0xf1: {  	v6 =	vadd.f32 v14, v6;
	v9 =	vadd.f32 v15, v9;
	v14 =	vld [tilespmem:s29+$0xCB60]  }
0xf2: {  	v7 =	vadd.f32 v10, v7;
	v8 =	vadd.f32 v11, v8;
	v10 =	vld [tilespmem:s29+$0xCB70]  }
0xf3: {  	v11 =	vadd.f32 v16, v6;
	v9 =	vadd.f32 v17, v9;
	v15 =	vld [tilespmem:s29+$0xCBE0]  }
0xf4: {  	v4 =	vadd.f32 v4, v7;
	v5 =	vadd.f32 v5, v8;
	v16 =	vld [tilespmem:s29+$0xCBF0];
	s29 =	sshra.s32 s30, $0x2  }
0xf5: {  	v11 =	vadd.f32 v12, v11;
	v6 =	vld [tilespmem:s29+$0xCB80];
	v9 =	vadd.f32 v13, v9  }
0xf6: {  	v3 =	vadd.f32 v3, v4;
	v2 =	vadd.f32 v2, v5;
	v7 =	vld [tilespmem:s29+$0xCB90]  }
0xf7: {  	v4 =	vadd.f32 v14, v11;
	v8 =	vld [tilespmem:s29+$0xCBA0];
	v5 =	vadd.f32 v10, v9  }
0xf8: {  	v12 =	vadd.f32 v0, v3;
	v19 =	vadd.f32 v1, v2;
	v9 =	vld [tilespmem:s29+$0xCBB0]  }
0xf9: {  	v18 =	vadd.f32 v15, v4;
	v0 =	vld [tilespmem:s29+$0xCBC0];
	v17 =	vadd.f32 v16, v5  }
0xfa: {  	v1 =	vld [tilespmem:s29+$0xCBD0]  }
0xfb: {  	v14 =	vld [tilespmem:s29+$0xCB00]  }
0xfc: {  	v16 =	vld [tilespmem:s29+$0xCB10]  }
0xfd: {  	v13 =	vld [tilespmem:s29+$0xCB20]  }
0xfe: {  	v15 =	vld [tilespmem:s29+$0xCB30]  }
0xff: {  	v3 =	vld [tilespmem:s29+$0xCB40]  }
0x100: {  	v2 =	vld [tilespmem:s29+$0xCB50]  }
0x101: {  	v32 =	vld [tilespmem:s29+$0xCA80]  }
0x102: {  	v33 =	vld [tilespmem:s29+$0xCA90]  }
0x103: {  	v34 =	vld [tilespmem:s29+$0xCAA0]  }
0x104: {  	v35 =	vld [tilespmem:s29+$0xCAB0]  }
0x105: {  	v4 =	vld [tilespmem:s29+$0xCAC0]  }
0x106: {  	v5 =	vld [tilespmem:s29+$0xCAD0]  }
0x107: {  	v30 =	vld [tilespmem:s29+$0xCA00]  }
0x108: {  	v31 =	vld [tilespmem:s29+$0xCA10]  }
0x109: {  	v36 =	vld [tilespmem:s29+$0xCA20]  }
0x10a: {  	v37 =	vld [tilespmem:s29+$0xCA30]  }
0x10b: {  	v10 =	vld [tilespmem:s29+$0xCA40]  }
0x10c: {  	v11 =	vld [tilespmem:s29+$0xCA50]  }
0x10d: {  	v28 =	vld [tilespmem:s29+$0xC980]  }
0x10e: {  	v29 =	vld [tilespmem:s29+$0xC990]  }
0x10f: {  	v25 =	vld [tilespmem:s29+$0xC900]  }
0x110: {  	v26 =	vld [tilespmem:s29+$0xC910]  }
0x111: {  	v20 =	vld [tilespmem:s29+$0xC880]  }
0x112: {  	v27 =	vld [tilespmem:s29+$0xC890]  }
0x113: {  	v38 =	vld [tilespmem:s29+$0xC800]  }
0x114: {  	v39 =	vld [tilespmem:s29+$0xC810]  }
0x115: {  	v40 =	vld [tilespmem:s29+$0xC820]  }
0x116: {  	v41 =	vld [tilespmem:s29+$0xC830]  }
0x117: {  	v42 =	vld [tilespmem:s29+$0xC8A0]  }
0x118: {  	v43 =	vld [tilespmem:s29+$0xC8B0]  }
0x119: {  	v44 =	vld [tilespmem:s29+$0xC920]  }
0x11a: {  	v21 =	vadd.f32 v38, v21;
	v22 =	vadd.f32 v39, v22;
	v38 =	vld [tilespmem:s29+$0xC930]  }
0x11b: {  	v23 =	vadd.f32 v40, v23;
	v24 =	vadd.f32 v41, v24;
	v39 =	vld [tilespmem:s29+$0xC9A0]  }
0x11c: {  	v21 =	vadd.f32 v20, v21;
	v22 =	vadd.f32 v27, v22;
	v40 =	vld [tilespmem:s29+$0xC9B0]  }
0x11d: {  	v23 =	vadd.f32 v42, v23;
	v24 =	vadd.f32 v43, v24;
	v20 =	vld [tilespmem:s29+$0xC9C0]  }
0x11e: {  	v21 =	vadd.f32 v25, v21;
	v22 =	vadd.f32 v26, v22;
	v25 =	vld [tilespmem:s29+$0xC9D0]  }
0x11f: {  	v23 =	vadd.f32 v44, v23;
	v24 =	vadd.f32 v38, v24;
	v26 =	vld [tilespmem:s29+$0xC940]  }
0x120: {  	v21 =	vadd.f32 v28, v21;
	v22 =	vadd.f32 v29, v22;
	v27 =	vld [tilespmem:s29+$0xC950]  }
.Ltmp1:
0x121: {  	v23 =	vadd.f32 v39, v23;
	v28 =	vld [tilespmem:s29+$0xC8C0];
	v24 =	vadd.f32 v40, v24;
	(pc) =	sbr.rel @p0 .LBB2_5-.Ltmp1, $4  }
0x122: {  	v21 =	vadd.f32 v30, v21;
	v22 =	vadd.f32 v31, v22;
	v29 =	vld [tilespmem:s29+$0xC8D0]  }
0x123: {  	v23 =	vadd.f32 v36, v23;
	v30 =	vld [tilespmem:s29+$0xC840];
	v24 =	vadd.f32 v37, v24  }
0x124: {  	v21 =	vadd.f32 v32, v21;
	v22 =	vadd.f32 v33, v22;
	v31 =	vld [tilespmem:s29+$0xC850]  }
0x125: {  	s30 =	sadd.s32 $0x1000, s30;
	v23 =	vadd.f32 v34, v23;
	v32 =	vld [tilespmem:s29+$0xC860];
	v24 =	vadd.f32 v35, v24  }
0x126: {  	v14 =	vadd.f32 v14, v21;
	v16 =	vadd.f32 v16, v22  }
0x127: {  	v33 =	vld [tilespmem:s29+$0xC870];
	v13 =	vadd.f32 v13, v23;
	v15 =	vadd.f32 v15, v24  }
0x128: {  	v21 =	vld [tilespmem:s29+$0xC8E0];
	v6 =	vadd.f32 v6, v14;
	v7 =	vadd.f32 v7, v16  }
0x129: {  	v22 =	vld [tilespmem:s29+$0xC8F0];
	v12 =	vadd.f32 v30, v12;
	v8 =	vadd.f32 v8, v13  }
0x12a: {  	v14 =	vld [tilespmem:s29+$0xC960];
	v9 =	vadd.f32 v9, v15;
	v13 =	vadd.f32 v31, v19  }
0x12b: {  	v15 =	vld [tilespmem:s29+$0xC970];
	v16 =	vadd.f32 v32, v18;
	v12 =	vadd.f32 v28, v12  }
0x12c: {  	v18 =	vld [tilespmem:s29+$0xC9E0];
	v17 =	vadd.f32 v33, v17;
	v13 =	vadd.f32 v29, v13  }
0x12d: {  	v19 =	vld [tilespmem:s29+$0xC9F0];
	v16 =	vadd.f32 v21, v16;
	v12 =	vadd.f32 v26, v12  }
0x12e: {  	v21 =	vld [tilespmem:s29+$0xCA60];
	v17 =	vadd.f32 v22, v17;
	v13 =	vadd.f32 v27, v13  }
0x12f: {  	v22 =	vld [tilespmem:s29+$0xCA70];
	v14 =	vadd.f32 v14, v16;
	v12 =	vadd.f32 v20, v12  }
0x130: {  	v16 =	vld [tilespmem:s29+$0xCAE0];
	v15 =	vadd.f32 v15, v17;
	v13 =	vadd.f32 v25, v13  }
0x131: {  	v17 =	vld [tilespmem:s29+$0xCAF0];
	v14 =	vadd.f32 v18, v14;
	v10 =	vadd.f32 v10, v12  }
0x132: {  	v18 =	vld [tilespmem:s29+$0xCB60];
	v12 =	vadd.f32 v19, v15;
	v11 =	vadd.f32 v11, v13  }
0x133: {  	v13 =	vld [tilespmem:s29+$0xCB70];
	v14 =	vadd.f32 v21, v14;
	v4 =	vadd.f32 v4, v10  }
0x134: {  	v15 =	vld [tilespmem:s29+$0xCBE0];
	v10 =	vadd.f32 v22, v12;
	v5 =	vadd.f32 v5, v11  }
0x135: {  	v11 =	vld [tilespmem:s29+$0xCBF0];
	[tilespmem:s26+$0x19080] =	vst v6;
	v12 =	vadd.f32 v16, v14;
	v3 =	vadd.f32 v3, v4  }
0x136: {  	[tilespmem:s26+$0x19090] =	vst v7;
	v4 =	vadd.f32 v17, v10;
	v2 =	vadd.f32 v2, v5  }
0x137: {  	[tilespmem:s26+$0x190A0] =	vst v8;
	v5 =	vadd.f32 v18, v12;
	v0 =	vadd.f32 v0, v3  }
0x138: {  	[tilespmem:s26+$0x190B0] =	vst v9;
	v3 =	vadd.f32 v13, v4;
	v1 =	vadd.f32 v1, v2  }
0x139: {  	v2 =	vadd.f32 v15, v5;
	[tilespmem:s26+$0x190C0] =	vst v0  }
0x13a: {  	v0 =	vadd.f32 v11, v3;
	[tilespmem:s26+$0x190D0] =	vst v1  }
0x13b: {  	[tilespmem:s26+$0x190E0] =	vst v2  }
0x13c: {  	s29 =	sadd.s32 $0x320, s28;
	[tilespmem:s26+$0x190F0] =	vst v0  }
0x13d: {  	[tilespmem:s13], [sflag:$0x2] =	stream.indirect.gather [hbm4b:s2+s8], $0x80, s29, s8, $0xb8;
	[tilespmem:$0x1D000] =	vst v63  }
0x13e: {  	s28 =	sadd.s32 $0x388, s28  }
0x13f: {  	[tilespmem:s15], [sflag:$0x2] =	stream.indirect.gather [hbm4b:s2+s10], $0x80, s28, s10, $0xb8;
	[tilespmem:$0x1D000] =	vst v63  }
0x140: {  	_ =	swait.ge [sflag:s22], $0x3400  }
0x141: {  	[sflag:s22] =	ssyncset.done $0x0  }
0x142: {  	[sflag:s22] =	ssyncadd.s32 $0xFFFFCC00  }
0x143: {  	_ =	swait.ge [sflag:s22], $0x3000  }
0x144: {  	[sflag:s22] =	ssyncset.done $0x0  }
0x145: {  	s28 =	simm.s32 $0x0;
	[sflag:s22] =	ssyncadd.s32 $0xFFFFD000  }
0x146: {  	v6 =	vld [tilespmem:s28+$0x12F80]  }
0x147: {  	v7 =	vld [tilespmem:s28+$0x12F90]  }
0x148: {  	v8 =	vld [tilespmem:s28+$0x12FA0]  }
0x149: {  	v9 =	vld [tilespmem:s28+$0x12FB0]  }
0x14a: {  	v0 =	vld [tilespmem:s28+$0x12FC0]  }
0x14b: {  	v1 =	vld [tilespmem:s28+$0x12FD0]  }
0x14c: {  	v14 =	vld [tilespmem:s28+$0x12F00]  }
0x14d: {  	v16 =	vld [tilespmem:s28+$0x12F10]  }
0x14e: {  	v13 =	vld [tilespmem:s28+$0x12F20]  }
0x14f: {  	v15 =	vld [tilespmem:s28+$0x12F30]  }
0x150: {  	v3 =	vld [tilespmem:s28+$0x12F40]  }
0x151: {  	v2 =	vld [tilespmem:s28+$0x12F50]  }
0x152: {  	v17 =	vld [tilespmem:s28+$0x12E80]  }
0x153: {  	v18 =	vld [tilespmem:s28+$0x12E90]  }
0x154: {  	v19 =	vld [tilespmem:s28+$0x12EA0]  }
0x155: {  	v24 =	vld [tilespmem:s28+$0x12EB0]  }
0x156: {  	v4 =	vld [tilespmem:s28+$0x12EC0]  }
0x157: {  	v5 =	vld [tilespmem:s28+$0x12ED0]  }
0x158: {  	v21 =	vld [tilespmem:s28+$0x12E00]  }
0x159: {  	v22 =	vld [tilespmem:s28+$0x12E10]  }
0x15a: {  	v23 =	vld [tilespmem:s28+$0x12E20]  }
0x15b: {  	v30 =	vld [tilespmem:s28+$0x12E30]  }
0x15c: {  	v10 =	vld [tilespmem:s28+$0x12E40]  }
0x15d: {  	v27 =	vld [tilespmem:s28+$0x12D80]  }
0x15e: {  	v28 =	vld [tilespmem:s28+$0x12D90]  }
0x15f: {  	v25 =	vld [tilespmem:s28+$0x12D00]  }
0x160: {  	v26 =	vld [tilespmem:s28+$0x12D10]  }
0x161: {  	v11 =	vld [tilespmem:s28+$0x12C80]  }
0x162: {  	v20 =	vld [tilespmem:s28+$0x12C90]  }
0x163: {  	v29 =	vld [tilespmem:s28+$0x12C00]  }
0x164: {  	v31 =	vld [tilespmem:s28+$0x12C10]  }
0x165: {  	v61 =	vld [tilespmem:s28+$0x12C20]  }
0x166: {  	v62 =	vld [tilespmem:s28+$0x12C30]  }
0x167: {  	v34 =	vld [tilespmem:s28+$0x12CA0]  }
0x168: {  	v35 =	vld [tilespmem:s28+$0x12CB0]  }
0x169: {  	v12 =	vimm.f32 $0.0e+00;
	v36 =	vld [tilespmem:s28+$0x12D20]  }
0x16a: {  	v37 =	vld [tilespmem:s28+$0x12D30];
	v29 =	vadd.f32 v29, v12;
	v31 =	vadd.f32 v31, v12  }
0x16b: {  	v38 =	vld [tilespmem:s28+$0x12DA0];
	v32 =	vadd.f32 v61, v12;
	v33 =	vadd.f32 v62, v12  }
0x16c: {  	v39 =	vld [tilespmem:s28+$0x12DB0];
	v29 =	vadd.f32 v11, v29;
	v31 =	vadd.f32 v20, v31  }
0x16d: {  	v11 =	vld [tilespmem:s28+$0x12E50];
	v32 =	vadd.f32 v34, v32;
	v33 =	vadd.f32 v35, v33  }
0x16e: {  	v20 =	vld [tilespmem:s28+$0x12DC0];
	v29 =	vadd.f32 v25, v29;
	v31 =	vadd.f32 v26, v31  }
0x16f: {  	v25 =	vld [tilespmem:s28+$0x12DD0];
	v32 =	vadd.f32 v36, v32;
	v33 =	vadd.f32 v37, v33  }
0x170: {  	v26 =	vld [tilespmem:s28+$0x12D40];
	v29 =	vadd.f32 v27, v29;
	v31 =	vadd.f32 v28, v31  }
0x171: {  	v27 =	vld [tilespmem:s28+$0x12D50];
	v32 =	vadd.f32 v38, v32;
	v33 =	vadd.f32 v39, v33  }
0x172: {  	v28 =	vld [tilespmem:s28+$0x12CC0];
	v21 =	vadd.f32 v21, v29;
	v22 =	vadd.f32 v22, v31  }
0x173: {  	v29 =	vld [tilespmem:s28+$0x12CD0];
	v23 =	vadd.f32 v23, v32;
	v63 =	vadd.f32 v30, v33  }
0x174: {  	v30 =	vld [tilespmem:s28+$0x12C40];
	v21 =	vadd.f32 v17, v21;
	v22 =	vadd.f32 v18, v22  }
0x175: {  	v31 =	vld [tilespmem:s28+$0x12C50];
	v23 =	vadd.f32 v19, v23;
	v24 =	vadd.f32 v24, v63  }
0x176: {  	s29 =	simm.s32 $0x1000;
	v32 =	vld [tilespmem:s28+$0x12C60];
	v19 =	vimm.f32 $0.0e+00;
	v18 =	vimm.f32 $0.0e+00;
	v17 =	vimm.f32 $0.0e+00  }
.LBB2_7:
0x177: {  	p0 =	sne.s32 s29, $0x18000;
	v33 =	vld [tilespmem:s28+$0x12C70];
	v14 =	vadd.f32 v14, v21;
	v16 =	vadd.f32 v16, v22  }
0x178: {  	v34 =	vld [tilespmem:s28+$0x12CE0];
	v13 =	vadd.f32 v13, v23;
	v15 =	vadd.f32 v15, v24  }
0x179: {  	v35 =	vld [tilespmem:s28+$0x12CF0];
	v21 =	vadd.f32 v6, v14;
	v22 =	vadd.f32 v7, v16  }
0x17a: {  	v6 =	vld [tilespmem:s28+$0x12D60];
	v23 =	vadd.f32 v8, v13;
	v24 =	vadd.f32 v9, v15  }
0x17b: {  	v7 =	vadd.f32 v30, v12;
	v8 =	vadd.f32 v31, v19;
	v9 =	vld [tilespmem:s28+$0x12D70]  }
0x17c: {  	v12 =	vadd.f32 v32, v18;
	v13 =	vadd.f32 v33, v17;
	v14 =	vld [tilespmem:s28+$0x12DE0]  }
0x17d: {  	v7 =	vadd.f32 v28, v7;
	v8 =	vadd.f32 v29, v8;
	v15 =	vld [tilespmem:s28+$0x12DF0]  }
0x17e: {  	v12 =	vadd.f32 v34, v12;
	v13 =	vadd.f32 v35, v13;
	v16 =	vld [tilespmem:s28+$0x12E60]  }
0x17f: {  	v7 =	vadd.f32 v26, v7;
	v8 =	vadd.f32 v27, v8;
	v17 =	vld [tilespmem:s28+$0x12E70]  }
0x180: {  	v6 =	vadd.f32 v6, v12;
	v9 =	vadd.f32 v9, v13;
	v12 =	vld [tilespmem:s28+$0x12EE0]  }
0x181: {  	v7 =	vadd.f32 v20, v7;
	v8 =	vadd.f32 v25, v8;
	v13 =	vld [tilespmem:s28+$0x12EF0]  }
0x182: {  	v6 =	vadd.f32 v14, v6;
	v9 =	vadd.f32 v15, v9;
	v14 =	vld [tilespmem:s28+$0x12F60]  }
0x183: {  	v7 =	vadd.f32 v10, v7;
	v8 =	vadd.f32 v11, v8;
	v10 =	vld [tilespmem:s28+$0x12F70]  }
0x184: {  	v11 =	vadd.f32 v16, v6;
	v9 =	vadd.f32 v17, v9;
	v15 =	vld [tilespmem:s28+$0x12FE0]  }
0x185: {  	v4 =	vadd.f32 v4, v7;
	v5 =	vadd.f32 v5, v8;
	v16 =	vld [tilespmem:s28+$0x12FF0];
	s28 =	sshra.s32 s29, $0x2  }
0x186: {  	v11 =	vadd.f32 v12, v11;
	v6 =	vld [tilespmem:s28+$0x12F80];
	v9 =	vadd.f32 v13, v9  }
0x187: {  	v3 =	vadd.f32 v3, v4;
	v2 =	vadd.f32 v2, v5;
	v7 =	vld [tilespmem:s28+$0x12F90]  }
0x188: {  	v4 =	vadd.f32 v14, v11;
	v8 =	vld [tilespmem:s28+$0x12FA0];
	v5 =	vadd.f32 v10, v9  }
0x189: {  	v12 =	vadd.f32 v0, v3;
	v19 =	vadd.f32 v1, v2;
	v9 =	vld [tilespmem:s28+$0x12FB0]  }
0x18a: {  	v18 =	vadd.f32 v15, v4;
	v0 =	vld [tilespmem:s28+$0x12FC0];
	v17 =	vadd.f32 v16, v5  }
0x18b: {  	v1 =	vld [tilespmem:s28+$0x12FD0]  }
0x18c: {  	v14 =	vld [tilespmem:s28+$0x12F00]  }
0x18d: {  	v16 =	vld [tilespmem:s28+$0x12F10]  }
0x18e: {  	v13 =	vld [tilespmem:s28+$0x12F20]  }
0x18f: {  	v15 =	vld [tilespmem:s28+$0x12F30]  }
0x190: {  	v3 =	vld [tilespmem:s28+$0x12F40]  }
0x191: {  	v2 =	vld [tilespmem:s28+$0x12F50]  }
0x192: {  	v32 =	vld [tilespmem:s28+$0x12E80]  }
0x193: {  	v33 =	vld [tilespmem:s28+$0x12E90]  }
0x194: {  	v34 =	vld [tilespmem:s28+$0x12EA0]  }
0x195: {  	v35 =	vld [tilespmem:s28+$0x12EB0]  }
0x196: {  	v4 =	vld [tilespmem:s28+$0x12EC0]  }
0x197: {  	v5 =	vld [tilespmem:s28+$0x12ED0]  }
0x198: {  	v30 =	vld [tilespmem:s28+$0x12E00]  }
0x199: {  	v31 =	vld [tilespmem:s28+$0x12E10]  }
0x19a: {  	v36 =	vld [tilespmem:s28+$0x12E20]  }
0x19b: {  	v37 =	vld [tilespmem:s28+$0x12E30]  }
0x19c: {  	v10 =	vld [tilespmem:s28+$0x12E40]  }
0x19d: {  	v11 =	vld [tilespmem:s28+$0x12E50]  }
0x19e: {  	v28 =	vld [tilespmem:s28+$0x12D80]  }
0x19f: {  	v29 =	vld [tilespmem:s28+$0x12D90]  }
0x1a0: {  	v25 =	vld [tilespmem:s28+$0x12D00]  }
0x1a1: {  	v26 =	vld [tilespmem:s28+$0x12D10]  }
0x1a2: {  	v20 =	vld [tilespmem:s28+$0x12C80]  }
0x1a3: {  	v27 =	vld [tilespmem:s28+$0x12C90]  }
0x1a4: {  	v38 =	vld [tilespmem:s28+$0x12C00]  }
0x1a5: {  	v39 =	vld [tilespmem:s28+$0x12C10]  }
0x1a6: {  	v40 =	vld [tilespmem:s28+$0x12C20]  }
0x1a7: {  	v41 =	vld [tilespmem:s28+$0x12C30]  }
0x1a8: {  	v42 =	vld [tilespmem:s28+$0x12CA0]  }
0x1a9: {  	v43 =	vld [tilespmem:s28+$0x12CB0]  }
0x1aa: {  	v44 =	vld [tilespmem:s28+$0x12D20]  }
0x1ab: {  	v21 =	vadd.f32 v38, v21;
	v22 =	vadd.f32 v39, v22;
	v38 =	vld [tilespmem:s28+$0x12D30]  }
0x1ac: {  	v23 =	vadd.f32 v40, v23;
	v24 =	vadd.f32 v41, v24;
	v39 =	vld [tilespmem:s28+$0x12DA0]  }
0x1ad: {  	v21 =	vadd.f32 v20, v21;
	v22 =	vadd.f32 v27, v22;
	v40 =	vld [tilespmem:s28+$0x12DB0]  }
0x1ae: {  	v23 =	vadd.f32 v42, v23;
	v24 =	vadd.f32 v43, v24;
	v20 =	vld [tilespmem:s28+$0x12DC0]  }
0x1af: {  	v21 =	vadd.f32 v25, v21;
	v22 =	vadd.f32 v26, v22;
	v25 =	vld [tilespmem:s28+$0x12DD0]  }
0x1b0: {  	v23 =	vadd.f32 v44, v23;
	v24 =	vadd.f32 v38, v24;
	v26 =	vld [tilespmem:s28+$0x12D40]  }
0x1b1: {  	v21 =	vadd.f32 v28, v21;
	v22 =	vadd.f32 v29, v22;
	v27 =	vld [tilespmem:s28+$0x12D50]  }
.Ltmp2:
0x1b2: {  	v23 =	vadd.f32 v39, v23;
	v28 =	vld [tilespmem:s28+$0x12CC0];
	v24 =	vadd.f32 v40, v24;
	(pc) =	sbr.rel @p0 .LBB2_7-.Ltmp2, $4  }
0x1b3: {  	v21 =	vadd.f32 v30, v21;
	v22 =	vadd.f32 v31, v22;
	v29 =	vld [tilespmem:s28+$0x12CD0]  }
0x1b4: {  	v23 =	vadd.f32 v36, v23;
	v30 =	vld [tilespmem:s28+$0x12C40];
	v24 =	vadd.f32 v37, v24  }
0x1b5: {  	v21 =	vadd.f32 v32, v21;
	v22 =	vadd.f32 v33, v22;
	v31 =	vld [tilespmem:s28+$0x12C50]  }
0x1b6: {  	s29 =	sadd.s32 $0x1000, s29;
	v23 =	vadd.f32 v34, v23;
	v32 =	vld [tilespmem:s28+$0x12C60];
	v24 =	vadd.f32 v35, v24  }
0x1b7: {  	v14 =	vadd.f32 v14, v21;
	v16 =	vadd.f32 v16, v22  }
0x1b8: {  	v33 =	vld [tilespmem:s28+$0x12C70];
	v13 =	vadd.f32 v13, v23;
	v15 =	vadd.f32 v15, v24  }
0x1b9: {  	v40 =	vld [tilespmem:s28+$0x12CE0];
	v6 =	vadd.f32 v6, v14;
	v7 =	vadd.f32 v7, v16  }
0x1ba: {  	v41 =	vld [tilespmem:s28+$0x12CF0];
	v12 =	vadd.f32 v30, v12;
	v8 =	vadd.f32 v8, v13  }
0x1bb: {  	v42 =	vld [tilespmem:s28+$0x12D60];
	v9 =	vadd.f32 v9, v15;
	v43 =	vadd.f32 v31, v19  }
0x1bc: {  	v44 =	vld [tilespmem:s28+$0x12D70];
	v45 =	vadd.f32 v32, v18;
	v12 =	vadd.f32 v28, v12  }
0x1bd: {  	v46 =	vld [tilespmem:s28+$0x12DE0];
	v17 =	vadd.f32 v33, v17;
	v13 =	vadd.f32 v29, v43  }
0x1be: {  	v47 =	vld [tilespmem:s28+$0x12DF0];
	v16 =	vadd.f32 v40, v45;
	v12 =	vadd.f32 v26, v12  }
0x1bf: {  	v48 =	vld [tilespmem:s28+$0x12E60];
	v17 =	vadd.f32 v41, v17;
	v13 =	vadd.f32 v27, v13  }
0x1c0: {  	v49 =	vld [tilespmem:s28+$0x12E70];
	v14 =	vadd.f32 v42, v16;
	v12 =	vadd.f32 v20, v12  }
0x1c1: {  	v50 =	vld [tilespmem:s28+$0x12EE0];
	v15 =	vadd.f32 v44, v17;
	v13 =	vadd.f32 v25, v13  }
0x1c2: {  	v51 =	vld [tilespmem:s28+$0x12EF0];
	v14 =	vadd.f32 v46, v14;
	v10 =	vadd.f32 v10, v12  }
0x1c3: {  	v52 =	vld [tilespmem:s28+$0x12F60];
	v53 =	vadd.f32 v47, v15;
	v11 =	vadd.f32 v11, v13  }
0x1c4: {  	v54 =	vld [tilespmem:s28+$0x12F70];
	v14 =	vadd.f32 v48, v14;
	v4 =	vadd.f32 v4, v10  }
0x1c5: {  	v55 =	vld [tilespmem:s28+$0x12FE0];
	v56 =	vadd.f32 v49, v53;
	v5 =	vadd.f32 v5, v11  }
0x1c6: {  	v57 =	vld [tilespmem:s28+$0x12FF0];
	[tilespmem:s26+$0x19100] =	vst v6;
	v58 =	vadd.f32 v50, v14;
	v3 =	vadd.f32 v3, v4  }
0x1c7: {  	s29 =	smul.u32 $0x3, s25;
	[tilespmem:s26+$0x19110] =	vst v7;
	v59 =	vadd.f32 v51, v56;
	v2 =	vadd.f32 v2, v5  }
0x1c8: {  	[tilespmem:s26+$0x19120] =	vst v8;
	v60 =	vadd.f32 v52, v58;
	v0 =	vadd.f32 v0, v3  }
0x1c9: {  	s28 =	smin.u32 s29, $0x7A;
	[tilespmem:s26+$0x19130] =	vst v9;
	v61 =	vadd.f32 v54, v59;
	v1 =	vadd.f32 v1, v2  }
0x1ca: {  	s25 =	sadd.s32 $0x1, s25;
	s28 =	smul.u32 $0x320, s28;
	v62 =	vadd.f32 v55, v60;
	[tilespmem:s26+$0x19140] =	vst v0  }
0x1cb: {  	p0 =	sne.s32 s25, $0x2A;
	v63 =	vadd.f32 v57, v61;
	[tilespmem:s26+$0x19150] =	vst v1  }
.Ltmp3:
0x1cc: {  	s28 =	sshrl.u32 s28, $0x2;
	[tilespmem:s26+$0x19160] =	vst v62;
	(pc) =	sbr.rel @p0 .LBB2_2-.Ltmp3, $4  }
0x1cd: {  	s30 =	sadd.s32 $0x3E8, s28;
	[tilespmem:s26+$0x19170] =	vst v63  }
0x1ce: {  	[tilespmem:s17], [sflag:$0x3] =	stream.indirect.gather [hbm4b:s2+s8], $0x80, s30, s8, $0xb8;
	[tilespmem:$0x1D000] =	vst v63  }
0x1cf: {  	s31 =	sadd.s32 $0x450, s28  }
0x1d0: {  	[tilespmem:s19], [sflag:$0x3] =	stream.indirect.gather [hbm4b:s2+s10], $0x80, s31, s10, $0xb8;
	[tilespmem:$0x1D000] =	vst v63  }
0x1d1: {  	_ =	swait.ge [sflag:s20], $0x3400  }
0x1d2: {  	[sflag:s20] =	ssyncset.done $0x0  }
0x1d3: {  	[sflag:s20] =	ssyncadd.s32 $0xFFFFCC00  }
0x1d4: {  	_ =	swait.ge [sflag:s20], $0x3000  }
0x1d5: {  	[sflag:s20] =	ssyncset.done $0x0  }
0x1d6: {  	s25 =	simm.s32 $0x0;
	[sflag:s20] =	ssyncadd.s32 $0xFFFFD000  }
0x1d7: {  	v6 =	vld [tilespmem:s25+$0x6780]  }
0x1d8: {  	v7 =	vld [tilespmem:s25+$0x6790]  }
0x1d9: {  	v8 =	vld [tilespmem:s25+$0x67A0]  }
0x1da: {  	v9 =	vld [tilespmem:s25+$0x67B0]  }
0x1db: {  	v0 =	vld [tilespmem:s25+$0x67C0]  }
0x1dc: {  	v1 =	vld [tilespmem:s25+$0x67D0]  }
0x1dd: {  	v14 =	vld [tilespmem:s25+$0x6700]  }
0x1de: {  	v16 =	vld [tilespmem:s25+$0x6710]  }
0x1df: {  	v13 =	vld [tilespmem:s25+$0x6720]  }
0x1e0: {  	v15 =	vld [tilespmem:s25+$0x6730]  }
0x1e1: {  	v3 =	vld [tilespmem:s25+$0x6740]  }
0x1e2: {  	v2 =	vld [tilespmem:s25+$0x6750]  }
0x1e3: {  	v17 =	vld [tilespmem:s25+$0x6680]  }
0x1e4: {  	v18 =	vld [tilespmem:s25+$0x6690]  }
0x1e5: {  	v19 =	vld [tilespmem:s25+$0x66A0]  }
0x1e6: {  	v24 =	vld [tilespmem:s25+$0x66B0]  }
0x1e7: {  	v4 =	vld [tilespmem:s25+$0x66C0]  }
0x1e8: {  	v5 =	vld [tilespmem:s25+$0x66D0]  }
0x1e9: {  	v21 =	vld [tilespmem:s25+$0x6600]  }
0x1ea: {  	v22 =	vld [tilespmem:s25+$0x6610]  }
0x1eb: {  	v23 =	vld [tilespmem:s25+$0x6620]  }
0x1ec: {  	v30 =	vld [tilespmem:s25+$0x6630]  }
0x1ed: {  	v10 =	vld [tilespmem:s25+$0x6640]  }
0x1ee: {  	v27 =	vld [tilespmem:s25+$0x6580]  }
0x1ef: {  	v28 =	vld [tilespmem:s25+$0x6590]  }
0x1f0: {  	v25 =	vld [tilespmem:s25+$0x6500]  }
0x1f1: {  	v26 =	vld [tilespmem:s25+$0x6510]  }
0x1f2: {  	v11 =	vld [tilespmem:s25+$0x6480]  }
0x1f3: {  	v20 =	vld [tilespmem:s25+$0x6490]  }
0x1f4: {  	v29 =	vld [tilespmem:s25+$0x6400]  }
0x1f5: {  	v31 =	vld [tilespmem:s25+$0x6410]  }
0x1f6: {  	v32 =	vld [tilespmem:s25+$0x6420]  }
0x1f7: {  	v33 =	vld [tilespmem:s25+$0x6430]  }
0x1f8: {  	v34 =	vld [tilespmem:s25+$0x64A0]  }
0x1f9: {  	v35 =	vld [tilespmem:s25+$0x64B0]  }
0x1fa: {  	v12 =	vimm.f32 $0.0e+00;
	v36 =	vld [tilespmem:s25+$0x6520]  }
0x1fb: {  	v37 =	vld [tilespmem:s25+$0x6530];
	v29 =	vadd.f32 v29, v12;
	v31 =	vadd.f32 v31, v12  }
0x1fc: {  	v38 =	vld [tilespmem:s25+$0x65A0];
	v32 =	vadd.f32 v32, v12;
	v33 =	vadd.f32 v33, v12  }
0x1fd: {  	v39 =	vld [tilespmem:s25+$0x65B0];
	v29 =	vadd.f32 v11, v29;
	v31 =	vadd.f32 v20, v31  }
0x1fe: {  	v11 =	vld [tilespmem:s25+$0x6650];
	v32 =	vadd.f32 v34, v32;
	v33 =	vadd.f32 v35, v33  }
0x1ff: {  	v20 =	vld [tilespmem:s25+$0x65C0];
	v29 =	vadd.f32 v25, v29;
	v31 =	vadd.f32 v26, v31  }
0x200: {  	v25 =	vld [tilespmem:s25+$0x65D0];
	v32 =	vadd.f32 v36, v32;
	v33 =	vadd.f32 v37, v33  }
0x201: {  	v26 =	vld [tilespmem:s25+$0x6540];
	v29 =	vadd.f32 v27, v29;
	v31 =	vadd.f32 v28, v31  }
0x202: {  	v27 =	vld [tilespmem:s25+$0x6550];
	v32 =	vadd.f32 v38, v32;
	v33 =	vadd.f32 v39, v33  }
0x203: {  	v28 =	vld [tilespmem:s25+$0x64C0];
	v21 =	vadd.f32 v21, v29;
	v22 =	vadd.f32 v22, v31  }
0x204: {  	v29 =	vld [tilespmem:s25+$0x64D0];
	v23 =	vadd.f32 v23, v32;
	v63 =	vadd.f32 v30, v33  }
0x205: {  	v30 =	vld [tilespmem:s25+$0x6440];
	v21 =	vadd.f32 v17, v21;
	v22 =	vadd.f32 v18, v22  }
0x206: {  	v31 =	vld [tilespmem:s25+$0x6450];
	v23 =	vadd.f32 v19, v23;
	v24 =	vadd.f32 v24, v63  }
0x207: {  	s26 =	simm.s32 $0x1000;
	v32 =	vld [tilespmem:s25+$0x6460];
	v19 =	vimm.f32 $0.0e+00;
	v18 =	vimm.f32 $0.0e+00;
	v17 =	vimm.f32 $0.0e+00  }
.LBB2_10:
0x208: {  	p0 =	sne.s32 s26, $0x18000;
	v33 =	vld [tilespmem:s25+$0x6470];
	v14 =	vadd.f32 v14, v21;
	v16 =	vadd.f32 v16, v22  }
0x209: {  	v34 =	vld [tilespmem:s25+$0x64E0];
	v13 =	vadd.f32 v13, v23;
	v15 =	vadd.f32 v15, v24  }
0x20a: {  	v35 =	vld [tilespmem:s25+$0x64F0];
	v21 =	vadd.f32 v6, v14;
	v22 =	vadd.f32 v7, v16  }
0x20b: {  	v6 =	vld [tilespmem:s25+$0x6560];
	v23 =	vadd.f32 v8, v13;
	v24 =	vadd.f32 v9, v15  }
0x20c: {  	v7 =	vadd.f32 v30, v12;
	v8 =	vadd.f32 v31, v19;
	v9 =	vld [tilespmem:s25+$0x6570]  }
0x20d: {  	v12 =	vadd.f32 v32, v18;
	v13 =	vadd.f32 v33, v17;
	v14 =	vld [tilespmem:s25+$0x65E0]  }
0x20e: {  	v7 =	vadd.f32 v28, v7;
	v8 =	vadd.f32 v29, v8;
	v15 =	vld [tilespmem:s25+$0x65F0]  }
0x20f: {  	v12 =	vadd.f32 v34, v12;
	v13 =	vadd.f32 v35, v13;
	v16 =	vld [tilespmem:s25+$0x6660]  }
0x210: {  	v7 =	vadd.f32 v26, v7;
	v8 =	vadd.f32 v27, v8;
	v17 =	vld [tilespmem:s25+$0x6670]  }
0x211: {  	v6 =	vadd.f32 v6, v12;
	v9 =	vadd.f32 v9, v13;
	v12 =	vld [tilespmem:s25+$0x66E0]  }
0x212: {  	v7 =	vadd.f32 v20, v7;
	v8 =	vadd.f32 v25, v8;
	v13 =	vld [tilespmem:s25+$0x66F0]  }
0x213: {  	v6 =	vadd.f32 v14, v6;
	v9 =	vadd.f32 v15, v9;
	v14 =	vld [tilespmem:s25+$0x6760]  }
0x214: {  	v7 =	vadd.f32 v10, v7;
	v8 =	vadd.f32 v11, v8;
	v10 =	vld [tilespmem:s25+$0x6770]  }
0x215: {  	v11 =	vadd.f32 v16, v6;
	v9 =	vadd.f32 v17, v9;
	v15 =	vld [tilespmem:s25+$0x67E0]  }
0x216: {  	v4 =	vadd.f32 v4, v7;
	v5 =	vadd.f32 v5, v8;
	v16 =	vld [tilespmem:s25+$0x67F0];
	s25 =	sshra.s32 s26, $0x2  }
0x217: {  	v11 =	vadd.f32 v12, v11;
	v6 =	vld [tilespmem:s25+$0x6780];
	v9 =	vadd.f32 v13, v9  }
0x218: {  	v3 =	vadd.f32 v3, v4;
	v2 =	vadd.f32 v2, v5;
	v7 =	vld [tilespmem:s25+$0x6790]  }
0x219: {  	v4 =	vadd.f32 v14, v11;
	v8 =	vld [tilespmem:s25+$0x67A0];
	v5 =	vadd.f32 v10, v9  }
0x21a: {  	v12 =	vadd.f32 v0, v3;
	v19 =	vadd.f32 v1, v2;
	v9 =	vld [tilespmem:s25+$0x67B0]  }
0x21b: {  	v18 =	vadd.f32 v15, v4;
	v0 =	vld [tilespmem:s25+$0x67C0];
	v17 =	vadd.f32 v16, v5  }
0x21c: {  	v1 =	vld [tilespmem:s25+$0x67D0]  }
0x21d: {  	v14 =	vld [tilespmem:s25+$0x6700]  }
0x21e: {  	v16 =	vld [tilespmem:s25+$0x6710]  }
0x21f: {  	v13 =	vld [tilespmem:s25+$0x6720]  }
0x220: {  	v15 =	vld [tilespmem:s25+$0x6730]  }
0x221: {  	v3 =	vld [tilespmem:s25+$0x6740]  }
0x222: {  	v2 =	vld [tilespmem:s25+$0x6750]  }
0x223: {  	v32 =	vld [tilespmem:s25+$0x6680]  }
0x224: {  	v33 =	vld [tilespmem:s25+$0x6690]  }
0x225: {  	v34 =	vld [tilespmem:s25+$0x66A0]  }
0x226: {  	v35 =	vld [tilespmem:s25+$0x66B0]  }
0x227: {  	v4 =	vld [tilespmem:s25+$0x66C0]  }
0x228: {  	v5 =	vld [tilespmem:s25+$0x66D0]  }
0x229: {  	v30 =	vld [tilespmem:s25+$0x6600]  }
0x22a: {  	v31 =	vld [tilespmem:s25+$0x6610]  }
0x22b: {  	v36 =	vld [tilespmem:s25+$0x6620]  }
0x22c: {  	v37 =	vld [tilespmem:s25+$0x6630]  }
0x22d: {  	v10 =	vld [tilespmem:s25+$0x6640]  }
0x22e: {  	v11 =	vld [tilespmem:s25+$0x6650]  }
0x22f: {  	v28 =	vld [tilespmem:s25+$0x6580]  }
0x230: {  	v29 =	vld [tilespmem:s25+$0x6590]  }
0x231: {  	v25 =	vld [tilespmem:s25+$0x6500]  }
0x232: {  	v26 =	vld [tilespmem:s25+$0x6510]  }
0x233: {  	v20 =	vld [tilespmem:s25+$0x6480]  }
0x234: {  	v27 =	vld [tilespmem:s25+$0x6490]  }
0x235: {  	v38 =	vld [tilespmem:s25+$0x6400]  }
0x236: {  	v39 =	vld [tilespmem:s25+$0x6410]  }
0x237: {  	v40 =	vld [tilespmem:s25+$0x6420]  }
0x238: {  	v41 =	vld [tilespmem:s25+$0x6430]  }
0x239: {  	v42 =	vld [tilespmem:s25+$0x64A0]  }
0x23a: {  	v43 =	vld [tilespmem:s25+$0x64B0]  }
0x23b: {  	v44 =	vld [tilespmem:s25+$0x6520]  }
0x23c: {  	v21 =	vadd.f32 v38, v21;
	v22 =	vadd.f32 v39, v22;
	v38 =	vld [tilespmem:s25+$0x6530]  }
0x23d: {  	v23 =	vadd.f32 v40, v23;
	v24 =	vadd.f32 v41, v24;
	v39 =	vld [tilespmem:s25+$0x65A0]  }
0x23e: {  	v21 =	vadd.f32 v20, v21;
	v22 =	vadd.f32 v27, v22;
	v40 =	vld [tilespmem:s25+$0x65B0]  }
0x23f: {  	v23 =	vadd.f32 v42, v23;
	v24 =	vadd.f32 v43, v24;
	v20 =	vld [tilespmem:s25+$0x65C0]  }
0x240: {  	v21 =	vadd.f32 v25, v21;
	v22 =	vadd.f32 v26, v22;
	v25 =	vld [tilespmem:s25+$0x65D0]  }
0x241: {  	v23 =	vadd.f32 v44, v23;
	v24 =	vadd.f32 v38, v24;
	v26 =	vld [tilespmem:s25+$0x6540]  }
0x242: {  	v21 =	vadd.f32 v28, v21;
	v22 =	vadd.f32 v29, v22;
	v27 =	vld [tilespmem:s25+$0x6550]  }
.Ltmp4:
0x243: {  	v23 =	vadd.f32 v39, v23;
	v28 =	vld [tilespmem:s25+$0x64C0];
	v24 =	vadd.f32 v40, v24;
	(pc) =	sbr.rel @p0 .LBB2_10-.Ltmp4, $4  }
0x244: {  	v21 =	vadd.f32 v30, v21;
	v22 =	vadd.f32 v31, v22;
	v29 =	vld [tilespmem:s25+$0x64D0]  }
0x245: {  	v23 =	vadd.f32 v36, v23;
	v30 =	vld [tilespmem:s25+$0x6440];
	v24 =	vadd.f32 v37, v24  }
0x246: {  	v21 =	vadd.f32 v32, v21;
	v22 =	vadd.f32 v33, v22;
	v31 =	vld [tilespmem:s25+$0x6450]  }
0x247: {  	s26 =	sadd.s32 $0x1000, s26;
	v23 =	vadd.f32 v34, v23;
	v32 =	vld [tilespmem:s25+$0x6460];
	v24 =	vadd.f32 v35, v24  }
0x248: {  	v14 =	vadd.f32 v14, v21;
	v16 =	vadd.f32 v16, v22  }
0x249: {  	v33 =	vld [tilespmem:s25+$0x6470];
	v13 =	vadd.f32 v13, v23;
	v15 =	vadd.f32 v15, v24  }
0x24a: {  	v21 =	vld [tilespmem:s25+$0x64E0];
	v6 =	vadd.f32 v6, v14;
	v7 =	vadd.f32 v7, v16  }
0x24b: {  	v22 =	vld [tilespmem:s25+$0x64F0];
	v12 =	vadd.f32 v30, v12;
	v8 =	vadd.f32 v8, v13  }
0x24c: {  	v14 =	vld [tilespmem:s25+$0x6560];
	v9 =	vadd.f32 v9, v15;
	v13 =	vadd.f32 v31, v19  }
0x24d: {  	v15 =	vld [tilespmem:s25+$0x6570];
	v16 =	vadd.f32 v32, v18;
	v12 =	vadd.f32 v28, v12  }
0x24e: {  	v18 =	vld [tilespmem:s25+$0x65E0];
	v17 =	vadd.f32 v33, v17;
	v13 =	vadd.f32 v29, v13  }
0x24f: {  	v19 =	vld [tilespmem:s25+$0x65F0];
	v16 =	vadd.f32 v21, v16;
	v12 =	vadd.f32 v26, v12  }
0x250: {  	v21 =	vld [tilespmem:s25+$0x6660];
	v17 =	vadd.f32 v22, v17;
	v13 =	vadd.f32 v27, v13  }
0x251: {  	v22 =	vld [tilespmem:s25+$0x6670];
	v14 =	vadd.f32 v14, v16;
	v12 =	vadd.f32 v20, v12  }
0x252: {  	v16 =	vld [tilespmem:s25+$0x66E0];
	v15 =	vadd.f32 v15, v17;
	v13 =	vadd.f32 v25, v13  }
0x253: {  	v17 =	vld [tilespmem:s25+$0x66F0];
	v14 =	vadd.f32 v18, v14;
	v10 =	vadd.f32 v10, v12  }
0x254: {  	v18 =	vld [tilespmem:s25+$0x6760];
	v12 =	vadd.f32 v19, v15;
	v11 =	vadd.f32 v11, v13  }
0x255: {  	v13 =	vld [tilespmem:s25+$0x6770];
	v14 =	vadd.f32 v21, v14;
	v4 =	vadd.f32 v4, v10  }
0x256: {  	v15 =	vld [tilespmem:s25+$0x67E0];
	v10 =	vadd.f32 v22, v12;
	v5 =	vadd.f32 v5, v11  }
0x257: {  	v11 =	vld [tilespmem:s25+$0x67F0];
	[tilespmem:$0x1CF00] =	vst v6;
	v12 =	vadd.f32 v16, v14;
	v3 =	vadd.f32 v3, v4  }
0x258: {  	[tilespmem:$0x1CF10] =	vst v7;
	v4 =	vadd.f32 v17, v10;
	v2 =	vadd.f32 v2, v5  }
0x259: {  	[tilespmem:$0x1CF20] =	vst v8;
	v5 =	vadd.f32 v18, v12;
	v0 =	vadd.f32 v0, v3  }
0x25a: {  	[tilespmem:$0x1CF30] =	vst v9;
	v3 =	vadd.f32 v13, v4;
	v1 =	vadd.f32 v1, v2  }
0x25b: {  	v2 =	vadd.f32 v15, v5;
	[tilespmem:$0x1CF40] =	vst v0  }
0x25c: {  	v0 =	vadd.f32 v11, v3;
	[tilespmem:$0x1CF50] =	vst v1  }
0x25d: {  	[tilespmem:$0x1CF60] =	vst v2  }
0x25e: {  	[tilespmem:$0x1CF70] =	vst v0  }
0x25f: {  	_ =	swait.ge [sflag:s21], $0x3400  }
0x260: {  	[sflag:s21] =	ssyncset.done $0x0  }
0x261: {  	[sflag:s21] =	ssyncadd.s32 $0xFFFFCC00  }
0x262: {  	_ =	swait.ge [sflag:s21], $0x3000  }
0x263: {  	[sflag:s21] =	ssyncset.done $0x0  }
0x264: {  	s25 =	simm.s32 $0x0;
	[sflag:s21] =	ssyncadd.s32 $0xFFFFD000  }
0x265: {  	v6 =	vld [tilespmem:s25+$0xCB80]  }
0x266: {  	v7 =	vld [tilespmem:s25+$0xCB90]  }
0x267: {  	v8 =	vld [tilespmem:s25+$0xCBA0]  }
0x268: {  	v9 =	vld [tilespmem:s25+$0xCBB0]  }
0x269: {  	v0 =	vld [tilespmem:s25+$0xCBC0]  }
0x26a: {  	v1 =	vld [tilespmem:s25+$0xCBD0]  }
0x26b: {  	v14 =	vld [tilespmem:s25+$0xCB00]  }
0x26c: {  	v16 =	vld [tilespmem:s25+$0xCB10]  }
0x26d: {  	v13 =	vld [tilespmem:s25+$0xCB20]  }
0x26e: {  	v15 =	vld [tilespmem:s25+$0xCB30]  }
0x26f: {  	v3 =	vld [tilespmem:s25+$0xCB40]  }
0x270: {  	v2 =	vld [tilespmem:s25+$0xCB50]  }
0x271: {  	v17 =	vld [tilespmem:s25+$0xCA80]  }
0x272: {  	v18 =	vld [tilespmem:s25+$0xCA90]  }
0x273: {  	v19 =	vld [tilespmem:s25+$0xCAA0]  }
0x274: {  	v24 =	vld [tilespmem:s25+$0xCAB0]  }
0x275: {  	v4 =	vld [tilespmem:s25+$0xCAC0]  }
0x276: {  	v5 =	vld [tilespmem:s25+$0xCAD0]  }
0x277: {  	v21 =	vld [tilespmem:s25+$0xCA00]  }
0x278: {  	v22 =	vld [tilespmem:s25+$0xCA10]  }
0x279: {  	v23 =	vld [tilespmem:s25+$0xCA20]  }
0x27a: {  	v30 =	vld [tilespmem:s25+$0xCA30]  }
0x27b: {  	v10 =	vld [tilespmem:s25+$0xCA40]  }
0x27c: {  	v27 =	vld [tilespmem:s25+$0xC980]  }
0x27d: {  	v28 =	vld [tilespmem:s25+$0xC990]  }
0x27e: {  	v25 =	vld [tilespmem:s25+$0xC900]  }
0x27f: {  	v26 =	vld [tilespmem:s25+$0xC910]  }
0x280: {  	v11 =	vld [tilespmem:s25+$0xC880]  }
0x281: {  	v20 =	vld [tilespmem:s25+$0xC890]  }
0x282: {  	v29 =	vld [tilespmem:s25+$0xC800]  }
0x283: {  	v31 =	vld [tilespmem:s25+$0xC810]  }
0x284: {  	v61 =	vld [tilespmem:s25+$0xC820]  }
0x285: {  	v62 =	vld [tilespmem:s25+$0xC830]  }
0x286: {  	v34 =	vld [tilespmem:s25+$0xC8A0]  }
0x287: {  	v35 =	vld [tilespmem:s25+$0xC8B0]  }
0x288: {  	v12 =	vimm.f32 $0.0e+00;
	v36 =	vld [tilespmem:s25+$0xC920]  }
0x289: {  	v37 =	vld [tilespmem:s25+$0xC930];
	v29 =	vadd.f32 v29, v12;
	v31 =	vadd.f32 v31, v12  }
0x28a: {  	v38 =	vld [tilespmem:s25+$0xC9A0];
	v32 =	vadd.f32 v61, v12;
	v33 =	vadd.f32 v62, v12  }
0x28b: {  	v39 =	vld [tilespmem:s25+$0xC9B0];
	v29 =	vadd.f32 v11, v29;
	v31 =	vadd.f32 v20, v31  }
0x28c: {  	v11 =	vld [tilespmem:s25+$0xCA50];
	v32 =	vadd.f32 v34, v32;
	v33 =	vadd.f32 v35, v33  }
0x28d: {  	v20 =	vld [tilespmem:s25+$0xC9C0];
	v29 =	vadd.f32 v25, v29;
	v31 =	vadd.f32 v26, v31  }
0x28e: {  	v25 =	vld [tilespmem:s25+$0xC9D0];
	v32 =	vadd.f32 v36, v32;
	v33 =	vadd.f32 v37, v33  }
0x28f: {  	v26 =	vld [tilespmem:s25+$0xC940];
	v29 =	vadd.f32 v27, v29;
	v31 =	vadd.f32 v28, v31  }
0x290: {  	v27 =	vld [tilespmem:s25+$0xC950];
	v32 =	vadd.f32 v38, v32;
	v33 =	vadd.f32 v39, v33  }
0x291: {  	v28 =	vld [tilespmem:s25+$0xC8C0];
	v21 =	vadd.f32 v21, v29;
	v22 =	vadd.f32 v22, v31  }
0x292: {  	v29 =	vld [tilespmem:s25+$0xC8D0];
	v23 =	vadd.f32 v23, v32;
	v63 =	vadd.f32 v30, v33  }
0x293: {  	v30 =	vld [tilespmem:s25+$0xC840];
	v21 =	vadd.f32 v17, v21;
	v22 =	vadd.f32 v18, v22  }
0x294: {  	v31 =	vld [tilespmem:s25+$0xC850];
	v23 =	vadd.f32 v19, v23;
	v24 =	vadd.f32 v24, v63  }
0x295: {  	s26 =	simm.s32 $0x1000;
	v32 =	vld [tilespmem:s25+$0xC860];
	v19 =	vimm.f32 $0.0e+00;
	v18 =	vimm.f32 $0.0e+00;
	v17 =	vimm.f32 $0.0e+00  }
.LBB2_12:
0x296: {  	p0 =	sne.s32 s26, $0x18000;
	v33 =	vld [tilespmem:s25+$0xC870];
	v14 =	vadd.f32 v14, v21;
	v16 =	vadd.f32 v16, v22  }
0x297: {  	v34 =	vld [tilespmem:s25+$0xC8E0];
	v13 =	vadd.f32 v13, v23;
	v15 =	vadd.f32 v15, v24  }
0x298: {  	v35 =	vld [tilespmem:s25+$0xC8F0];
	v21 =	vadd.f32 v6, v14;
	v22 =	vadd.f32 v7, v16  }
0x299: {  	v6 =	vld [tilespmem:s25+$0xC960];
	v23 =	vadd.f32 v8, v13;
	v24 =	vadd.f32 v9, v15  }
0x29a: {  	v7 =	vadd.f32 v30, v12;
	v8 =	vadd.f32 v31, v19;
	v9 =	vld [tilespmem:s25+$0xC970]  }
0x29b: {  	v12 =	vadd.f32 v32, v18;
	v13 =	vadd.f32 v33, v17;
	v14 =	vld [tilespmem:s25+$0xC9E0]  }
0x29c: {  	v7 =	vadd.f32 v28, v7;
	v8 =	vadd.f32 v29, v8;
	v15 =	vld [tilespmem:s25+$0xC9F0]  }
0x29d: {  	v12 =	vadd.f32 v34, v12;
	v13 =	vadd.f32 v35, v13;
	v16 =	vld [tilespmem:s25+$0xCA60]  }
0x29e: {  	v7 =	vadd.f32 v26, v7;
	v8 =	vadd.f32 v27, v8;
	v17 =	vld [tilespmem:s25+$0xCA70]  }
0x29f: {  	v6 =	vadd.f32 v6, v12;
	v9 =	vadd.f32 v9, v13;
	v12 =	vld [tilespmem:s25+$0xCAE0]  }
0x2a0: {  	v7 =	vadd.f32 v20, v7;
	v8 =	vadd.f32 v25, v8;
	v13 =	vld [tilespmem:s25+$0xCAF0]  }
0x2a1: {  	v6 =	vadd.f32 v14, v6;
	v9 =	vadd.f32 v15, v9;
	v14 =	vld [tilespmem:s25+$0xCB60]  }
0x2a2: {  	v7 =	vadd.f32 v10, v7;
	v8 =	vadd.f32 v11, v8;
	v10 =	vld [tilespmem:s25+$0xCB70]  }
0x2a3: {  	v11 =	vadd.f32 v16, v6;
	v9 =	vadd.f32 v17, v9;
	v15 =	vld [tilespmem:s25+$0xCBE0]  }
0x2a4: {  	v4 =	vadd.f32 v4, v7;
	v5 =	vadd.f32 v5, v8;
	v16 =	vld [tilespmem:s25+$0xCBF0];
	s25 =	sshra.s32 s26, $0x2  }
0x2a5: {  	v11 =	vadd.f32 v12, v11;
	v6 =	vld [tilespmem:s25+$0xCB80];
	v9 =	vadd.f32 v13, v9  }
0x2a6: {  	v3 =	vadd.f32 v3, v4;
	v2 =	vadd.f32 v2, v5;
	v7 =	vld [tilespmem:s25+$0xCB90]  }
0x2a7: {  	v4 =	vadd.f32 v14, v11;
	v8 =	vld [tilespmem:s25+$0xCBA0];
	v5 =	vadd.f32 v10, v9  }
0x2a8: {  	v12 =	vadd.f32 v0, v3;
	v19 =	vadd.f32 v1, v2;
	v9 =	vld [tilespmem:s25+$0xCBB0]  }
0x2a9: {  	v18 =	vadd.f32 v15, v4;
	v0 =	vld [tilespmem:s25+$0xCBC0];
	v17 =	vadd.f32 v16, v5  }
0x2aa: {  	v1 =	vld [tilespmem:s25+$0xCBD0]  }
0x2ab: {  	v14 =	vld [tilespmem:s25+$0xCB00]  }
0x2ac: {  	v16 =	vld [tilespmem:s25+$0xCB10]  }
0x2ad: {  	v13 =	vld [tilespmem:s25+$0xCB20]  }
0x2ae: {  	v15 =	vld [tilespmem:s25+$0xCB30]  }
0x2af: {  	v3 =	vld [tilespmem:s25+$0xCB40]  }
0x2b0: {  	v2 =	vld [tilespmem:s25+$0xCB50]  }
0x2b1: {  	v32 =	vld [tilespmem:s25+$0xCA80]  }
0x2b2: {  	v33 =	vld [tilespmem:s25+$0xCA90]  }
0x2b3: {  	v34 =	vld [tilespmem:s25+$0xCAA0]  }
0x2b4: {  	v35 =	vld [tilespmem:s25+$0xCAB0]  }
0x2b5: {  	v4 =	vld [tilespmem:s25+$0xCAC0]  }
0x2b6: {  	v5 =	vld [tilespmem:s25+$0xCAD0]  }
0x2b7: {  	v30 =	vld [tilespmem:s25+$0xCA00]  }
0x2b8: {  	v31 =	vld [tilespmem:s25+$0xCA10]  }
0x2b9: {  	v36 =	vld [tilespmem:s25+$0xCA20]  }
0x2ba: {  	v37 =	vld [tilespmem:s25+$0xCA30]  }
0x2bb: {  	v10 =	vld [tilespmem:s25+$0xCA40]  }
0x2bc: {  	v11 =	vld [tilespmem:s25+$0xCA50]  }
0x2bd: {  	v28 =	vld [tilespmem:s25+$0xC980]  }
0x2be: {  	v29 =	vld [tilespmem:s25+$0xC990]  }
0x2bf: {  	v25 =	vld [tilespmem:s25+$0xC900]  }
0x2c0: {  	v26 =	vld [tilespmem:s25+$0xC910]  }
0x2c1: {  	v20 =	vld [tilespmem:s25+$0xC880]  }
0x2c2: {  	v27 =	vld [tilespmem:s25+$0xC890]  }
0x2c3: {  	v38 =	vld [tilespmem:s25+$0xC800]  }
0x2c4: {  	v39 =	vld [tilespmem:s25+$0xC810]  }
0x2c5: {  	v40 =	vld [tilespmem:s25+$0xC820]  }
0x2c6: {  	v41 =	vld [tilespmem:s25+$0xC830]  }
0x2c7: {  	v42 =	vld [tilespmem:s25+$0xC8A0]  }
0x2c8: {  	v43 =	vld [tilespmem:s25+$0xC8B0]  }
0x2c9: {  	v44 =	vld [tilespmem:s25+$0xC920]  }
0x2ca: {  	v21 =	vadd.f32 v38, v21;
	v22 =	vadd.f32 v39, v22;
	v38 =	vld [tilespmem:s25+$0xC930]  }
0x2cb: {  	v23 =	vadd.f32 v40, v23;
	v24 =	vadd.f32 v41, v24;
	v39 =	vld [tilespmem:s25+$0xC9A0]  }
0x2cc: {  	v21 =	vadd.f32 v20, v21;
	v22 =	vadd.f32 v27, v22;
	v40 =	vld [tilespmem:s25+$0xC9B0]  }
0x2cd: {  	v23 =	vadd.f32 v42, v23;
	v24 =	vadd.f32 v43, v24;
	v20 =	vld [tilespmem:s25+$0xC9C0]  }
0x2ce: {  	v21 =	vadd.f32 v25, v21;
	v22 =	vadd.f32 v26, v22;
	v25 =	vld [tilespmem:s25+$0xC9D0]  }
0x2cf: {  	v23 =	vadd.f32 v44, v23;
	v24 =	vadd.f32 v38, v24;
	v26 =	vld [tilespmem:s25+$0xC940]  }
0x2d0: {  	v21 =	vadd.f32 v28, v21;
	v22 =	vadd.f32 v29, v22;
	v27 =	vld [tilespmem:s25+$0xC950]  }
.Ltmp5:
0x2d1: {  	v23 =	vadd.f32 v39, v23;
	v28 =	vld [tilespmem:s25+$0xC8C0];
	v24 =	vadd.f32 v40, v24;
	(pc) =	sbr.rel @p0 .LBB2_12-.Ltmp5, $4  }
0x2d2: {  	v21 =	vadd.f32 v30, v21;
	v22 =	vadd.f32 v31, v22;
	v29 =	vld [tilespmem:s25+$0xC8D0]  }
0x2d3: {  	v23 =	vadd.f32 v36, v23;
	v30 =	vld [tilespmem:s25+$0xC840];
	v24 =	vadd.f32 v37, v24  }
0x2d4: {  	v21 =	vadd.f32 v32, v21;
	v22 =	vadd.f32 v33, v22;
	v31 =	vld [tilespmem:s25+$0xC850]  }
0x2d5: {  	s26 =	sadd.s32 $0x1000, s26;
	v23 =	vadd.f32 v34, v23;
	v32 =	vld [tilespmem:s25+$0xC860];
	v24 =	vadd.f32 v35, v24  }
0x2d6: {  	v14 =	vadd.f32 v14, v21;
	v16 =	vadd.f32 v16, v22  }
0x2d7: {  	v33 =	vld [tilespmem:s25+$0xC870];
	v13 =	vadd.f32 v13, v23;
	v15 =	vadd.f32 v15, v24  }
0x2d8: {  	v40 =	vld [tilespmem:s25+$0xC8E0];
	v6 =	vadd.f32 v6, v14;
	v7 =	vadd.f32 v7, v16  }
0x2d9: {  	v41 =	vld [tilespmem:s25+$0xC8F0];
	v12 =	vadd.f32 v30, v12;
	v8 =	vadd.f32 v8, v13  }
0x2da: {  	v42 =	vld [tilespmem:s25+$0xC960];
	v9 =	vadd.f32 v9, v15;
	v43 =	vadd.f32 v31, v19  }
0x2db: {  	v44 =	vld [tilespmem:s25+$0xC970];
	v45 =	vadd.f32 v32, v18;
	v12 =	vadd.f32 v28, v12  }
0x2dc: {  	v46 =	vld [tilespmem:s25+$0xC9E0];
	v17 =	vadd.f32 v33, v17;
	v13 =	vadd.f32 v29, v43  }
0x2dd: {  	v47 =	vld [tilespmem:s25+$0xC9F0];
	v16 =	vadd.f32 v40, v45;
	v12 =	vadd.f32 v26, v12  }
0x2de: {  	v48 =	vld [tilespmem:s25+$0xCA60];
	v17 =	vadd.f32 v41, v17;
	v13 =	vadd.f32 v27, v13  }
0x2df: {  	v49 =	vld [tilespmem:s25+$0xCA70];
	v14 =	vadd.f32 v42, v16;
	v12 =	vadd.f32 v20, v12  }
0x2e0: {  	v50 =	vld [tilespmem:s25+$0xCAE0];
	v15 =	vadd.f32 v44, v17;
	v13 =	vadd.f32 v25, v13  }
0x2e1: {  	v51 =	vld [tilespmem:s25+$0xCAF0];
	v14 =	vadd.f32 v46, v14;
	v10 =	vadd.f32 v10, v12  }
0x2e2: {  	v52 =	vld [tilespmem:s25+$0xCB60];
	v53 =	vadd.f32 v47, v15;
	v11 =	vadd.f32 v11, v13  }
0x2e3: {  	v54 =	vld [tilespmem:s25+$0xCB70];
	v14 =	vadd.f32 v48, v14;
	v4 =	vadd.f32 v4, v10  }
0x2e4: {  	v55 =	vld [tilespmem:s25+$0xCBE0];
	v56 =	vadd.f32 v49, v53;
	v5 =	vadd.f32 v5, v11  }
0x2e5: {  	v57 =	vld [tilespmem:s25+$0xCBF0];
	[tilespmem:$0x1CF80] =	vst v6;
	v58 =	vadd.f32 v50, v14;
	v3 =	vadd.f32 v3, v4  }
0x2e6: {  	[tilespmem:$0x1CF90] =	vst v7;
	v59 =	vadd.f32 v51, v56;
	v2 =	vadd.f32 v2, v5  }
0x2e7: {  	[tilespmem:$0x1CFA0] =	vst v8;
	v60 =	vadd.f32 v52, v58;
	v0 =	vadd.f32 v0, v3  }
0x2e8: {  	[tilespmem:$0x1CFB0] =	vst v9;
	v61 =	vadd.f32 v54, v59;
	v1 =	vadd.f32 v1, v2  }
0x2e9: {  	v62 =	vadd.f32 v55, v60;
	[tilespmem:$0x1CFC0] =	vst v0  }
0x2ea: {  	v63 =	vadd.f32 v57, v61;
	[tilespmem:$0x1CFD0] =	vst v1  }
0x2eb: {  	[tilespmem:$0x1CFE0] =	vst v62  }
0x2ec: {  	[tilespmem:$0x1CFF0] =	vst v63  }
0x2ed: {  	_ =	swait.ge [sflag:s22], $0x3400  }
0x2ee: {  	[sflag:s22] =	ssyncset.done $0x0  }
0x2ef: {  	[sflag:s22] =	ssyncadd.s32 $0xFFFFCC00  }
0x2f0: {  	s24 =	sadd.s32 $0x1, s24;
	_ =	swait.ge [sflag:s22], $0x3000  }
0x2f1: {  	p0 =	sne.s32 s24, s6;
	[sflag:s22] =	ssyncset.done $0x0  }
.Ltmp6:
0x2f2: {  	[sflag:s22] =	ssyncadd.s32 $0xFFFFD000;
	(pc) =	sbr.rel @p0 .LBB2_1-.Ltmp6, $4  }
0x2f3: {  	[hbm4b:s5+s3] =	stream.linear.scatter [tilespmem:s23], [sflag:$0x4], $0x4000, $0x38;
	[tilespmem:$0x1D000] =	vst v63  }
0x2f4: {  	_ =	swait.ge [sflag:s7], $0x4000  }
0x2f5: {  	[sflag:s7] =	ssyncset.done $0x0  }
0x2f6: {  	[sflag:s7] =	ssyncadd.s32 $0xFFFFC000  }
0x2f7: {  	_ =	sfence.sel $0x180000  }
0x2f8: {  	[bflag:$0x0] =	sbarrier.arrive $0xFFFF  }
0x2f9: {  	p0 =	sne.s32 s0, $0x0;
	_ =	strace $0x90000047  }
0x2fa: {  	s0 =	sadd.s32 @!p0 $0x100000, s1;
	[bflag:$0x2] =	sbarrier.arrive $0xFFFF  }
0x2fb: {  	[sflag:s0] =	ssyncadd.tile.s32 @!p0 $0x1;
	_ =	shalt  }
.Lfunc_end2:
_tile_overlayer_lowered:
.L_overlay_start_2:
0x2fc: {  	(tag) =	ssettag $0x2  }
0x2fd: {  	s0 =	rddreg [dreg:$0x0];
	s2 =	stileid.u32  }
0x2fe: {  	s1 =	rddreg [dreg:$0x1];
	p0 =	sne.s32 s2, $0x0  }
0x2ff: {  	s3 =	rddreg [dreg:$0x2];
	[bflag:$0x3] =	sbarrier.arrive $0xFFFF;
	s2 =	simm.s32 @!p0 $0x1C04  }
0x300: {  	[timem:s3], [sflag:s2] =	dma.local @!p0 [hbm:s0], s1  }
0x301: {  	s0 =	simm.s32 @!p0 $0x4  }
0x302: {  	_ =	swait.ge @!p0 [sflag:s0], s1  }
0x303: {  	s1 =	ssub.s32 @!p0 $0x0, s1;
	[sflag:s0] =	ssyncset.done @!p0 $0x0  }
0x304: {  	[sflag:s0] =	ssyncadd.s32 @!p0 s1  }
0x305: {  	[bflag:$0x3] =	sbarrier.arrive $0xFFFF  }
0x306: {  	_ =	shalt  }

</sc_bundles>
